<compile_context>
chip_gen: v7x
topology: tpu7x:2x2x1
jax: 0.10.2.dev20260603
libtpu: 0.0.44.dev20260713+nightly
codegen_flags: <defaults>
</compile_context>

<pallas_src>
import functools

import jax
import jax.numpy as jnp
from jax import lax
from jax.experimental import pallas as pl
from jax.experimental.pallas import tpu as pltpu
from jax.experimental.pallas import tpu_sc as plsc

E = 160000
D = 128
R = 256
T = E // R
K = 128
SK = 256
SKP = SK + 16
NC = 2
NS = 16
NW = NC * NS
BP = ((T + 1 + 16 + 7) // 8) * 8


def _spmm_sc(cols, vals, rows, h0, bounds, w0, nwin):
    nnz = cols.shape[0]
    mesh = plsc.VectorSubcoreMesh(core_axis_name="c", subcore_axis_name="s")

    @functools.partial(
        pl.kernel,
        out_type=jax.ShapeDtypeStruct((nwin * R, D), jnp.float32),
        mesh=mesh,
        scratch_types=[
            pltpu.VMEM((BP,), jnp.int32),
            pltpu.VMEM((2 * SK,), jnp.int32),
            pltpu.VMEM((2 * SKP,), jnp.float32),
            pltpu.VMEM((2 * SKP,), jnp.int32),
            pltpu.VMEM((2 * SK, D), jnp.float32),
            pltpu.VMEM((R, D), jnp.float32),
            pltpu.SemaphoreType.DMA,
            pltpu.SemaphoreType.DMA,
        ],
    )
    def spmm(cols_hbm, vals_hbm, rows_hbm, h0_hbm, bounds_hbm, out_hbm,
             p_v, idx_v, vals_v, rows_v, gath_v, acc_v, semi, semg):
        wid = lax.axis_index("s") * NC + lax.axis_index("c")
        pltpu.sync_copy(bounds_hbm, p_v)

        def scb_of(sa, m):
            return jnp.minimum(sa + m * SK, nnz - SK)

        def fire_idx(sa, m):
            par = lax.rem(m, 2)
            scb = scb_of(sa, m)
            pltpu.async_copy(cols_hbm.at[pl.ds(scb, SK)],
                             idx_v.at[pl.ds(par * SK, SK)], semi)
            pltpu.async_copy(vals_hbm.at[pl.ds(scb, SK)],
                             vals_v.at[pl.ds(par * SKP, SK)], semi)
            pltpu.async_copy(rows_hbm.at[pl.ds(scb, SK)],
                             rows_v.at[pl.ds(par * SKP, SK)], semi)

        def wait_idx(sa, m):
            par = lax.rem(m, 2)
            scb = scb_of(sa, m)
            pltpu.make_async_copy(cols_hbm.at[pl.ds(scb, SK)],
                                  idx_v.at[pl.ds(par * SK, SK)], semi).wait()
            pltpu.make_async_copy(vals_hbm.at[pl.ds(scb, SK)],
                                  vals_v.at[pl.ds(par * SKP, SK)], semi).wait()
            pltpu.make_async_copy(rows_hbm.at[pl.ds(scb, SK)],
                                  rows_v.at[pl.ds(par * SKP, SK)], semi).wait()

        def fire_gather(m):
            par = lax.rem(m, 2)
            for f in range(SK // K):
                pltpu.async_copy(
                    h0_hbm.at[idx_v.at[pl.ds(par * SK + f * K, K)]],
                    gath_v.at[pl.ds(par * SK + f * K, K), :], semg)

        def wait_gather(m):
            par = lax.rem(m, 2)
            for f in range(SK // K):
                pltpu.make_async_copy(
                    h0_hbm.at[idx_v.at[pl.ds(par * SK + f * K, K)]],
                    gath_v.at[pl.ds(par * SK + f * K, K), :], semg).wait()

        def do_window(t):
            pv = p_v[pl.ds(t, 16)]
            s = pv[0]
            e = pv[1]
            base = t * R

            def zero_body(i, _):
                for q in range(D // 16):
                    acc_v[i, pl.ds(q * 16, 16)] = jnp.zeros((16,), jnp.float32)
                return 0
            lax.fori_loop(0, R, zero_body, 0)

            sa = (s // 8) * 8
            nsc = (e - sa + SK - 1) // SK

            @pl.when(nsc > 0)
            def _prologue():
                fire_idx(sa, 0)
                wait_idx(sa, 0)
                fire_gather(0)

            def sc_body(m, done):
                par = lax.rem(m, 2)
                scb = scb_of(sa, m)

                @pl.when(m + 1 < nsc)
                def _():
                    fire_idx(sa, m + 1)
                wait_gather(m)

                @pl.when(m + 1 < nsc)
                def _():
                    wait_idx(sa, m + 1)
                    fire_gather(m + 1)

                jlo = jnp.maximum(done, scb) - scb
                jhi = jnp.minimum(e, scb + SK) - scb
                goff = par * SK
                voff = par * SKP

                @plsc.parallel_loop(jlo, jhi, unroll=4)
                def _nnz_loop(j):
                    lr = rows_v[pl.ds(voff + j, 16)][0] - base
                    val = vals_v[pl.ds(voff + j, 16)][0]
                    gs = [gath_v[goff + j, pl.ds(q * 16, 16)]
                          for q in range(D // 16)]
                    for q in range(D // 16):
                        plsc.addupdate(acc_v.at[lr, pl.ds(q * 16, 16)],
                                       gs[q] * val)
                return jnp.minimum(e, scb + SK)

            lax.fori_loop(0, nsc, sc_body, s)
            pltpu.sync_copy(acc_v, out_hbm.at[pl.ds((t - w0) * R, R), :])

        def win_body(k, _):
            do_window(w0 + wid + k * NW)
            return 0
        lax.fori_loop(0, (nwin - wid + NW - 1) // NW, win_body, 0)

    return spmm(cols, vals, rows, h0, bounds)


def _linear_tc(ws, h0, W, b2, row0, nrows):
    BE = 4000

    def body(ws_ref, h0_ref, w_ref, b_ref, o_ref):
        x = lax.dot_general(ws_ref[...].astype(jnp.bfloat16),
                            w_ref[...].astype(jnp.bfloat16),
                            (((1,), (1,)), ((), ())),
                            preferred_element_type=jnp.float32)
        o_ref[...] = jnp.maximum(h0_ref[...] + x + b_ref[...], 0.0)

    return pl.pallas_call(
        body,
        grid=(nrows // BE,),
        in_specs=[
            pl.BlockSpec((BE, D), lambda i: (i, 0)),
            pl.BlockSpec((BE, D), lambda i: (i, 0)),
            pl.BlockSpec((D, D), lambda i: (0, 0)),
            pl.BlockSpec((1, D), lambda i: (0, 0)),
        ],
        out_specs=pl.BlockSpec((BE, D), lambda i: (i, 0)),
        out_shape=jax.ShapeDtypeStruct((nrows, D), jnp.float32),
    )(ws, h0, W, b2)


def kernel(h0, sp_rows, sp_cols, sp_values, W, b):
    rows = sp_rows.astype(jnp.int32)
    cols = sp_cols.astype(jnp.int32)
    counts = jnp.zeros((T,), jnp.int32).at[rows // R].add(
        1, indices_are_sorted=True, mode="drop")
    bounds = jnp.concatenate([jnp.zeros((1,), jnp.int32),
                              jnp.cumsum(counts, dtype=jnp.int32)])
    bounds = jnp.pad(bounds, (0, BP - (T + 1)))
    ws = _spmm_sc(cols, sp_values, rows, h0, bounds, 0, T)
    return _linear_tc(ws, h0, W, b.reshape(1, D), 0, E)

# --- scband reference (transcript-rebuilt; emitter-appended) ---
"""Pipeline reference for scband-vec-scratch-mp-layer-30107720745232 (READ-ONLY COPY).

The authoritative reference and input builder live on the scoring server;
editing this copy changes nothing except your own understanding.
"""

import jax, jax.numpy as jnp
import numpy as np

E = 160000
D = 128
NNZ = 2560000


def setup_inputs(seed: int = 0) -> dict:
    key = jax.random.key(seed)
    k1, k2, k3, k4, k5 = jax.random.split(key, 5)
    h0 = jax.random.normal(k1, (E, D), dtype=jnp.float32)
    # sparse [E, E] dest_is_origin matrix in COO form; rows sorted for segment_sum
    sp_rows = jnp.sort(jax.random.randint(k2, (NNZ,), 0, E, dtype=jnp.int64))
    sp_cols = jax.random.randint(k3, (NNZ,), 0, E, dtype=jnp.int64)
    sp_values = jax.random.uniform(k4, (NNZ,), dtype=jnp.float32)
    # Linear(in_channels=128, out_channels=128) parameters
    W = jax.random.normal(k5, (D, D), dtype=jnp.float32) * (1.0 / np.sqrt(D))
    b = jnp.zeros((D,), dtype=jnp.float32)
    return {"h0": h0, "sp_rows": sp_rows, "sp_cols": sp_cols, "sp_values": sp_values, "W": W, "b": b}


def reference(h0, sp_rows, sp_cols, sp_values, W, b):
    # weighted_sum = torch.sparse.mm(dest_is_origin_matrix, h0)
    gathered = h0[sp_cols] * sp_values[:, None]
    weighted_sum = jax.ops.segment_sum(gathered, sp_rows, num_segments=E)
    # x = self.lin(weighted_sum)
    x = weighted_sum @ W.T + b
    # h_next = relu(h0 + x)
    h_next = jax.nn.relu(h0 + x)
    return h_next

if __name__ == "__main__":
    import jax
    _d = setup_inputs()
    print(jax.jit(kernel)(*tuple(_d.values())))

</pallas_src>

<mosaic_0001>
#map = affine_map<(d0, d1) -> (0)>
#map1 = affine_map<(d0, d1) -> (0, 0)>
module attributes {stable_mosaic.version = 14 : i64} {
  func.func @spmm(%arg0: i32, %arg1: i32, %arg2: memref<2560000xi32, #tpu.memory_space<hbm>>, %arg3: memref<2560000xf32, #tpu.memory_space<hbm>>, %arg4: memref<2560000xi32, #tpu.memory_space<hbm>>, %arg5: memref<160000x128xf32, #tpu.memory_space<hbm>>, %arg6: memref<648xi32, #tpu.memory_space<hbm>>, %arg7: memref<160000x128xf32, #tpu.memory_space<hbm>>, %arg8: memref<648xi32, #tpu.memory_space<vmem>>, %arg9: memref<512xi32, #tpu.memory_space<vmem>>, %arg10: memref<544xf32, #tpu.memory_space<vmem>>, %arg11: memref<544xi32, #tpu.memory_space<vmem>>, %arg12: memref<512x128xf32, #tpu.memory_space<vmem>>, %arg13: memref<256x128xf32, #tpu.memory_space<vmem>>, %arg14: memref<!tpu.dma_semaphore, #tpu.memory_space<semaphore_mem>>, %arg15: memref<!tpu.dma_semaphore, #tpu.memory_space<semaphore_mem>>) attributes {dimension_semantics = [#tpu.dimension_semantics<core_parallel>, #tpu.dimension_semantics<subcore_parallel>], iteration_bounds = array<i64: 2, 16>, scalar_prefetch = 0 : i64, scratch_operands = 8 : i64, tpu.core_type = #tpu.core_type<sc_vector_subcore>, window_params = [{transform_indices = #map}, {transform_indices = #map}, {transform_indices = #map}, {transform_indices = #map1}, {transform_indices = #map}, {transform_indices = #map1}]} {
    %mul3A = arith.constant 2 : i32
    %mul3A_0 = arith.muli %arg1, %mul3A : i32
    %add3A = arith.addi %mul3A_0, %arg0 : i32
    "tpu.region"() ({
      %run_scoped3A = tpu.sem_alloc : memref<!tpu.dma_semaphore, #tpu.memory_space<semaphore_mem>>
      tpu.enqueue_dma source(%arg6 : memref<648xi32, #tpu.memory_space<hbm>>) target(%arg8 : memref<648xi32, #tpu.memory_space<vmem>>) target_semaphore(%run_scoped3A : memref<!tpu.dma_semaphore, #tpu.memory_space<semaphore_mem>>)
      tpu.wait_dma2 semaphore(%run_scoped3A : memref<!tpu.dma_semaphore, #tpu.memory_space<semaphore_mem>>) src(%arg6 : memref<648xi32, #tpu.memory_space<hbm>>) dst(%arg8 : memref<648xi32, #tpu.memory_space<vmem>>)
      tpu.yield
    }) : () -> ()
    %sub3A = arith.constant 625 : i32
    %sub3A_1 = arith.subi %sub3A, %add3A : i32
    %add3A_2 = arith.constant 32 : i32
    %add3A_3 = arith.addi %sub3A_1, %add3A_2 : i32
    %sub3A_4 = arith.constant 1 : i32
    %sub3A_5 = arith.subi %add3A_3, %sub3A_4 : i32
    %jit3A = arith.constant 32 : i32
    %div3A = arith.divsi %sub3A_5, %jit3A : i32
    %sign3A = arith.constant 0 : i32
    %sign3A_6 = arith.cmpi sgt, %sub3A_5, %sign3A : i32
    %sign3A_7 = arith.extui %sign3A_6 : i1 to i32
    %sign3A_8 = arith.constant 0 : i32
    %sign3A_9 = arith.cmpi slt, %sub3A_5, %sign3A_8 : i32
    %sign3A_10 = arith.extui %sign3A_9 : i1 to i32
    %sign3A_11 = arith.subi %sign3A_7, %sign3A_10 : i32
    %sign3A_12 = arith.constant 0 : i32
    %sign3A_13 = arith.cmpi sgt, %jit3A, %sign3A_12 : i32
    %sign3A_14 = arith.extui %sign3A_13 : i1 to i32
    %sign3A_15 = arith.constant 0 : i32
    %sign3A_16 = arith.cmpi slt, %jit3A, %sign3A_15 : i32
    %sign3A_17 = arith.extui %sign3A_16 : i1 to i32
    %sign3A_18 = arith.subi %sign3A_14, %sign3A_17 : i32
    %ne3A = arith.cmpi ne, %sign3A_11, %sign3A_18 : i32
    %rem3A = arith.remsi %sub3A_5, %jit3A : i32
    %ne3A_19 = arith.constant 0 : i32
    %ne3A_20 = arith.cmpi ne, %rem3A, %ne3A_19 : i32
    %and3A = arith.andi %ne3A, %ne3A_20 : i1
    %sub3A_21 = arith.constant 1 : i32
    %sub3A_22 = arith.subi %div3A, %sub3A_21 : i32
    %select_n3A = arith.select %and3A, %sub3A_22, %div3A : i32
    %while3A = arith.constant 0 : i32
    %while3A_23 = arith.constant 0 : i32
    %while3A_24 = arith.subi %select_n3A, %while3A : i32
    %while3A_25 = arith.addi %while3A, %while3A_24 : i32
    %while3A_26 = arith.constant 1 : i32
    %while3A_27 = arith.divsi %while3A_24, %while3A_26 : i32
    %while3A_28 = arith.muli %while3A_27, %while3A_26 : i32
    %while3A_29 = arith.addi %while3A, %while3A_28 : i32
    %while3A_30 = arith.constant 1 : i32
    %while3A_31 = scf.for %while3A_34 = %while3A to %while3A_29 step %while3A_30 iter_args(%while3A_35 = %while3A_23) -> (i32)  : i32 {
      %add3A_36 = arith.constant 0 : i32
      %add3A_37 = arith.addi %add3A_36, %add3A : i32
      %mul3A_38 = arith.constant 32 : i32
      %mul3A_39 = arith.muli %while3A_34, %mul3A_38 : i32
      %add3A_40 = arith.addi %add3A_37, %mul3A_39 : i32
      %get3A = arith.index_cast %add3A_40 : i32 to index
      %get3A_41 = tpu.vector_load %arg8[%get3A] {strides = array<i32>} : memref<648xi32, #tpu.memory_space<vmem>>, vector<16xi32>,
      %get3A_42 = vector.shape_cast %get3A_41 : vector<16xi32> to vector<16xi32>
      %slice3A = vector.extract_strided_slice %get3A_42 {offsets = [0], sizes = [1], strides = [1]} : vector<16xi32> to vector<1xi32>
      %squeeze3A = vector.extract %slice3A[0] : i32 from vector<1xi32>
      %slice3A_43 = vector.extract_strided_slice %get3A_42 {offsets = [1], sizes = [1], strides = [1]} : vector<16xi32> to vector<1xi32>
      %squeeze3A_44 = vector.extract %slice3A_43[0] : i32 from vector<1xi32>
      %mul3A_45 = arith.constant 256 : i32
      %mul3A_46 = arith.muli %add3A_40, %mul3A_45 : i32
      %scan3A = arith.constant 0 : i32
      %scan3A_47 = arith.constant 0 : i32
      %scan3A_48 = arith.constant 256 : i32
      %scan3A_49 = arith.addi %scan3A_47, %scan3A_48 : i32
      %scan3A_50 = arith.constant 1 : i32
      %scan3A_51 = scf.for %scan3A_126 = %scan3A_47 to %scan3A_49 step %scan3A_50 iter_args(%scan3A_127 = %scan3A) -> (i32)  : i32 {
        %broadcast_in_dim3A = arith.constant 0.000000e+00 : f32
        %broadcast_in_dim3A_128 = vector.broadcast %broadcast_in_dim3A : f32 to vector<16xf32>
        %swap3A = arith.index_cast %scan3A_126 : i32 to index
        %swap3A_129 = arith.constant 0 : index
        %swap3A_130 = tpu.vector_load %arg13[%swap3A, %swap3A_129] {strides = array<i32>} : memref<256x128xf32, #tpu.memory_space<vmem>>, vector<1x16xf32>,
        %swap3A_131 = vector.shape_cast %swap3A_130 : vector<1x16xf32> to vector<16xf32>
        %swap3A_132 = vector.shape_cast %broadcast_in_dim3A_128 : vector<16xf32> to vector<1x16xf32>
        tpu.vector_store %arg13[%swap3A, %swap3A_129], %swap3A_132 {strides = array<i32>} : memref<256x128xf32, #tpu.memory_space<vmem>>, vector<1x16xf32>,
        %broadcast_in_dim3A_133 = arith.constant 0.000000e+00 : f32
        %broadcast_in_dim3A_134 = vector.broadcast %broadcast_in_dim3A_133 : f32 to vector<16xf32>
        %swap3A_135 = arith.index_cast %scan3A_126 : i32 to index
        %swap3A_136 = arith.constant 16 : index
        %swap3A_137 = tpu.vector_load %arg13[%swap3A_135, %swap3A_136] {strides = array<i32>} : memref<256x128xf32, #tpu.memory_space<vmem>>, vector<1x16xf32>,
        %swap3A_138 = vector.shape_cast %swap3A_137 : vector<1x16xf32> to vector<16xf32>
        %swap3A_139 = vector.shape_cast %broadcast_in_dim3A_134 : vector<16xf32> to vector<1x16xf32>
        tpu.vector_store %arg13[%swap3A_135, %swap3A_136], %swap3A_139 {strides = array<i32>} : memref<256x128xf32, #tpu.memory_space<vmem>>, vector<1x16xf32>,
        %broadcast_in_dim3A_140 = arith.constant 0.000000e+00 : f32
        %broadcast_in_dim3A_141 = vector.broadcast %broadcast_in_dim3A_140 : f32 to vector<16xf32>
        %swap3A_142 = arith.index_cast %scan3A_126 : i32 to index
        %swap3A_143 = arith.constant 32 : index
        %swap3A_144 = tpu.vector_load %arg13[%swap3A_142, %swap3A_143] {strides = array<i32>} : memref<256x128xf32, #tpu.memory_space<vmem>>, vector<1x16xf32>,
        %swap3A_145 = vector.shape_cast %swap3A_144 : vector<1x16xf32> to vector<16xf32>
        %swap3A_146 = vector.shape_cast %broadcast_in_dim3A_141 : vector<16xf32> to vector<1x16xf32>
        tpu.vector_store %arg13[%swap3A_142, %swap3A_143], %swap3A_146 {strides = array<i32>} : memref<256x128xf32, #tpu.memory_space<vmem>>, vector<1x16xf32>,
        %broadcast_in_dim3A_147 = arith.constant 0.000000e+00 : f32
        %broadcast_in_dim3A_148 = vector.broadcast %broadcast_in_dim3A_147 : f32 to vector<16xf32>
        %swap3A_149 = arith.index_cast %scan3A_126 : i32 to index
        %swap3A_150 = arith.constant 48 : index
        %swap3A_151 = tpu.vector_load %arg13[%swap3A_149, %swap3A_150] {strides = array<i32>} : memref<256x128xf32, #tpu.memory_space<vmem>>, vector<1x16xf32>,
        %swap3A_152 = vector.shape_cast %swap3A_151 : vector<1x16xf32> to vector<16xf32>
        %swap3A_153 = vector.shape_cast %broadcast_in_dim3A_148 : vector<16xf32> to vector<1x16xf32>
        tpu.vector_store %arg13[%swap3A_149, %swap3A_150], %swap3A_153 {strides = array<i32>} : memref<256x128xf32, #tpu.memory_space<vmem>>, vector<1x16xf32>,
        %broadcast_in_dim3A_154 = arith.constant 0.000000e+00 : f32
        %broadcast_in_dim3A_155 = vector.broadcast %broadcast_in_dim3A_154 : f32 to vector<16xf32>
        %swap3A_156 = arith.index_cast %scan3A_126 : i32 to index
        %swap3A_157 = arith.constant 64 : index
        %swap3A_158 = tpu.vector_load %arg13[%swap3A_156, %swap3A_157] {strides = array<i32>} : memref<256x128xf32, #tpu.memory_space<vmem>>, vector<1x16xf32>,
        %swap3A_159 = vector.shape_cast %swap3A_158 : vector<1x16xf32> to vector<16xf32>
        %swap3A_160 = vector.shape_cast %broadcast_in_dim3A_155 : vector<16xf32> to vector<1x16xf32>
        tpu.vector_store %arg13[%swap3A_156, %swap3A_157], %swap3A_160 {strides = array<i32>} : memref<256x128xf32, #tpu.memory_space<vmem>>, vector<1x16xf32>,
        %broadcast_in_dim3A_161 = arith.constant 0.000000e+00 : f32
        %broadcast_in_dim3A_162 = vector.broadcast %broadcast_in_dim3A_161 : f32 to vector<16xf32>
        %swap3A_163 = arith.index_cast %scan3A_126 : i32 to index
        %swap3A_164 = arith.constant 80 : index
        %swap3A_165 = tpu.vector_load %arg13[%swap3A_163, %swap3A_164] {strides = array<i32>} : memref<256x128xf32, #tpu.memory_space<vmem>>, vector<1x16xf32>,
        %swap3A_166 = vector.shape_cast %swap3A_165 : vector<1x16xf32> to vector<16xf32>
        %swap3A_167 = vector.shape_cast %broadcast_in_dim3A_162 : vector<16xf32> to vector<1x16xf32>
        tpu.vector_store %arg13[%swap3A_163, %swap3A_164], %swap3A_167 {strides = array<i32>} : memref<256x128xf32, #tpu.memory_space<vmem>>, vector<1x16xf32>,
        %broadcast_in_dim3A_168 = arith.constant 0.000000e+00 : f32
        %broadcast_in_dim3A_169 = vector.broadcast %broadcast_in_dim3A_168 : f32 to vector<16xf32>
        %swap3A_170 = arith.index_cast %scan3A_126 : i32 to index
        %swap3A_171 = arith.constant 96 : index
        %swap3A_172 = tpu.vector_load %arg13[%swap3A_170, %swap3A_171] {strides = array<i32>} : memref<256x128xf32, #tpu.memory_space<vmem>>, vector<1x16xf32>,
        %swap3A_173 = vector.shape_cast %swap3A_172 : vector<1x16xf32> to vector<16xf32>
        %swap3A_174 = vector.shape_cast %broadcast_in_dim3A_169 : vector<16xf32> to vector<1x16xf32>
        tpu.vector_store %arg13[%swap3A_170, %swap3A_171], %swap3A_174 {strides = array<i32>} : memref<256x128xf32, #tpu.memory_space<vmem>>, vector<1x16xf32>,
        %broadcast_in_dim3A_175 = arith.constant 0.000000e+00 : f32
        %broadcast_in_dim3A_176 = vector.broadcast %broadcast_in_dim3A_175 : f32 to vector<16xf32>
        %swap3A_177 = arith.index_cast %scan3A_126 : i32 to index
        %swap3A_178 = arith.constant 112 : index
        %swap3A_179 = tpu.vector_load %arg13[%swap3A_177, %swap3A_178] {strides = array<i32>} : memref<256x128xf32, #tpu.memory_space<vmem>>, vector<1x16xf32>,
        %swap3A_180 = vector.shape_cast %swap3A_179 : vector<1x16xf32> to vector<16xf32>
        %swap3A_181 = vector.shape_cast %broadcast_in_dim3A_176 : vector<16xf32> to vector<1x16xf32>
        tpu.vector_store %arg13[%swap3A_177, %swap3A_178], %swap3A_181 {strides = array<i32>} : memref<256x128xf32, #tpu.memory_space<vmem>>, vector<1x16xf32>,
        %scan3A_182 = arith.constant 0 : i32
        scf.yield %scan3A_182 : i32
      }
      %scan3A_52 = arith.constant 256 : i32
      %jit3A_53 = arith.constant 8 : i32
      %div3A_54 = arith.divsi %squeeze3A, %jit3A_53 : i32
      %sign3A_55 = arith.constant 0 : i32
      %sign3A_56 = arith.cmpi sgt, %squeeze3A, %sign3A_55 : i32
      %sign3A_57 = arith.extui %sign3A_56 : i1 to i32
      %sign3A_58 = arith.constant 0 : i32
      %sign3A_59 = arith.cmpi slt, %squeeze3A, %sign3A_58 : i32
      %sign3A_60 = arith.extui %sign3A_59 : i1 to i32
      %sign3A_61 = arith.subi %sign3A_57, %sign3A_60 : i32
      %sign3A_62 = arith.constant 0 : i32
      %sign3A_63 = arith.cmpi sgt, %jit3A_53, %sign3A_62 : i32
      %sign3A_64 = arith.extui %sign3A_63 : i1 to i32
      %sign3A_65 = arith.constant 0 : i32
      %sign3A_66 = arith.cmpi slt, %jit3A_53, %sign3A_65 : i32
      %sign3A_67 = arith.extui %sign3A_66 : i1 to i32
      %sign3A_68 = arith.subi %sign3A_64, %sign3A_67 : i32
      %ne3A_69 = arith.cmpi ne, %sign3A_61, %sign3A_68 : i32
      %rem3A_70 = arith.remsi %squeeze3A, %jit3A_53 : i32
      %ne3A_71 = arith.constant 0 : i32
      %ne3A_72 = arith.cmpi ne, %rem3A_70, %ne3A_71 : i32
      %and3A_73 = arith.andi %ne3A_69, %ne3A_72 : i1
      %sub3A_74 = arith.constant 1 : i32
      %sub3A_75 = arith.subi %div3A_54, %sub3A_74 : i32
      %select_n3A_76 = arith.select %and3A_73, %sub3A_75, %div3A_54 : i32
      %mul3A_77 = arith.constant 8 : i32
      %mul3A_78 = arith.muli %select_n3A_76, %mul3A_77 : i32
      %sub3A_79 = arith.subi %squeeze3A_44, %mul3A_78 : i32
      %add3A_80 = arith.constant 256 : i32
      %add3A_81 = arith.addi %sub3A_79, %add3A_80 : i32
      %sub3A_82 = arith.constant 1 : i32
      %sub3A_83 = arith.subi %add3A_81, %sub3A_82 : i32
      %jit3A_84 = arith.constant 256 : i32
      %div3A_85 = arith.divsi %sub3A_83, %jit3A_84 : i32
      %sign3A_86 = arith.constant 0 : i32
      %sign3A_87 = arith.cmpi sgt, %sub3A_83, %sign3A_86 : i32
      %sign3A_88 = arith.extui %sign3A_87 : i1 to i32
      %sign3A_89 = arith.constant 0 : i32
      %sign3A_90 = arith.cmpi slt, %sub3A_83, %sign3A_89 : i32
      %sign3A_91 = arith.extui %sign3A_90 : i1 to i32
      %sign3A_92 = arith.subi %sign3A_88, %sign3A_91 : i32
      %sign3A_93 = arith.constant 0 : i32
      %sign3A_94 = arith.cmpi sgt, %jit3A_84, %sign3A_93 : i32
      %sign3A_95 = arith.extui %sign3A_94 : i1 to i32
      %sign3A_96 = arith.constant 0 : i32
      %sign3A_97 = arith.cmpi slt, %jit3A_84, %sign3A_96 : i32
      %sign3A_98 = arith.extui %sign3A_97 : i1 to i32
      %sign3A_99 = arith.subi %sign3A_95, %sign3A_98 : i32
      %ne3A_100 = arith.cmpi ne, %sign3A_92, %sign3A_99 : i32
      %rem3A_101 = arith.remsi %sub3A_83, %jit3A_84 : i32
      %ne3A_102 = arith.constant 0 : i32
      %ne3A_103 = arith.cmpi ne, %rem3A_101, %ne3A_102 : i32
      %and3A_104 = arith.andi %ne3A_100, %ne3A_103 : i1
      %sub3A_105 = arith.constant 1 : i32
      %sub3A_106 = arith.subi %div3A_85, %sub3A_105 : i32
      %select_n3A_107 = arith.select %and3A_104, %sub3A_106, %div3A_85 : i32
      %gt3A = arith.constant 0 : i32
      %gt3A_108 = arith.cmpi sgt, %select_n3A_107, %gt3A : i32
      %convert_element_type3A = arith.extui %gt3A_108 : i1 to i32
      %cond3A = arith.constant 0 : i32
      %cond3A_109 = arith.cmpi ne, %convert_element_type3A, %cond3A : i32
      scf.if %cond3A_109 {
        %rem3A_126 = arith.constant 0 : i32
        %rem3A_127 = arith.constant 2 : i32
        %rem3A_128 = arith.remsi %rem3A_126, %rem3A_127 : i32
        %add3A_129 = arith.constant 0 : i32
        %add3A_130 = arith.addi %mul3A_78, %add3A_129 : i32
        %min3A = arith.constant 2559744 : i32
        %min3A_131 = arith.minsi %add3A_130, %min3A : i32
        %mul3A_132 = arith.constant 256 : i32
        %mul3A_133 = arith.muli %rem3A_128, %mul3A_132 : i32
        %dma_start3A = tpu.memref_slice %arg9[%mul3A_133] : memref<512xi32, #tpu.memory_space<vmem>> -> memref<256xi32, #tpu.memory_space<vmem>>
        %dma_start3A_134 = tpu.memref_slice %arg2[%min3A_131] : memref<2560000xi32, #tpu.memory_space<hbm>> -> memref<256xi32, #tpu.memory_space<hbm>>
        %dma_start3A_135 = tpu.memref_slice %arg9[%mul3A_133] : memref<512xi32, #tpu.memory_space<vmem>> -> memref<256xi32, #tpu.memory_space<vmem>>
        %dma_start3A_136 = tpu.memref_slice %arg2[%min3A_131] : memref<2560000xi32, #tpu.memory_space<hbm>> -> memref<256xi32, #tpu.memory_space<hbm>>
        tpu.enqueue_dma source(%dma_start3A_136 : memref<256xi32, #tpu.memory_space<hbm>>) target(%dma_start3A_135 : memref<256xi32, #tpu.memory_space<vmem>>) target_semaphore(%arg14 : memref<!tpu.dma_semaphore, #tpu.memory_space<semaphore_mem>>)
        %mul3A_137 = arith.constant 272 : i32
        %mul3A_138 = arith.muli %rem3A_128, %mul3A_137 : i32
        %dma_start3A_139 = tpu.memref_slice %arg10[%mul3A_138] : memref<544xf32, #tpu.memory_space<vmem>> -> memref<256xf32, #tpu.memory_space<vmem>>
        %dma_start3A_140 = tpu.memref_slice %arg3[%min3A_131] : memref<2560000xf32, #tpu.memory_space<hbm>> -> memref<256xf32, #tpu.memory_space<hbm>>
        %dma_start3A_141 = tpu.memref_slice %arg10[%mul3A_138] : memref<544xf32, #tpu.memory_space<vmem>> -> memref<256xf32, #tpu.memory_space<vmem>>
        %dma_start3A_142 = tpu.memref_slice %arg3[%min3A_131] : memref<2560000xf32, #tpu.memory_space<hbm>> -> memref<256xf32, #tpu.memory_space<hbm>>
        tpu.enqueue_dma source(%dma_start3A_142 : memref<256xf32, #tpu.memory_space<hbm>>) target(%dma_start3A_141 : memref<256xf32, #tpu.memory_space<vmem>>) target_semaphore(%arg14 : memref<!tpu.dma_semaphore, #tpu.memory_space<semaphore_mem>>)
        %mul3A_143 = arith.constant 272 : i32
        %mul3A_144 = arith.muli %rem3A_128, %mul3A_143 : i32
        %dma_start3A_145 = tpu.memref_slice %arg11[%mul3A_144] : memref<544xi32, #tpu.memory_space<vmem>> -> memref<256xi32, #tpu.memory_space<vmem>>
        %dma_start3A_146 = tpu.memref_slice %arg4[%min3A_131] : memref<2560000xi32, #tpu.memory_space<hbm>> -> memref<256xi32, #tpu.memory_space<hbm>>
        %dma_start3A_147 = tpu.memref_slice %arg11[%mul3A_144] : memref<544xi32, #tpu.memory_space<vmem>> -> memref<256xi32, #tpu.memory_space<vmem>>
        %dma_start3A_148 = tpu.memref_slice %arg4[%min3A_131] : memref<2560000xi32, #tpu.memory_space<hbm>> -> memref<256xi32, #tpu.memory_space<hbm>>
        tpu.enqueue_dma source(%dma_start3A_148 : memref<256xi32, #tpu.memory_space<hbm>>) target(%dma_start3A_147 : memref<256xi32, #tpu.memory_space<vmem>>) target_semaphore(%arg14 : memref<!tpu.dma_semaphore, #tpu.memory_space<semaphore_mem>>)
        %rem3A_149 = arith.constant 0 : i32
        %rem3A_150 = arith.constant 2 : i32
        %rem3A_151 = arith.remsi %rem3A_149, %rem3A_150 : i32
        %add3A_152 = arith.constant 0 : i32
        %add3A_153 = arith.addi %mul3A_78, %add3A_152 : i32
        %min3A_154 = arith.constant 2559744 : i32
        %min3A_155 = arith.minsi %add3A_153, %min3A_154 : i32
        %mul3A_156 = arith.constant 256 : i32
        %mul3A_157 = arith.muli %rem3A_151, %mul3A_156 : i32
        %dma_wait3A = tpu.memref_slice %arg9[%mul3A_157] : memref<512xi32, #tpu.memory_space<vmem>> -> memref<256xi32, #tpu.memory_space<vmem>>
        %dma_wait3A_158 = tpu.memref_slice %arg2[%min3A_155] : memref<2560000xi32, #tpu.memory_space<hbm>> -> memref<256xi32, #tpu.memory_space<hbm>>
        %dma_wait3A_159 = tpu.memref_slice %arg9[%mul3A_157] : memref<512xi32, #tpu.memory_space<vmem>> -> memref<256xi32, #tpu.memory_space<vmem>>
        %dma_wait3A_160 = tpu.memref_slice %arg2[%min3A_155] : memref<2560000xi32, #tpu.memory_space<hbm>> -> memref<256xi32, #tpu.memory_space<hbm>>
        tpu.wait_dma2 semaphore(%arg14 : memref<!tpu.dma_semaphore, #tpu.memory_space<semaphore_mem>>) src(%dma_wait3A_160 : memref<256xi32, #tpu.memory_space<hbm>>) dst(%dma_wait3A_159 : memref<256xi32, #tpu.memory_space<vmem>>)
        %mul3A_161 = arith.constant 272 : i32
        %mul3A_162 = arith.muli %rem3A_151, %mul3A_161 : i32
        %dma_wait3A_163 = tpu.memref_slice %arg10[%mul3A_162] : memref<544xf32, #tpu.memory_space<vmem>> -> memref<256xf32, #tpu.memory_space<vmem>>
        %dma_wait3A_164 = tpu.memref_slice %arg3[%min3A_155] : memref<2560000xf32, #tpu.memory_space<hbm>> -> memref<256xf32, #tpu.memory_space<hbm>>
        %dma_wait3A_165 = tpu.memref_slice %arg10[%mul3A_162] : memref<544xf32, #tpu.memory_space<vmem>> -> memref<256xf32, #tpu.memory_space<vmem>>
        %dma_wait3A_166 = tpu.memref_slice %arg3[%min3A_155] : memref<2560000xf32, #tpu.memory_space<hbm>> -> memref<256xf32, #tpu.memory_space<hbm>>
        tpu.wait_dma2 semaphore(%arg14 : memref<!tpu.dma_semaphore, #tpu.memory_space<semaphore_mem>>) src(%dma_wait3A_166 : memref<256xf32, #tpu.memory_space<hbm>>) dst(%dma_wait3A_165 : memref<256xf32, #tpu.memory_space<vmem>>)
        %mul3A_167 = arith.constant 272 : i32
        %mul3A_168 = arith.muli %rem3A_151, %mul3A_167 : i32
        %dma_wait3A_169 = tpu.memref_slice %arg11[%mul3A_168] : memref<544xi32, #tpu.memory_space<vmem>> -> memref<256xi32, #tpu.memory_space<vmem>>
        %dma_wait3A_170 = tpu.memref_slice %arg4[%min3A_155] : memref<2560000xi32, #tpu.memory_space<hbm>> -> memref<256xi32, #tpu.memory_space<hbm>>
        %dma_wait3A_171 = tpu.memref_slice %arg11[%mul3A_168] : memref<544xi32, #tpu.memory_space<vmem>> -> memref<256xi32, #tpu.memory_space<vmem>>
        %dma_wait3A_172 = tpu.memref_slice %arg4[%min3A_155] : memref<2560000xi32, #tpu.memory_space<hbm>> -> memref<256xi32, #tpu.memory_space<hbm>>
        tpu.wait_dma2 semaphore(%arg14 : memref<!tpu.dma_semaphore, #tpu.memory_space<semaphore_mem>>) src(%dma_wait3A_172 : memref<256xi32, #tpu.memory_space<hbm>>) dst(%dma_wait3A_171 : memref<256xi32, #tpu.memory_space<vmem>>)
        %rem3A_173 = arith.constant 0 : i32
        %rem3A_174 = arith.constant 2 : i32
        %rem3A_175 = arith.remsi %rem3A_173, %rem3A_174 : i32
        %mul3A_176 = arith.constant 256 : i32
        %mul3A_177 = arith.muli %rem3A_175, %mul3A_176 : i32
        %add3A_178 = arith.constant 0 : i32
        %add3A_179 = arith.addi %mul3A_177, %add3A_178 : i32
        %mul3A_180 = arith.constant 256 : i32
        %mul3A_181 = arith.muli %rem3A_175, %mul3A_180 : i32
        %add3A_182 = arith.constant 0 : i32
        %add3A_183 = arith.addi %mul3A_181, %add3A_182 : i32
        %dma_start3A_184 = arith.constant 0 : i32
        %dma_start3A_185 = tpu.memref_slice %arg12[%add3A_183, %dma_start3A_184] : memref<512x128xf32, #tpu.memory_space<vmem>> -> memref<128x128xf32, #tpu.memory_space<vmem>>
        %dma_start3A_186 = tpu.memref_slice %arg9[%add3A_179] : memref<512xi32, #tpu.memory_space<vmem>> -> memref<128xi32, #tpu.memory_space<vmem>>
        %dma_start3A_187 = arith.constant 0 : i32
        %dma_start3A_188 = arith.constant 0 : i32
        %dma_start3A_189 = tpu.memref_slice %arg5[%dma_start3A_187, %dma_start3A_188] : memref<160000x128xf32, #tpu.memory_space<hbm>> -> memref<160000x128xf32, #tpu.memory_space<hbm>>
        tpu.enqueue_indirect_dma source(%dma_start3A_189 : memref<160000x128xf32, #tpu.memory_space<hbm>>) target(%dma_start3A_185 : memref<128x128xf32, #tpu.memory_space<vmem>>) offsets(%dma_start3A_186 : memref<128xi32, #tpu.memory_space<vmem>>) semaphore(%arg15 : memref<!tpu.dma_semaphore, #tpu.memory_space<semaphore_mem>>)
        %mul3A_190 = arith.constant 256 : i32
        %mul3A_191 = arith.muli %rem3A_175, %mul3A_190 : i32
        %add3A_192 = arith.constant 128 : i32
        %add3A_193 = arith.addi %mul3A_191, %add3A_192 : i32
        %mul3A_194 = arith.constant 256 : i32
        %mul3A_195 = arith.muli %rem3A_175, %mul3A_194 : i32
        %add3A_196 = arith.constant 128 : i32
        %add3A_197 = arith.addi %mul3A_195, %add3A_196 : i32
        %dma_start3A_198 = arith.constant 0 : i32
        %dma_start3A_199 = tpu.memref_slice %arg12[%add3A_197, %dma_start3A_198] : memref<512x128xf32, #tpu.memory_space<vmem>> -> memref<128x128xf32, #tpu.memory_space<vmem>>
        %dma_start3A_200 = tpu.memref_slice %arg9[%add3A_193] : memref<512xi32, #tpu.memory_space<vmem>> -> memref<128xi32, #tpu.memory_space<vmem>>
        %dma_start3A_201 = arith.constant 0 : i32
        %dma_start3A_202 = arith.constant 0 : i32
        %dma_start3A_203 = tpu.memref_slice %arg5[%dma_start3A_201, %dma_start3A_202] : memref<160000x128xf32, #tpu.memory_space<hbm>> -> memref<160000x128xf32, #tpu.memory_space<hbm>>
        tpu.enqueue_indirect_dma source(%dma_start3A_203 : memref<160000x128xf32, #tpu.memory_space<hbm>>) target(%dma_start3A_199 : memref<128x128xf32, #tpu.memory_space<vmem>>) offsets(%dma_start3A_200 : memref<128xi32, #tpu.memory_space<vmem>>) semaphore(%arg15 : memref<!tpu.dma_semaphore, #tpu.memory_space<semaphore_mem>>)
      } else {
      }
      %while3A_110 = arith.constant 0 : i32
      %while3A_111 = arith.subi %select_n3A_107, %while3A_110 : i32
      %while3A_112 = arith.addi %while3A_110, %while3A_111 : i32
      %while3A_113 = arith.constant 1 : i32
      %while3A_114 = arith.divsi %while3A_111, %while3A_113 : i32
      %while3A_115 = arith.muli %while3A_114, %while3A_113 : i32
      %while3A_116 = arith.addi %while3A_110, %while3A_115 : i32
      %while3A_117 = arith.constant 1 : i32
      %while3A_118 = scf.for %while3A_126 = %while3A_110 to %while3A_116 step %while3A_117 iter_args(%while3A_127 = %squeeze3A) -> (i32)  : i32 {
        %rem3A_128 = arith.constant 2 : i32
        %rem3A_129 = arith.remsi %while3A_126, %rem3A_128 : i32
        %mul3A_130 = arith.constant 256 : i32
        %mul3A_131 = arith.muli %while3A_126, %mul3A_130 : i32
        %add3A_132 = arith.addi %mul3A_78, %mul3A_131 : i32
        %min3A = arith.constant 2559744 : i32
        %min3A_133 = arith.minsi %add3A_132, %min3A : i32
        %add3A_134 = arith.constant 1 : i32
        %add3A_135 = arith.addi %while3A_126, %add3A_134 : i32
        %lt3A = arith.cmpi slt, %add3A_135, %select_n3A_107 : i32
        %convert_element_type3A_136 = arith.extui %lt3A : i1 to i32
        %cond3A_137 = arith.constant 0 : i32
        %cond3A_138 = arith.cmpi ne, %convert_element_type3A_136, %cond3A_137 : i32
        scf.if %cond3A_138 {
          %add3A_186 = arith.constant 1 : i32
          %add3A_187 = arith.addi %while3A_126, %add3A_186 : i32
          %rem3A_188 = arith.constant 2 : i32
          %rem3A_189 = arith.remsi %add3A_187, %rem3A_188 : i32
          %mul3A_190 = arith.constant 256 : i32
          %mul3A_191 = arith.muli %add3A_187, %mul3A_190 : i32
          %add3A_192 = arith.addi %mul3A_78, %mul3A_191 : i32
          %min3A_193 = arith.constant 2559744 : i32
          %min3A_194 = arith.minsi %add3A_192, %min3A_193 : i32
          %mul3A_195 = arith.constant 256 : i32
          %mul3A_196 = arith.muli %rem3A_189, %mul3A_195 : i32
          %dma_start3A = tpu.memref_slice %arg9[%mul3A_196] : memref<512xi32, #tpu.memory_space<vmem>> -> memref<256xi32, #tpu.memory_space<vmem>>
          %dma_start3A_197 = tpu.memref_slice %arg2[%min3A_194] : memref<2560000xi32, #tpu.memory_space<hbm>> -> memref<256xi32, #tpu.memory_space<hbm>>
          %dma_start3A_198 = tpu.memref_slice %arg9[%mul3A_196] : memref<512xi32, #tpu.memory_space<vmem>> -> memref<256xi32, #tpu.memory_space<vmem>>
          %dma_start3A_199 = tpu.memref_slice %arg2[%min3A_194] : memref<2560000xi32, #tpu.memory_space<hbm>> -> memref<256xi32, #tpu.memory_space<hbm>>
          tpu.enqueue_dma source(%dma_start3A_199 : memref<256xi32, #tpu.memory_space<hbm>>) target(%dma_start3A_198 : memref<256xi32, #tpu.memory_space<vmem>>) target_semaphore(%arg14 : memref<!tpu.dma_semaphore, #tpu.memory_space<semaphore_mem>>)
          %mul3A_200 = arith.constant 272 : i32
          %mul3A_201 = arith.muli %rem3A_189, %mul3A_200 : i32
          %dma_start3A_202 = tpu.memref_slice %arg10[%mul3A_201] : memref<544xf32, #tpu.memory_space<vmem>> -> memref<256xf32, #tpu.memory_space<vmem>>
          %dma_start3A_203 = tpu.memref_slice %arg3[%min3A_194] : memref<2560000xf32, #tpu.memory_space<hbm>> -> memref<256xf32, #tpu.memory_space<hbm>>
          %dma_start3A_204 = tpu.memref_slice %arg10[%mul3A_201] : memref<544xf32, #tpu.memory_space<vmem>> -> memref<256xf32, #tpu.memory_space<vmem>>
          %dma_start3A_205 = tpu.memref_slice %arg3[%min3A_194] : memref<2560000xf32, #tpu.memory_space<hbm>> -> memref<256xf32, #tpu.memory_space<hbm>>
          tpu.enqueue_dma source(%dma_start3A_205 : memref<256xf32, #tpu.memory_space<hbm>>) target(%dma_start3A_204 : memref<256xf32, #tpu.memory_space<vmem>>) target_semaphore(%arg14 : memref<!tpu.dma_semaphore, #tpu.memory_space<semaphore_mem>>)
          %mul3A_206 = arith.constant 272 : i32
          %mul3A_207 = arith.muli %rem3A_189, %mul3A_206 : i32
          %dma_start3A_208 = tpu.memref_slice %arg11[%mul3A_207] : memref<544xi32, #tpu.memory_space<vmem>> -> memref<256xi32, #tpu.memory_space<vmem>>
          %dma_start3A_209 = tpu.memref_slice %arg4[%min3A_194] : memref<2560000xi32, #tpu.memory_space<hbm>> -> memref<256xi32, #tpu.memory_space<hbm>>
          %dma_start3A_210 = tpu.memref_slice %arg11[%mul3A_207] : memref<544xi32, #tpu.memory_space<vmem>> -> memref<256xi32, #tpu.memory_space<vmem>>
          %dma_start3A_211 = tpu.memref_slice %arg4[%min3A_194] : memref<2560000xi32, #tpu.memory_space<hbm>> -> memref<256xi32, #tpu.memory_space<hbm>>
          tpu.enqueue_dma source(%dma_start3A_211 : memref<256xi32, #tpu.memory_space<hbm>>) target(%dma_start3A_210 : memref<256xi32, #tpu.memory_space<vmem>>) target_semaphore(%arg14 : memref<!tpu.dma_semaphore, #tpu.memory_space<semaphore_mem>>)
        } else {
        }
        %rem3A_139 = arith.constant 2 : i32
        %rem3A_140 = arith.remsi %while3A_126, %rem3A_139 : i32
        %mul3A_141 = arith.constant 256 : i32
        %mul3A_142 = arith.muli %rem3A_140, %mul3A_141 : i32
        %add3A_143 = arith.constant 0 : i32
        %add3A_144 = arith.addi %mul3A_142, %add3A_143 : i32
        %mul3A_145 = arith.constant 256 : i32
        %mul3A_146 = arith.muli %rem3A_140, %mul3A_145 : i32
        %add3A_147 = arith.constant 0 : i32
        %add3A_148 = arith.addi %mul3A_146, %add3A_147 : i32
        %dma_wait3A = arith.constant 0 : i32
        %dma_wait3A_149 = tpu.memref_slice %arg12[%add3A_148, %dma_wait3A] : memref<512x128xf32, #tpu.memory_space<vmem>> -> memref<128x128xf32, #tpu.memory_space<vmem>>
        %dma_wait3A_150 = tpu.memref_slice %arg9[%add3A_144] : memref<512xi32, #tpu.memory_space<vmem>> -> memref<128xi32, #tpu.memory_space<vmem>>
        %dma_wait3A_151 = arith.constant 0 : i32
        %dma_wait3A_152 = arith.constant 0 : i32
        %dma_wait3A_153 = tpu.memref_slice %arg5[%dma_wait3A_151, %dma_wait3A_152] : memref<160000x128xf32, #tpu.memory_space<hbm>> -> memref<160000x128xf32, #tpu.memory_space<hbm>>
        tpu.wait_indirect_dma semaphore(%arg15 : memref<!tpu.dma_semaphore, #tpu.memory_space<semaphore_mem>>) src(%dma_wait3A_153 : memref<160000x128xf32, #tpu.memory_space<hbm>>) dst(%dma_wait3A_149 : memref<128x128xf32, #tpu.memory_space<vmem>>)
        %mul3A_154 = arith.constant 256 : i32
        %mul3A_155 = arith.muli %rem3A_140, %mul3A_154 : i32
        %add3A_156 = arith.constant 128 : i32
        %add3A_157 = arith.addi %mul3A_155, %add3A_156 : i32
        %mul3A_158 = arith.constant 256 : i32
        %mul3A_159 = arith.muli %rem3A_140, %mul3A_158 : i32
        %add3A_160 = arith.constant 128 : i32
        %add3A_161 = arith.addi %mul3A_159, %add3A_160 : i32
        %dma_wait3A_162 = arith.constant 0 : i32
        %dma_wait3A_163 = tpu.memref_slice %arg12[%add3A_161, %dma_wait3A_162] : memref<512x128xf32, #tpu.memory_space<vmem>> -> memref<128x128xf32, #tpu.memory_space<vmem>>
        %dma_wait3A_164 = tpu.memref_slice %arg9[%add3A_157] : memref<512xi32, #tpu.memory_space<vmem>> -> memref<128xi32, #tpu.memory_space<vmem>>
        %dma_wait3A_165 = arith.constant 0 : i32
        %dma_wait3A_166 = arith.constant 0 : i32
        %dma_wait3A_167 = tpu.memref_slice %arg5[%dma_wait3A_165, %dma_wait3A_166] : memref<160000x128xf32, #tpu.memory_space<hbm>> -> memref<160000x128xf32, #tpu.memory_space<hbm>>
        tpu.wait_indirect_dma semaphore(%arg15 : memref<!tpu.dma_semaphore, #tpu.memory_space<semaphore_mem>>) src(%dma_wait3A_167 : memref<160000x128xf32, #tpu.memory_space<hbm>>) dst(%dma_wait3A_163 : memref<128x128xf32, #tpu.memory_space<vmem>>)
        %add3A_168 = arith.constant 1 : i32
        %add3A_169 = arith.addi %while3A_126, %add3A_168 : i32
        %lt3A_170 = arith.cmpi slt, %add3A_169, %select_n3A_107 : i32
        %convert_element_type3A_171 = arith.extui %lt3A_170 : i1 to i32
        %cond3A_172 = arith.constant 0 : i32
        %cond3A_173 = arith.cmpi ne, %convert_element_type3A_171, %cond3A_172 : i32
        scf.if %cond3A_173 {
          %add3A_186 = arith.constant 1 : i32
          %add3A_187 = arith.addi %while3A_126, %add3A_186 : i32
          %rem3A_188 = arith.constant 2 : i32
          %rem3A_189 = arith.remsi %add3A_187, %rem3A_188 : i32
          %mul3A_190 = arith.constant 256 : i32
          %mul3A_191 = arith.muli %add3A_187, %mul3A_190 : i32
          %add3A_192 = arith.addi %mul3A_78, %mul3A_191 : i32
          %min3A_193 = arith.constant 2559744 : i32
          %min3A_194 = arith.minsi %add3A_192, %min3A_193 : i32
          %mul3A_195 = arith.constant 256 : i32
          %mul3A_196 = arith.muli %rem3A_189, %mul3A_195 : i32
          %dma_wait3A_197 = tpu.memref_slice %arg9[%mul3A_196] : memref<512xi32, #tpu.memory_space<vmem>> -> memref<256xi32, #tpu.memory_space<vmem>>
          %dma_wait3A_198 = tpu.memref_slice %arg2[%min3A_194] : memref<2560000xi32, #tpu.memory_space<hbm>> -> memref<256xi32, #tpu.memory_space<hbm>>
          %dma_wait3A_199 = tpu.memref_slice %arg9[%mul3A_196] : memref<512xi32, #tpu.memory_space<vmem>> -> memref<256xi32, #tpu.memory_space<vmem>>
          %dma_wait3A_200 = tpu.memref_slice %arg2[%min3A_194] : memref<2560000xi32, #tpu.memory_space<hbm>> -> memref<256xi32, #tpu.memory_space<hbm>>
          tpu.wait_dma2 semaphore(%arg14 : memref<!tpu.dma_semaphore, #tpu.memory_space<semaphore_mem>>) src(%dma_wait3A_200 : memref<256xi32, #tpu.memory_space<hbm>>) dst(%dma_wait3A_199 : memref<256xi32, #tpu.memory_space<vmem>>)
          %mul3A_201 = arith.constant 272 : i32
          %mul3A_202 = arith.muli %rem3A_189, %mul3A_201 : i32
          %dma_wait3A_203 = tpu.memref_slice %arg10[%mul3A_202] : memref<544xf32, #tpu.memory_space<vmem>> -> memref<256xf32, #tpu.memory_space<vmem>>
          %dma_wait3A_204 = tpu.memref_slice %arg3[%min3A_194] : memref<2560000xf32, #tpu.memory_space<hbm>> -> memref<256xf32, #tpu.memory_space<hbm>>
          %dma_wait3A_205 = tpu.memref_slice %arg10[%mul3A_202] : memref<544xf32, #tpu.memory_space<vmem>> -> memref<256xf32, #tpu.memory_space<vmem>>
          %dma_wait3A_206 = tpu.memref_slice %arg3[%min3A_194] : memref<2560000xf32, #tpu.memory_space<hbm>> -> memref<256xf32, #tpu.memory_space<hbm>>
          tpu.wait_dma2 semaphore(%arg14 : memref<!tpu.dma_semaphore, #tpu.memory_space<semaphore_mem>>) src(%dma_wait3A_206 : memref<256xf32, #tpu.memory_space<hbm>>) dst(%dma_wait3A_205 : memref<256xf32, #tpu.memory_space<vmem>>)
          %mul3A_207 = arith.constant 272 : i32
          %mul3A_208 = arith.muli %rem3A_189, %mul3A_207 : i32
          %dma_wait3A_209 = tpu.memref_slice %arg11[%mul3A_208] : memref<544xi32, #tpu.memory_space<vmem>> -> memref<256xi32, #tpu.memory_space<vmem>>
          %dma_wait3A_210 = tpu.memref_slice %arg4[%min3A_194] : memref<2560000xi32, #tpu.memory_space<hbm>> -> memref<256xi32, #tpu.memory_space<hbm>>
          %dma_wait3A_211 = tpu.memref_slice %arg11[%mul3A_208] : memref<544xi32, #tpu.memory_space<vmem>> -> memref<256xi32, #tpu.memory_space<vmem>>
          %dma_wait3A_212 = tpu.memref_slice %arg4[%min3A_194] : memref<2560000xi32, #tpu.memory_space<hbm>> -> memref<256xi32, #tpu.memory_space<hbm>>
          tpu.wait_dma2 semaphore(%arg14 : memref<!tpu.dma_semaphore, #tpu.memory_space<semaphore_mem>>) src(%dma_wait3A_212 : memref<256xi32, #tpu.memory_space<hbm>>) dst(%dma_wait3A_211 : memref<256xi32, #tpu.memory_space<vmem>>)
          %add3A_213 = arith.constant 1 : i32
          %add3A_214 = arith.addi %while3A_126, %add3A_213 : i32
          %rem3A_215 = arith.constant 2 : i32
          %rem3A_216 = arith.remsi %add3A_214, %rem3A_215 : i32
          %mul3A_217 = arith.constant 256 : i32
          %mul3A_218 = arith.muli %rem3A_216, %mul3A_217 : i32
          %add3A_219 = arith.constant 0 : i32
          %add3A_220 = arith.addi %mul3A_218, %add3A_219 : i32
          %mul3A_221 = arith.constant 256 : i32
          %mul3A_222 = arith.muli %rem3A_216, %mul3A_221 : i32
          %add3A_223 = arith.constant 0 : i32
          %add3A_224 = arith.addi %mul3A_222, %add3A_223 : i32
          %dma_start3A = arith.constant 0 : i32
          %dma_start3A_225 = tpu.memref_slice %arg12[%add3A_224, %dma_start3A] : memref<512x128xf32, #tpu.memory_space<vmem>> -> memref<128x128xf32, #tpu.memory_space<vmem>>
          %dma_start3A_226 = tpu.memref_slice %arg9[%add3A_220] : memref<512xi32, #tpu.memory_space<vmem>> -> memref<128xi32, #tpu.memory_space<vmem>>
          %dma_start3A_227 = arith.constant 0 : i32
          %dma_start3A_228 = arith.constant 0 : i32
          %dma_start3A_229 = tpu.memref_slice %arg5[%dma_start3A_227, %dma_start3A_228] : memref<160000x128xf32, #tpu.memory_space<hbm>> -> memref<160000x128xf32, #tpu.memory_space<hbm>>
          tpu.enqueue_indirect_dma source(%dma_start3A_229 : memref<160000x128xf32, #tpu.memory_space<hbm>>) target(%dma_start3A_225 : memref<128x128xf32, #tpu.memory_space<vmem>>) offsets(%dma_start3A_226 : memref<128xi32, #tpu.memory_space<vmem>>) semaphore(%arg15 : memref<!tpu.dma_semaphore, #tpu.memory_space<semaphore_mem>>)
          %mul3A_230 = arith.constant 256 : i32
          %mul3A_231 = arith.muli %rem3A_216, %mul3A_230 : i32
          %add3A_232 = arith.constant 128 : i32
          %add3A_233 = arith.addi %mul3A_231, %add3A_232 : i32
          %mul3A_234 = arith.constant 256 : i32
          %mul3A_235 = arith.muli %rem3A_216, %mul3A_234 : i32
          %add3A_236 = arith.constant 128 : i32
          %add3A_237 = arith.addi %mul3A_235, %add3A_236 : i32
          %dma_start3A_238 = arith.constant 0 : i32
          %dma_start3A_239 = tpu.memref_slice %arg12[%add3A_237, %dma_start3A_238] : memref<512x128xf32, #tpu.memory_space<vmem>> -> memref<128x128xf32, #tpu.memory_space<vmem>>
          %dma_start3A_240 = tpu.memref_slice %arg9[%add3A_233] : memref<512xi32, #tpu.memory_space<vmem>> -> memref<128xi32, #tpu.memory_space<vmem>>
          %dma_start3A_241 = arith.constant 0 : i32
          %dma_start3A_242 = arith.constant 0 : i32
          %dma_start3A_243 = tpu.memref_slice %arg5[%dma_start3A_241, %dma_start3A_242] : memref<160000x128xf32, #tpu.memory_space<hbm>> -> memref<160000x128xf32, #tpu.memory_space<hbm>>
          tpu.enqueue_indirect_dma source(%dma_start3A_243 : memref<160000x128xf32, #tpu.memory_space<hbm>>) target(%dma_start3A_239 : memref<128x128xf32, #tpu.memory_space<vmem>>) offsets(%dma_start3A_240 : memref<128xi32, #tpu.memory_space<vmem>>) semaphore(%arg15 : memref<!tpu.dma_semaphore, #tpu.memory_space<semaphore_mem>>)
        } else {
        }
        %max3A = arith.maxsi %while3A_127, %min3A_133 : i32
        %sub3A_174 = arith.subi %max3A, %min3A_133 : i32
        %add3A_175 = arith.constant 256 : i32
        %add3A_176 = arith.addi %min3A_133, %add3A_175 : i32
        %min3A_177 = arith.minsi %squeeze3A_44, %add3A_176 : i32
        %sub3A_178 = arith.subi %min3A_177, %min3A_133 : i32
        %mul3A_179 = arith.constant 256 : i32
        %mul3A_180 = arith.muli %rem3A_129, %mul3A_179 : i32
        %mul3A_181 = arith.constant 272 : i32
        %mul3A_182 = arith.muli %rem3A_129, %mul3A_181 : i32
        %parallel_loop3A = arith.constant 1 : i32
        scf.for %parallel_loop3A_186 = %sub3A_174 to %sub3A_178 step %parallel_loop3A  : i32 {
          %parallel_loop3A_187 = arith.addi %mul3A_182, %parallel_loop3A_186 : i32
          %parallel_loop3A_188 = arith.index_cast %parallel_loop3A_187 : i32 to index
          %parallel_loop3A_189 = tpu.vector_load %arg11[%parallel_loop3A_188] {strides = array<i32>} : memref<544xi32, #tpu.memory_space<vmem>>, vector<16xi32>,
          %parallel_loop3A_190 = vector.shape_cast %parallel_loop3A_189 : vector<16xi32> to vector<16xi32>
          %parallel_loop3A_191 = vector.extract_strided_slice %parallel_loop3A_190 {offsets = [0], sizes = [1], strides = [1]} : vector<16xi32> to vector<1xi32>
          %parallel_loop3A_192 = vector.extract %parallel_loop3A_191[0] : i32 from vector<1xi32>
          %parallel_loop3A_193 = arith.subi %parallel_loop3A_192, %mul3A_46 : i32
          %parallel_loop3A_194 = arith.addi %mul3A_182, %parallel_loop3A_186 : i32
          %parallel_loop3A_195 = arith.index_cast %parallel_loop3A_194 : i32 to index
          %parallel_loop3A_196 = tpu.vector_load %arg10[%parallel_loop3A_195] {strides = array<i32>} : memref<544xf32, #tpu.memory_space<vmem>>, vector<16xf32>,
          %parallel_loop3A_197 = vector.shape_cast %parallel_loop3A_196 : vector<16xf32> to vector<16xf32>
          %parallel_loop3A_198 = vector.extract_strided_slice %parallel_loop3A_197 {offsets = [0], sizes = [1], strides = [1]} : vector<16xf32> to vector<1xf32>
          %parallel_loop3A_199 = vector.extract %parallel_loop3A_198[0] : f32 from vector<1xf32>
          %parallel_loop3A_200 = arith.addi %mul3A_180, %parallel_loop3A_186 : i32
          %parallel_loop3A_201 = arith.index_cast %parallel_loop3A_200 : i32 to index
          %parallel_loop3A_202 = arith.constant 0 : index
          %parallel_loop3A_203 = tpu.vector_load %arg12[%parallel_loop3A_201, %parallel_loop3A_202] {strides = array<i32>} : memref<512x128xf32, #tpu.memory_space<vmem>>, vector<1x16xf32>,
          %parallel_loop3A_204 = vector.shape_cast %parallel_loop3A_203 : vector<1x16xf32> to vector<16xf32>
          %parallel_loop3A_205 = arith.addi %mul3A_180, %parallel_loop3A_186 : i32
          %parallel_loop3A_206 = arith.index_cast %parallel_loop3A_205 : i32 to index
          %parallel_loop3A_207 = arith.constant 16 : index
          %parallel_loop3A_208 = tpu.vector_load %arg12[%parallel_loop3A_206, %parallel_loop3A_207] {strides = array<i32>} : memref<512x128xf32, #tpu.memory_space<vmem>>, vector<1x16xf32>,
          %parallel_loop3A_209 = vector.shape_cast %parallel_loop3A_208 : vector<1x16xf32> to vector<16xf32>
          %parallel_loop3A_210 = arith.addi %mul3A_180, %parallel_loop3A_186 : i32
          %parallel_loop3A_211 = arith.index_cast %parallel_loop3A_210 : i32 to index
          %parallel_loop3A_212 = arith.constant 32 : index
          %parallel_loop3A_213 = tpu.vector_load %arg12[%parallel_loop3A_211, %parallel_loop3A_212] {strides = array<i32>} : memref<512x128xf32, #tpu.memory_space<vmem>>, vector<1x16xf32>,
          %parallel_loop3A_214 = vector.shape_cast %parallel_loop3A_213 : vector<1x16xf32> to vector<16xf32>
          %parallel_loop3A_215 = arith.addi %mul3A_180, %parallel_loop3A_186 : i32
          %parallel_loop3A_216 = arith.index_cast %parallel_loop3A_215 : i32 to index
          %parallel_loop3A_217 = arith.constant 48 : index
          %parallel_loop3A_218 = tpu.vector_load %arg12[%parallel_loop3A_216, %parallel_loop3A_217] {strides = array<i32>} : memref<512x128xf32, #tpu.memory_space<vmem>>, vector<1x16xf32>,
          %parallel_loop3A_219 = vector.shape_cast %parallel_loop3A_218 : vector<1x16xf32> to vector<16xf32>
          %parallel_loop3A_220 = arith.addi %mul3A_180, %parallel_loop3A_186 : i32
          %parallel_loop3A_221 = arith.index_cast %parallel_loop3A_220 : i32 to index
          %parallel_loop3A_222 = arith.constant 64 : index
          %parallel_loop3A_223 = tpu.vector_load %arg12[%parallel_loop3A_221, %parallel_loop3A_222] {strides = array<i32>} : memref<512x128xf32, #tpu.memory_space<vmem>>, vector<1x16xf32>,
          %parallel_loop3A_224 = vector.shape_cast %parallel_loop3A_223 : vector<1x16xf32> to vector<16xf32>
          %parallel_loop3A_225 = arith.addi %mul3A_180, %parallel_loop3A_186 : i32
          %parallel_loop3A_226 = arith.index_cast %parallel_loop3A_225 : i32 to index
          %parallel_loop3A_227 = arith.constant 80 : index
          %parallel_loop3A_228 = tpu.vector_load %arg12[%parallel_loop3A_226, %parallel_loop3A_227] {strides = array<i32>} : memref<512x128xf32, #tpu.memory_space<vmem>>, vector<1x16xf32>,
          %parallel_loop3A_229 = vector.shape_cast %parallel_loop3A_228 : vector<1x16xf32> to vector<16xf32>
          %parallel_loop3A_230 = arith.addi %mul3A_180, %parallel_loop3A_186 : i32
          %parallel_loop3A_231 = arith.index_cast %parallel_loop3A_230 : i32 to index
          %parallel_loop3A_232 = arith.constant 96 : index
          %parallel_loop3A_233 = tpu.vector_load %arg12[%parallel_loop3A_231, %parallel_loop3A_232] {strides = array<i32>} : memref<512x128xf32, #tpu.memory_space<vmem>>, vector<1x16xf32>,
          %parallel_loop3A_234 = vector.shape_cast %parallel_loop3A_233 : vector<1x16xf32> to vector<16xf32>
          %parallel_loop3A_235 = arith.addi %mul3A_180, %parallel_loop3A_186 : i32
          %parallel_loop3A_236 = arith.index_cast %parallel_loop3A_235 : i32 to index
          %parallel_loop3A_237 = arith.constant 112 : index
          %parallel_loop3A_238 = tpu.vector_load %arg12[%parallel_loop3A_236, %parallel_loop3A_237] {strides = array<i32>} : memref<512x128xf32, #tpu.memory_space<vmem>>, vector<1x16xf32>,
          %parallel_loop3A_239 = vector.shape_cast %parallel_loop3A_238 : vector<1x16xf32> to vector<16xf32>
          %parallel_loop3A_240 = vector.broadcast %parallel_loop3A_199 : f32 to vector<16xf32>
          %parallel_loop3A_241 = arith.mulf %parallel_loop3A_204, %parallel_loop3A_240 : vector<16xf32>
          %parallel_loop3A_242 = arith.index_cast %parallel_loop3A_193 : i32 to index
          %parallel_loop3A_243 = arith.constant 0 : index
          %parallel_loop3A_244 = tpu.vector_load %arg13[%parallel_loop3A_242, %parallel_loop3A_243] {strides = array<i32>} : memref<256x128xf32, #tpu.memory_space<vmem>>, vector<1x16xf32>,
          %parallel_loop3A_245 = vector.shape_cast %parallel_loop3A_244 : vector<1x16xf32> to vector<16xf32>
          %parallel_loop3A_246 = vector.shape_cast %parallel_loop3A_241 : vector<16xf32> to vector<1x16xf32>
          tpu.vector_store %arg13[%parallel_loop3A_242, %parallel_loop3A_243], %parallel_loop3A_246 {add = true, strides = array<i32>} : memref<256x128xf32, #tpu.memory_space<vmem>>, vector<1x16xf32>,
          %parallel_loop3A_247 = vector.broadcast %parallel_loop3A_199 : f32 to vector<16xf32>
          %parallel_loop3A_248 = arith.mulf %parallel_loop3A_209, %parallel_loop3A_247 : vector<16xf32>
          %parallel_loop3A_249 = arith.index_cast %parallel_loop3A_193 : i32 to index
          %parallel_loop3A_250 = arith.constant 16 : index
          %parallel_loop3A_251 = tpu.vector_load %arg13[%parallel_loop3A_249, %parallel_loop3A_250] {strides = array<i32>} : memref<256x128xf32, #tpu.memory_space<vmem>>, vector<1x16xf32>,
          %parallel_loop3A_252 = vector.shape_cast %parallel_loop3A_251 : vector<1x16xf32> to vector<16xf32>
          %parallel_loop3A_253 = vector.shape_cast %parallel_loop3A_248 : vector<16xf32> to vector<1x16xf32>
          tpu.vector_store %arg13[%parallel_loop3A_249, %parallel_loop3A_250], %parallel_loop3A_253 {add = true, strides = array<i32>} : memref<256x128xf32, #tpu.memory_space<vmem>>, vector<1x16xf32>,
          %parallel_loop3A_254 = vector.broadcast %parallel_loop3A_199 : f32 to vector<16xf32>
          %parallel_loop3A_255 = arith.mulf %parallel_loop3A_214, %parallel_loop3A_254 : vector<16xf32>
          %parallel_loop3A_256 = arith.index_cast %parallel_loop3A_193 : i32 to index
          %parallel_loop3A_257 = arith.constant 32 : index
          %parallel_loop3A_258 = tpu.vector_load %arg13[%parallel_loop3A_256, %parallel_loop3A_257] {strides = array<i32>} : memref<256x128xf32, #tpu.memory_space<vmem>>, vector<1x16xf32>,
          %parallel_loop3A_259 = vector.shape_cast %parallel_loop3A_258 : vector<1x16xf32> to vector<16xf32>
          %parallel_loop3A_260 = vector.shape_cast %parallel_loop3A_255 : vector<16xf32> to vector<1x16xf32>
          tpu.vector_store %arg13[%parallel_loop3A_256, %parallel_loop3A_257], %parallel_loop3A_260 {add = true, strides = array<i32>} : memref<256x128xf32, #tpu.memory_space<vmem>>, vector<1x16xf32>,
          %parallel_loop3A_261 = vector.broadcast %parallel_loop3A_199 : f32 to vector<16xf32>
          %parallel_loop3A_262 = arith.mulf %parallel_loop3A_219, %parallel_loop3A_261 : vector<16xf32>
          %parallel_loop3A_263 = arith.index_cast %parallel_loop3A_193 : i32 to index
          %parallel_loop3A_264 = arith.constant 48 : index
          %parallel_loop3A_265 = tpu.vector_load %arg13[%parallel_loop3A_263, %parallel_loop3A_264] {strides = array<i32>} : memref<256x128xf32, #tpu.memory_space<vmem>>, vector<1x16xf32>,
          %parallel_loop3A_266 = vector.shape_cast %parallel_loop3A_265 : vector<1x16xf32> to vector<16xf32>
          %parallel_loop3A_267 = vector.shape_cast %parallel_loop3A_262 : vector<16xf32> to vector<1x16xf32>
          tpu.vector_store %arg13[%parallel_loop3A_263, %parallel_loop3A_264], %parallel_loop3A_267 {add = true, strides = array<i32>} : memref<256x128xf32, #tpu.memory_space<vmem>>, vector<1x16xf32>,
          %parallel_loop3A_268 = vector.broadcast %parallel_loop3A_199 : f32 to vector<16xf32>
          %parallel_loop3A_269 = arith.mulf %parallel_loop3A_224, %parallel_loop3A_268 : vector<16xf32>
          %parallel_loop3A_270 = arith.index_cast %parallel_loop3A_193 : i32 to index
          %parallel_loop3A_271 = arith.constant 64 : index
          %parallel_loop3A_272 = tpu.vector_load %arg13[%parallel_loop3A_270, %parallel_loop3A_271] {strides = array<i32>} : memref<256x128xf32, #tpu.memory_space<vmem>>, vector<1x16xf32>,
          %parallel_loop3A_273 = vector.shape_cast %parallel_loop3A_272 : vector<1x16xf32> to vector<16xf32>
          %parallel_loop3A_274 = vector.shape_cast %parallel_loop3A_269 : vector<16xf32> to vector<1x16xf32>
          tpu.vector_store %arg13[%parallel_loop3A_270, %parallel_loop3A_271], %parallel_loop3A_274 {add = true, strides = array<i32>} : memref<256x128xf32, #tpu.memory_space<vmem>>, vector<1x16xf32>,
          %parallel_loop3A_275 = vector.broadcast %parallel_loop3A_199 : f32 to vector<16xf32>
          %parallel_loop3A_276 = arith.mulf %parallel_loop3A_229, %parallel_loop3A_275 : vector<16xf32>
          %parallel_loop3A_277 = arith.index_cast %parallel_loop3A_193 : i32 to index
          %parallel_loop3A_278 = arith.constant 80 : index
          %parallel_loop3A_279 = tpu.vector_load %arg13[%parallel_loop3A_277, %parallel_loop3A_278] {strides = array<i32>} : memref<256x128xf32, #tpu.memory_space<vmem>>, vector<1x16xf32>,
          %parallel_loop3A_280 = vector.shape_cast %parallel_loop3A_279 : vector<1x16xf32> to vector<16xf32>
          %parallel_loop3A_281 = vector.shape_cast %parallel_loop3A_276 : vector<16xf32> to vector<1x16xf32>
          tpu.vector_store %arg13[%parallel_loop3A_277, %parallel_loop3A_278], %parallel_loop3A_281 {add = true, strides = array<i32>} : memref<256x128xf32, #tpu.memory_space<vmem>>, vector<1x16xf32>,
          %parallel_loop3A_282 = vector.broadcast %parallel_loop3A_199 : f32 to vector<16xf32>
          %parallel_loop3A_283 = arith.mulf %parallel_loop3A_234, %parallel_loop3A_282 : vector<16xf32>
          %parallel_loop3A_284 = arith.index_cast %parallel_loop3A_193 : i32 to index
          %parallel_loop3A_285 = arith.constant 96 : index
          %parallel_loop3A_286 = tpu.vector_load %arg13[%parallel_loop3A_284, %parallel_loop3A_285] {strides = array<i32>} : memref<256x128xf32, #tpu.memory_space<vmem>>, vector<1x16xf32>,
          %parallel_loop3A_287 = vector.shape_cast %parallel_loop3A_286 : vector<1x16xf32> to vector<16xf32>
          %parallel_loop3A_288 = vector.shape_cast %parallel_loop3A_283 : vector<16xf32> to vector<1x16xf32>
          tpu.vector_store %arg13[%parallel_loop3A_284, %parallel_loop3A_285], %parallel_loop3A_288 {add = true, strides = array<i32>} : memref<256x128xf32, #tpu.memory_space<vmem>>, vector<1x16xf32>,
          %parallel_loop3A_289 = vector.broadcast %parallel_loop3A_199 : f32 to vector<16xf32>
          %parallel_loop3A_290 = arith.mulf %parallel_loop3A_239, %parallel_loop3A_289 : vector<16xf32>
          %parallel_loop3A_291 = arith.index_cast %parallel_loop3A_193 : i32 to index
          %parallel_loop3A_292 = arith.constant 112 : index
          %parallel_loop3A_293 = tpu.vector_load %arg13[%parallel_loop3A_291, %parallel_loop3A_292] {strides = array<i32>} : memref<256x128xf32, #tpu.memory_space<vmem>>, vector<1x16xf32>,
          %parallel_loop3A_294 = vector.shape_cast %parallel_loop3A_293 : vector<1x16xf32> to vector<16xf32>
          %parallel_loop3A_295 = vector.shape_cast %parallel_loop3A_290 : vector<16xf32> to vector<1x16xf32>
          tpu.vector_store %arg13[%parallel_loop3A_291, %parallel_loop3A_292], %parallel_loop3A_295 {add = true, strides = array<i32>} : memref<256x128xf32, #tpu.memory_space<vmem>>, vector<1x16xf32>,
        } {sc.loop_unroll_factor = 4 : i64, sc.parallel_access}
        %add3A_183 = arith.constant 256 : i32
        %add3A_184 = arith.addi %min3A_133, %add3A_183 : i32
        %min3A_185 = arith.minsi %squeeze3A_44, %add3A_184 : i32
        scf.yield %min3A_185 : i32
      }
      %while3A_119 = arith.constant 1 : i32
      %while3A_120 = scf.for %while3A_126 = %while3A_116 to %while3A_112 step %while3A_119 iter_args(%while3A_127 = %while3A_118) -> (i32)  : i32 {
        %rem3A_128 = arith.constant 2 : i32
        %rem3A_129 = arith.remsi %while3A_126, %rem3A_128 : i32
        %mul3A_130 = arith.constant 256 : i32
        %mul3A_131 = arith.muli %while3A_126, %mul3A_130 : i32
        %add3A_132 = arith.addi %mul3A_78, %mul3A_131 : i32
        %min3A = arith.constant 2559744 : i32
        %min3A_133 = arith.minsi %add3A_132, %min3A : i32
        %add3A_134 = arith.constant 1 : i32
        %add3A_135 = arith.addi %while3A_126, %add3A_134 : i32
        %lt3A = arith.cmpi slt, %add3A_135, %select_n3A_107 : i32
        %convert_element_type3A_136 = arith.extui %lt3A : i1 to i32
        %cond3A_137 = arith.constant 0 : i32
        %cond3A_138 = arith.cmpi ne, %convert_element_type3A_136, %cond3A_137 : i32
        scf.if %cond3A_138 {
          %add3A_186 = arith.constant 1 : i32
          %add3A_187 = arith.addi %while3A_126, %add3A_186 : i32
          %rem3A_188 = arith.constant 2 : i32
          %rem3A_189 = arith.remsi %add3A_187, %rem3A_188 : i32
          %mul3A_190 = arith.constant 256 : i32
          %mul3A_191 = arith.muli %add3A_187, %mul3A_190 : i32
          %add3A_192 = arith.addi %mul3A_78, %mul3A_191 : i32
          %min3A_193 = arith.constant 2559744 : i32
          %min3A_194 = arith.minsi %add3A_192, %min3A_193 : i32
          %mul3A_195 = arith.constant 256 : i32
          %mul3A_196 = arith.muli %rem3A_189, %mul3A_195 : i32
          %dma_start3A = tpu.memref_slice %arg9[%mul3A_196] : memref<512xi32, #tpu.memory_space<vmem>> -> memref<256xi32, #tpu.memory_space<vmem>>
          %dma_start3A_197 = tpu.memref_slice %arg2[%min3A_194] : memref<2560000xi32, #tpu.memory_space<hbm>> -> memref<256xi32, #tpu.memory_space<hbm>>
          %dma_start3A_198 = tpu.memref_slice %arg9[%mul3A_196] : memref<512xi32, #tpu.memory_space<vmem>> -> memref<256xi32, #tpu.memory_space<vmem>>
          %dma_start3A_199 = tpu.memref_slice %arg2[%min3A_194] : memref<2560000xi32, #tpu.memory_space<hbm>> -> memref<256xi32, #tpu.memory_space<hbm>>
          tpu.enqueue_dma source(%dma_start3A_199 : memref<256xi32, #tpu.memory_space<hbm>>) target(%dma_start3A_198 : memref<256xi32, #tpu.memory_space<vmem>>) target_semaphore(%arg14 : memref<!tpu.dma_semaphore, #tpu.memory_space<semaphore_mem>>)
          %mul3A_200 = arith.constant 272 : i32
          %mul3A_201 = arith.muli %rem3A_189, %mul3A_200 : i32
          %dma_start3A_202 = tpu.memref_slice %arg10[%mul3A_201] : memref<544xf32, #tpu.memory_space<vmem>> -> memref<256xf32, #tpu.memory_space<vmem>>
          %dma_start3A_203 = tpu.memref_slice %arg3[%min3A_194] : memref<2560000xf32, #tpu.memory_space<hbm>> -> memref<256xf32, #tpu.memory_space<hbm>>
          %dma_start3A_204 = tpu.memref_slice %arg10[%mul3A_201] : memref<544xf32, #tpu.memory_space<vmem>> -> memref<256xf32, #tpu.memory_space<vmem>>
          %dma_start3A_205 = tpu.memref_slice %arg3[%min3A_194] : memref<2560000xf32, #tpu.memory_space<hbm>> -> memref<256xf32, #tpu.memory_space<hbm>>
          tpu.enqueue_dma source(%dma_start3A_205 : memref<256xf32, #tpu.memory_space<hbm>>) target(%dma_start3A_204 : memref<256xf32, #tpu.memory_space<vmem>>) target_semaphore(%arg14 : memref<!tpu.dma_semaphore, #tpu.memory_space<semaphore_mem>>)
          %mul3A_206 = arith.constant 272 : i32
          %mul3A_207 = arith.muli %rem3A_189, %mul3A_206 : i32
          %dma_start3A_208 = tpu.memref_slice %arg11[%mul3A_207] : memref<544xi32, #tpu.memory_space<vmem>> -> memref<256xi32, #tpu.memory_space<vmem>>
          %dma_start3A_209 = tpu.memref_slice %arg4[%min3A_194] : memref<2560000xi32, #tpu.memory_space<hbm>> -> memref<256xi32, #tpu.memory_space<hbm>>
          %dma_start3A_210 = tpu.memref_slice %arg11[%mul3A_207] : memref<544xi32, #tpu.memory_space<vmem>> -> memref<256xi32, #tpu.memory_space<vmem>>
          %dma_start3A_211 = tpu.memref_slice %arg4[%min3A_194] : memref<2560000xi32, #tpu.memory_space<hbm>> -> memref<256xi32, #tpu.memory_space<hbm>>
          tpu.enqueue_dma source(%dma_start3A_211 : memref<256xi32, #tpu.memory_space<hbm>>) target(%dma_start3A_210 : memref<256xi32, #tpu.memory_space<vmem>>) target_semaphore(%arg14 : memref<!tpu.dma_semaphore, #tpu.memory_space<semaphore_mem>>)
        } else {
        }
        %rem3A_139 = arith.constant 2 : i32
        %rem3A_140 = arith.remsi %while3A_126, %rem3A_139 : i32
        %mul3A_141 = arith.constant 256 : i32
        %mul3A_142 = arith.muli %rem3A_140, %mul3A_141 : i32
        %add3A_143 = arith.constant 0 : i32
        %add3A_144 = arith.addi %mul3A_142, %add3A_143 : i32
        %mul3A_145 = arith.constant 256 : i32
        %mul3A_146 = arith.muli %rem3A_140, %mul3A_145 : i32
        %add3A_147 = arith.constant 0 : i32
        %add3A_148 = arith.addi %mul3A_146, %add3A_147 : i32
        %dma_wait3A = arith.constant 0 : i32
        %dma_wait3A_149 = tpu.memref_slice %arg12[%add3A_148, %dma_wait3A] : memref<512x128xf32, #tpu.memory_space<vmem>> -> memref<128x128xf32, #tpu.memory_space<vmem>>
        %dma_wait3A_150 = tpu.memref_slice %arg9[%add3A_144] : memref<512xi32, #tpu.memory_space<vmem>> -> memref<128xi32, #tpu.memory_space<vmem>>
        %dma_wait3A_151 = arith.constant 0 : i32
        %dma_wait3A_152 = arith.constant 0 : i32
        %dma_wait3A_153 = tpu.memref_slice %arg5[%dma_wait3A_151, %dma_wait3A_152] : memref<160000x128xf32, #tpu.memory_space<hbm>> -> memref<160000x128xf32, #tpu.memory_space<hbm>>
        tpu.wait_indirect_dma semaphore(%arg15 : memref<!tpu.dma_semaphore, #tpu.memory_space<semaphore_mem>>) src(%dma_wait3A_153 : memref<160000x128xf32, #tpu.memory_space<hbm>>) dst(%dma_wait3A_149 : memref<128x128xf32, #tpu.memory_space<vmem>>)
        %mul3A_154 = arith.constant 256 : i32
        %mul3A_155 = arith.muli %rem3A_140, %mul3A_154 : i32
        %add3A_156 = arith.constant 128 : i32
        %add3A_157 = arith.addi %mul3A_155, %add3A_156 : i32
        %mul3A_158 = arith.constant 256 : i32
        %mul3A_159 = arith.muli %rem3A_140, %mul3A_158 : i32
        %add3A_160 = arith.constant 128 : i32
        %add3A_161 = arith.addi %mul3A_159, %add3A_160 : i32
        %dma_wait3A_162 = arith.constant 0 : i32
        %dma_wait3A_163 = tpu.memref_slice %arg12[%add3A_161, %dma_wait3A_162] : memref<512x128xf32, #tpu.memory_space<vmem>> -> memref<128x128xf32, #tpu.memory_space<vmem>>
        %dma_wait3A_164 = tpu.memref_slice %arg9[%add3A_157] : memref<512xi32, #tpu.memory_space<vmem>> -> memref<128xi32, #tpu.memory_space<vmem>>
        %dma_wait3A_165 = arith.constant 0 : i32
        %dma_wait3A_166 = arith.constant 0 : i32
        %dma_wait3A_167 = tpu.memref_slice %arg5[%dma_wait3A_165, %dma_wait3A_166] : memref<160000x128xf32, #tpu.memory_space<hbm>> -> memref<160000x128xf32, #tpu.memory_space<hbm>>
        tpu.wait_indirect_dma semaphore(%arg15 : memref<!tpu.dma_semaphore, #tpu.memory_space<semaphore_mem>>) src(%dma_wait3A_167 : memref<160000x128xf32, #tpu.memory_space<hbm>>) dst(%dma_wait3A_163 : memref<128x128xf32, #tpu.memory_space<vmem>>)
        %add3A_168 = arith.constant 1 : i32
        %add3A_169 = arith.addi %while3A_126, %add3A_168 : i32
        %lt3A_170 = arith.cmpi slt, %add3A_169, %select_n3A_107 : i32
        %convert_element_type3A_171 = arith.extui %lt3A_170 : i1 to i32
        %cond3A_172 = arith.constant 0 : i32
        %cond3A_173 = arith.cmpi ne, %convert_element_type3A_171, %cond3A_172 : i32
        scf.if %cond3A_173 {
          %add3A_186 = arith.constant 1 : i32
          %add3A_187 = arith.addi %while3A_126, %add3A_186 : i32
          %rem3A_188 = arith.constant 2 : i32
          %rem3A_189 = arith.remsi %add3A_187, %rem3A_188 : i32
          %mul3A_190 = arith.constant 256 : i32
          %mul3A_191 = arith.muli %add3A_187, %mul3A_190 : i32
          %add3A_192 = arith.addi %mul3A_78, %mul3A_191 : i32
          %min3A_193 = arith.constant 2559744 : i32
          %min3A_194 = arith.minsi %add3A_192, %min3A_193 : i32
          %mul3A_195 = arith.constant 256 : i32
          %mul3A_196 = arith.muli %rem3A_189, %mul3A_195 : i32
          %dma_wait3A_197 = tpu.memref_slice %arg9[%mul3A_196] : memref<512xi32, #tpu.memory_space<vmem>> -> memref<256xi32, #tpu.memory_space<vmem>>
          %dma_wait3A_198 = tpu.memref_slice %arg2[%min3A_194] : memref<2560000xi32, #tpu.memory_space<hbm>> -> memref<256xi32, #tpu.memory_space<hbm>>
          %dma_wait3A_199 = tpu.memref_slice %arg9[%mul3A_196] : memref<512xi32, #tpu.memory_space<vmem>> -> memref<256xi32, #tpu.memory_space<vmem>>
          %dma_wait3A_200 = tpu.memref_slice %arg2[%min3A_194] : memref<2560000xi32, #tpu.memory_space<hbm>> -> memref<256xi32, #tpu.memory_space<hbm>>
          tpu.wait_dma2 semaphore(%arg14 : memref<!tpu.dma_semaphore, #tpu.memory_space<semaphore_mem>>) src(%dma_wait3A_200 : memref<256xi32, #tpu.memory_space<hbm>>) dst(%dma_wait3A_199 : memref<256xi32, #tpu.memory_space<vmem>>)
          %mul3A_201 = arith.constant 272 : i32
          %mul3A_202 = arith.muli %rem3A_189, %mul3A_201 : i32
          %dma_wait3A_203 = tpu.memref_slice %arg10[%mul3A_202] : memref<544xf32, #tpu.memory_space<vmem>> -> memref<256xf32, #tpu.memory_space<vmem>>
          %dma_wait3A_204 = tpu.memref_slice %arg3[%min3A_194] : memref<2560000xf32, #tpu.memory_space<hbm>> -> memref<256xf32, #tpu.memory_space<hbm>>
          %dma_wait3A_205 = tpu.memref_slice %arg10[%mul3A_202] : memref<544xf32, #tpu.memory_space<vmem>> -> memref<256xf32, #tpu.memory_space<vmem>>
          %dma_wait3A_206 = tpu.memref_slice %arg3[%min3A_194] : memref<2560000xf32, #tpu.memory_space<hbm>> -> memref<256xf32, #tpu.memory_space<hbm>>
          tpu.wait_dma2 semaphore(%arg14 : memref<!tpu.dma_semaphore, #tpu.memory_space<semaphore_mem>>) src(%dma_wait3A_206 : memref<256xf32, #tpu.memory_space<hbm>>) dst(%dma_wait3A_205 : memref<256xf32, #tpu.memory_space<vmem>>)
          %mul3A_207 = arith.constant 272 : i32
          %mul3A_208 = arith.muli %rem3A_189, %mul3A_207 : i32
          %dma_wait3A_209 = tpu.memref_slice %arg11[%mul3A_208] : memref<544xi32, #tpu.memory_space<vmem>> -> memref<256xi32, #tpu.memory_space<vmem>>
          %dma_wait3A_210 = tpu.memref_slice %arg4[%min3A_194] : memref<2560000xi32, #tpu.memory_space<hbm>> -> memref<256xi32, #tpu.memory_space<hbm>>
          %dma_wait3A_211 = tpu.memref_slice %arg11[%mul3A_208] : memref<544xi32, #tpu.memory_space<vmem>> -> memref<256xi32, #tpu.memory_space<vmem>>
          %dma_wait3A_212 = tpu.memref_slice %arg4[%min3A_194] : memref<2560000xi32, #tpu.memory_space<hbm>> -> memref<256xi32, #tpu.memory_space<hbm>>
          tpu.wait_dma2 semaphore(%arg14 : memref<!tpu.dma_semaphore, #tpu.memory_space<semaphore_mem>>) src(%dma_wait3A_212 : memref<256xi32, #tpu.memory_space<hbm>>) dst(%dma_wait3A_211 : memref<256xi32, #tpu.memory_space<vmem>>)
          %add3A_213 = arith.constant 1 : i32
          %add3A_214 = arith.addi %while3A_126, %add3A_213 : i32
          %rem3A_215 = arith.constant 2 : i32
          %rem3A_216 = arith.remsi %add3A_214, %rem3A_215 : i32
          %mul3A_217 = arith.constant 256 : i32
          %mul3A_218 = arith.muli %rem3A_216, %mul3A_217 : i32
          %add3A_219 = arith.constant 0 : i32
          %add3A_220 = arith.addi %mul3A_218, %add3A_219 : i32
          %mul3A_221 = arith.constant 256 : i32
          %mul3A_222 = arith.muli %rem3A_216, %mul3A_221 : i32
          %add3A_223 = arith.constant 0 : i32
          %add3A_224 = arith.addi %mul3A_222, %add3A_223 : i32
          %dma_start3A = arith.constant 0 : i32
          %dma_start3A_225 = tpu.memref_slice %arg12[%add3A_224, %dma_start3A] : memref<512x128xf32, #tpu.memory_space<vmem>> -> memref<128x128xf32, #tpu.memory_space<vmem>>
          %dma_start3A_226 = tpu.memref_slice %arg9[%add3A_220] : memref<512xi32, #tpu.memory_space<vmem>> -> memref<128xi32, #tpu.memory_space<vmem>>
          %dma_start3A_227 = arith.constant 0 : i32
          %dma_start3A_228 = arith.constant 0 : i32
          %dma_start3A_229 = tpu.memref_slice %arg5[%dma_start3A_227, %dma_start3A_228] : memref<160000x128xf32, #tpu.memory_space<hbm>> -> memref<160000x128xf32, #tpu.memory_space<hbm>>
          tpu.enqueue_indirect_dma source(%dma_start3A_229 : memref<160000x128xf32, #tpu.memory_space<hbm>>) target(%dma_start3A_225 : memref<128x128xf32, #tpu.memory_space<vmem>>) offsets(%dma_start3A_226 : memref<128xi32, #tpu.memory_space<vmem>>) semaphore(%arg15 : memref<!tpu.dma_semaphore, #tpu.memory_space<semaphore_mem>>)
          %mul3A_230 = arith.constant 256 : i32
          %mul3A_231 = arith.muli %rem3A_216, %mul3A_230 : i32
          %add3A_232 = arith.constant 128 : i32
          %add3A_233 = arith.addi %mul3A_231, %add3A_232 : i32
          %mul3A_234 = arith.constant 256 : i32
          %mul3A_235 = arith.muli %rem3A_216, %mul3A_234 : i32
          %add3A_236 = arith.constant 128 : i32
          %add3A_237 = arith.addi %mul3A_235, %add3A_236 : i32
          %dma_start3A_238 = arith.constant 0 : i32
          %dma_start3A_239 = tpu.memref_slice %arg12[%add3A_237, %dma_start3A_238] : memref<512x128xf32, #tpu.memory_space<vmem>> -> memref<128x128xf32, #tpu.memory_space<vmem>>
          %dma_start3A_240 = tpu.memref_slice %arg9[%add3A_233] : memref<512xi32, #tpu.memory_space<vmem>> -> memref<128xi32, #tpu.memory_space<vmem>>
          %dma_start3A_241 = arith.constant 0 : i32
          %dma_start3A_242 = arith.constant 0 : i32
          %dma_start3A_243 = tpu.memref_slice %arg5[%dma_start3A_241, %dma_start3A_242] : memref<160000x128xf32, #tpu.memory_space<hbm>> -> memref<160000x128xf32, #tpu.memory_space<hbm>>
          tpu.enqueue_indirect_dma source(%dma_start3A_243 : memref<160000x128xf32, #tpu.memory_space<hbm>>) target(%dma_start3A_239 : memref<128x128xf32, #tpu.memory_space<vmem>>) offsets(%dma_start3A_240 : memref<128xi32, #tpu.memory_space<vmem>>) semaphore(%arg15 : memref<!tpu.dma_semaphore, #tpu.memory_space<semaphore_mem>>)
        } else {
        }
        %max3A = arith.maxsi %while3A_127, %min3A_133 : i32
        %sub3A_174 = arith.subi %max3A, %min3A_133 : i32
        %add3A_175 = arith.constant 256 : i32
        %add3A_176 = arith.addi %min3A_133, %add3A_175 : i32
        %min3A_177 = arith.minsi %squeeze3A_44, %add3A_176 : i32
        %sub3A_178 = arith.subi %min3A_177, %min3A_133 : i32
        %mul3A_179 = arith.constant 256 : i32
        %mul3A_180 = arith.muli %rem3A_129, %mul3A_179 : i32
        %mul3A_181 = arith.constant 272 : i32
        %mul3A_182 = arith.muli %rem3A_129, %mul3A_181 : i32
        %parallel_loop3A = arith.constant 1 : i32
        scf.for %parallel_loop3A_186 = %sub3A_174 to %sub3A_178 step %parallel_loop3A  : i32 {
          %parallel_loop3A_187 = arith.addi %mul3A_182, %parallel_loop3A_186 : i32
          %parallel_loop3A_188 = arith.index_cast %parallel_loop3A_187 : i32 to index
          %parallel_loop3A_189 = tpu.vector_load %arg11[%parallel_loop3A_188] {strides = array<i32>} : memref<544xi32, #tpu.memory_space<vmem>>, vector<16xi32>,
          %parallel_loop3A_190 = vector.shape_cast %parallel_loop3A_189 : vector<16xi32> to vector<16xi32>
          %parallel_loop3A_191 = vector.extract_strided_slice %parallel_loop3A_190 {offsets = [0], sizes = [1], strides = [1]} : vector<16xi32> to vector<1xi32>
          %parallel_loop3A_192 = vector.extract %parallel_loop3A_191[0] : i32 from vector<1xi32>
          %parallel_loop3A_193 = arith.subi %parallel_loop3A_192, %mul3A_46 : i32
          %parallel_loop3A_194 = arith.addi %mul3A_182, %parallel_loop3A_186 : i32
          %parallel_loop3A_195 = arith.index_cast %parallel_loop3A_194 : i32 to index
          %parallel_loop3A_196 = tpu.vector_load %arg10[%parallel_loop3A_195] {strides = array<i32>} : memref<544xf32, #tpu.memory_space<vmem>>, vector<16xf32>,
          %parallel_loop3A_197 = vector.shape_cast %parallel_loop3A_196 : vector<16xf32> to vector<16xf32>
          %parallel_loop3A_198 = vector.extract_strided_slice %parallel_loop3A_197 {offsets = [0], sizes = [1], strides = [1]} : vector<16xf32> to vector<1xf32>
          %parallel_loop3A_199 = vector.extract %parallel_loop3A_198[0] : f32 from vector<1xf32>
          %parallel_loop3A_200 = arith.addi %mul3A_180, %parallel_loop3A_186 : i32
          %parallel_loop3A_201 = arith.index_cast %parallel_loop3A_200 : i32 to index
          %parallel_loop3A_202 = arith.constant 0 : index
          %parallel_loop3A_203 = tpu.vector_load %arg12[%parallel_loop3A_201, %parallel_loop3A_202] {strides = array<i32>} : memref<512x128xf32, #tpu.memory_space<vmem>>, vector<1x16xf32>,
          %parallel_loop3A_204 = vector.shape_cast %parallel_loop3A_203 : vector<1x16xf32> to vector<16xf32>
          %parallel_loop3A_205 = arith.addi %mul3A_180, %parallel_loop3A_186 : i32
          %parallel_loop3A_206 = arith.index_cast %parallel_loop3A_205 : i32 to index
          %parallel_loop3A_207 = arith.constant 16 : index
          %parallel_loop3A_208 = tpu.vector_load %arg12[%parallel_loop3A_206, %parallel_loop3A_207] {strides = array<i32>} : memref<512x128xf32, #tpu.memory_space<vmem>>, vector<1x16xf32>,
          %parallel_loop3A_209 = vector.shape_cast %parallel_loop3A_208 : vector<1x16xf32> to vector<16xf32>
          %parallel_loop3A_210 = arith.addi %mul3A_180, %parallel_loop3A_186 : i32
          %parallel_loop3A_211 = arith.index_cast %parallel_loop3A_210 : i32 to index
          %parallel_loop3A_212 = arith.constant 32 : index
          %parallel_loop3A_213 = tpu.vector_load %arg12[%parallel_loop3A_211, %parallel_loop3A_212] {strides = array<i32>} : memref<512x128xf32, #tpu.memory_space<vmem>>, vector<1x16xf32>,
          %parallel_loop3A_214 = vector.shape_cast %parallel_loop3A_213 : vector<1x16xf32> to vector<16xf32>
          %parallel_loop3A_215 = arith.addi %mul3A_180, %parallel_loop3A_186 : i32
          %parallel_loop3A_216 = arith.index_cast %parallel_loop3A_215 : i32 to index
          %parallel_loop3A_217 = arith.constant 48 : index
          %parallel_loop3A_218 = tpu.vector_load %arg12[%parallel_loop3A_216, %parallel_loop3A_217] {strides = array<i32>} : memref<512x128xf32, #tpu.memory_space<vmem>>, vector<1x16xf32>,
          %parallel_loop3A_219 = vector.shape_cast %parallel_loop3A_218 : vector<1x16xf32> to vector<16xf32>
          %parallel_loop3A_220 = arith.addi %mul3A_180, %parallel_loop3A_186 : i32
          %parallel_loop3A_221 = arith.index_cast %parallel_loop3A_220 : i32 to index
          %parallel_loop3A_222 = arith.constant 64 : index
          %parallel_loop3A_223 = tpu.vector_load %arg12[%parallel_loop3A_221, %parallel_loop3A_222] {strides = array<i32>} : memref<512x128xf32, #tpu.memory_space<vmem>>, vector<1x16xf32>,
          %parallel_loop3A_224 = vector.shape_cast %parallel_loop3A_223 : vector<1x16xf32> to vector<16xf32>
          %parallel_loop3A_225 = arith.addi %mul3A_180, %parallel_loop3A_186 : i32
          %parallel_loop3A_226 = arith.index_cast %parallel_loop3A_225 : i32 to index
          %parallel_loop3A_227 = arith.constant 80 : index
          %parallel_loop3A_228 = tpu.vector_load %arg12[%parallel_loop3A_226, %parallel_loop3A_227] {strides = array<i32>} : memref<512x128xf32, #tpu.memory_space<vmem>>, vector<1x16xf32>,
          %parallel_loop3A_229 = vector.shape_cast %parallel_loop3A_228 : vector<1x16xf32> to vector<16xf32>
          %parallel_loop3A_230 = arith.addi %mul3A_180, %parallel_loop3A_186 : i32
          %parallel_loop3A_231 = arith.index_cast %parallel_loop3A_230 : i32 to index
          %parallel_loop3A_232 = arith.constant 96 : index
          %parallel_loop3A_233 = tpu.vector_load %arg12[%parallel_loop3A_231, %parallel_loop3A_232] {strides = array<i32>} : memref<512x128xf32, #tpu.memory_space<vmem>>, vector<1x16xf32>,
          %parallel_loop3A_234 = vector.shape_cast %parallel_loop3A_233 : vector<1x16xf32> to vector<16xf32>
          %parallel_loop3A_235 = arith.addi %mul3A_180, %parallel_loop3A_186 : i32
          %parallel_loop3A_236 = arith.index_cast %parallel_loop3A_235 : i32 to index
          %parallel_loop3A_237 = arith.constant 112 : index
          %parallel_loop3A_238 = tpu.vector_load %arg12[%parallel_loop3A_236, %parallel_loop3A_237] {strides = array<i32>} : memref<512x128xf32, #tpu.memory_space<vmem>>, vector<1x16xf32>,
          %parallel_loop3A_239 = vector.shape_cast %parallel_loop3A_238 : vector<1x16xf32> to vector<16xf32>
          %parallel_loop3A_240 = vector.broadcast %parallel_loop3A_199 : f32 to vector<16xf32>
          %parallel_loop3A_241 = arith.mulf %parallel_loop3A_204, %parallel_loop3A_240 : vector<16xf32>
          %parallel_loop3A_242 = arith.index_cast %parallel_loop3A_193 : i32 to index
          %parallel_loop3A_243 = arith.constant 0 : index
          %parallel_loop3A_244 = tpu.vector_load %arg13[%parallel_loop3A_242, %parallel_loop3A_243] {strides = array<i32>} : memref<256x128xf32, #tpu.memory_space<vmem>>, vector<1x16xf32>,
          %parallel_loop3A_245 = vector.shape_cast %parallel_loop3A_244 : vector<1x16xf32> to vector<16xf32>
          %parallel_loop3A_246 = vector.shape_cast %parallel_loop3A_241 : vector<16xf32> to vector<1x16xf32>
          tpu.vector_store %arg13[%parallel_loop3A_242, %parallel_loop3A_243], %parallel_loop3A_246 {add = true, strides = array<i32>} : memref<256x128xf32, #tpu.memory_space<vmem>>, vector<1x16xf32>,
          %parallel_loop3A_247 = vector.broadcast %parallel_loop3A_199 : f32 to vector<16xf32>
          %parallel_loop3A_248 = arith.mulf %parallel_loop3A_209, %parallel_loop3A_247 : vector<16xf32>
          %parallel_loop3A_249 = arith.index_cast %parallel_loop3A_193 : i32 to index
          %parallel_loop3A_250 = arith.constant 16 : index
          %parallel_loop3A_251 = tpu.vector_load %arg13[%parallel_loop3A_249, %parallel_loop3A_250] {strides = array<i32>} : memref<256x128xf32, #tpu.memory_space<vmem>>, vector<1x16xf32>,
          %parallel_loop3A_252 = vector.shape_cast %parallel_loop3A_251 : vector<1x16xf32> to vector<16xf32>
          %parallel_loop3A_253 = vector.shape_cast %parallel_loop3A_248 : vector<16xf32> to vector<1x16xf32>
          tpu.vector_store %arg13[%parallel_loop3A_249, %parallel_loop3A_250], %parallel_loop3A_253 {add = true, strides = array<i32>} : memref<256x128xf32, #tpu.memory_space<vmem>>, vector<1x16xf32>,
          %parallel_loop3A_254 = vector.broadcast %parallel_loop3A_199 : f32 to vector<16xf32>
          %parallel_loop3A_255 = arith.mulf %parallel_loop3A_214, %parallel_loop3A_254 : vector<16xf32>
          %parallel_loop3A_256 = arith.index_cast %parallel_loop3A_193 : i32 to index
          %parallel_loop3A_257 = arith.constant 32 : index
          %parallel_loop3A_258 = tpu.vector_load %arg13[%parallel_loop3A_256, %parallel_loop3A_257] {strides = array<i32>} : memref<256x128xf32, #tpu.memory_space<vmem>>, vector<1x16xf32>,
          %parallel_loop3A_259 = vector.shape_cast %parallel_loop3A_258 : vector<1x16xf32> to vector<16xf32>
          %parallel_loop3A_260 = vector.shape_cast %parallel_loop3A_255 : vector<16xf32> to vector<1x16xf32>
          tpu.vector_store %arg13[%parallel_loop3A_256, %parallel_loop3A_257], %parallel_loop3A_260 {add = true, strides = array<i32>} : memref<256x128xf32, #tpu.memory_space<vmem>>, vector<1x16xf32>,
          %parallel_loop3A_261 = vector.broadcast %parallel_loop3A_199 : f32 to vector<16xf32>
          %parallel_loop3A_262 = arith.mulf %parallel_loop3A_219, %parallel_loop3A_261 : vector<16xf32>
          %parallel_loop3A_263 = arith.index_cast %parallel_loop3A_193 : i32 to index
          %parallel_loop3A_264 = arith.constant 48 : index
          %parallel_loop3A_265 = tpu.vector_load %arg13[%parallel_loop3A_263, %parallel_loop3A_264] {strides = array<i32>} : memref<256x128xf32, #tpu.memory_space<vmem>>, vector<1x16xf32>,
          %parallel_loop3A_266 = vector.shape_cast %parallel_loop3A_265 : vector<1x16xf32> to vector<16xf32>
          %parallel_loop3A_267 = vector.shape_cast %parallel_loop3A_262 : vector<16xf32> to vector<1x16xf32>
          tpu.vector_store %arg13[%parallel_loop3A_263, %parallel_loop3A_264], %parallel_loop3A_267 {add = true, strides = array<i32>} : memref<256x128xf32, #tpu.memory_space<vmem>>, vector<1x16xf32>,
          %parallel_loop3A_268 = vector.broadcast %parallel_loop3A_199 : f32 to vector<16xf32>
          %parallel_loop3A_269 = arith.mulf %parallel_loop3A_224, %parallel_loop3A_268 : vector<16xf32>
          %parallel_loop3A_270 = arith.index_cast %parallel_loop3A_193 : i32 to index
          %parallel_loop3A_271 = arith.constant 64 : index
          %parallel_loop3A_272 = tpu.vector_load %arg13[%parallel_loop3A_270, %parallel_loop3A_271] {strides = array<i32>} : memref<256x128xf32, #tpu.memory_space<vmem>>, vector<1x16xf32>,
          %parallel_loop3A_273 = vector.shape_cast %parallel_loop3A_272 : vector<1x16xf32> to vector<16xf32>
          %parallel_loop3A_274 = vector.shape_cast %parallel_loop3A_269 : vector<16xf32> to vector<1x16xf32>
          tpu.vector_store %arg13[%parallel_loop3A_270, %parallel_loop3A_271], %parallel_loop3A_274 {add = true, strides = array<i32>} : memref<256x128xf32, #tpu.memory_space<vmem>>, vector<1x16xf32>,
          %parallel_loop3A_275 = vector.broadcast %parallel_loop3A_199 : f32 to vector<16xf32>
          %parallel_loop3A_276 = arith.mulf %parallel_loop3A_229, %parallel_loop3A_275 : vector<16xf32>
          %parallel_loop3A_277 = arith.index_cast %parallel_loop3A_193 : i32 to index
          %parallel_loop3A_278 = arith.constant 80 : index
          %parallel_loop3A_279 = tpu.vector_load %arg13[%parallel_loop3A_277, %parallel_loop3A_278] {strides = array<i32>} : memref<256x128xf32, #tpu.memory_space<vmem>>, vector<1x16xf32>,
          %parallel_loop3A_280 = vector.shape_cast %parallel_loop3A_279 : vector<1x16xf32> to vector<16xf32>
          %parallel_loop3A_281 = vector.shape_cast %parallel_loop3A_276 : vector<16xf32> to vector<1x16xf32>
          tpu.vector_store %arg13[%parallel_loop3A_277, %parallel_loop3A_278], %parallel_loop3A_281 {add = true, strides = array<i32>} : memref<256x128xf32, #tpu.memory_space<vmem>>, vector<1x16xf32>,
          %parallel_loop3A_282 = vector.broadcast %parallel_loop3A_199 : f32 to vector<16xf32>
          %parallel_loop3A_283 = arith.mulf %parallel_loop3A_234, %parallel_loop3A_282 : vector<16xf32>
          %parallel_loop3A_284 = arith.index_cast %parallel_loop3A_193 : i32 to index
          %parallel_loop3A_285 = arith.constant 96 : index
          %parallel_loop3A_286 = tpu.vector_load %arg13[%parallel_loop3A_284, %parallel_loop3A_285] {strides = array<i32>} : memref<256x128xf32, #tpu.memory_space<vmem>>, vector<1x16xf32>,
          %parallel_loop3A_287 = vector.shape_cast %parallel_loop3A_286 : vector<1x16xf32> to vector<16xf32>
          %parallel_loop3A_288 = vector.shape_cast %parallel_loop3A_283 : vector<16xf32> to vector<1x16xf32>
          tpu.vector_store %arg13[%parallel_loop3A_284, %parallel_loop3A_285], %parallel_loop3A_288 {add = true, strides = array<i32>} : memref<256x128xf32, #tpu.memory_space<vmem>>, vector<1x16xf32>,
          %parallel_loop3A_289 = vector.broadcast %parallel_loop3A_199 : f32 to vector<16xf32>
          %parallel_loop3A_290 = arith.mulf %parallel_loop3A_239, %parallel_loop3A_289 : vector<16xf32>
          %parallel_loop3A_291 = arith.index_cast %parallel_loop3A_193 : i32 to index
          %parallel_loop3A_292 = arith.constant 112 : index
          %parallel_loop3A_293 = tpu.vector_load %arg13[%parallel_loop3A_291, %parallel_loop3A_292] {strides = array<i32>} : memref<256x128xf32, #tpu.memory_space<vmem>>, vector<1x16xf32>,
          %parallel_loop3A_294 = vector.shape_cast %parallel_loop3A_293 : vector<1x16xf32> to vector<16xf32>
          %parallel_loop3A_295 = vector.shape_cast %parallel_loop3A_290 : vector<16xf32> to vector<1x16xf32>
          tpu.vector_store %arg13[%parallel_loop3A_291, %parallel_loop3A_292], %parallel_loop3A_295 {add = true, strides = array<i32>} : memref<256x128xf32, #tpu.memory_space<vmem>>, vector<1x16xf32>,
        } {sc.loop_unroll_factor = 4 : i64, sc.parallel_access}
        %add3A_183 = arith.constant 256 : i32
        %add3A_184 = arith.addi %min3A_133, %add3A_183 : i32
        %min3A_185 = arith.minsi %squeeze3A_44, %add3A_184 : i32
        scf.yield %min3A_185 : i32
      }
      %sub3A_121 = arith.constant 0 : i32
      %sub3A_122 = arith.subi %add3A_40, %sub3A_121 : i32
      %mul3A_123 = arith.constant 256 : i32
      %mul3A_124 = arith.muli %sub3A_122, %mul3A_123 : i32
      "tpu.region"() ({
        %run_scoped3A = tpu.sem_alloc : memref<!tpu.dma_semaphore, #tpu.memory_space<semaphore_mem>>
        %dma_start3A = arith.constant 0 : i32
        %dma_start3A_126 = tpu.memref_slice %arg7[%mul3A_124, %dma_start3A] : memref<160000x128xf32, #tpu.memory_space<hbm>> -> memref<256x128xf32, #tpu.memory_space<hbm>>
        %dma_start3A_127 = arith.constant 0 : i32
        %dma_start3A_128 = tpu.memref_slice %arg7[%mul3A_124, %dma_start3A_127] : memref<160000x128xf32, #tpu.memory_space<hbm>> -> memref<256x128xf32, #tpu.memory_space<hbm>>
        tpu.enqueue_dma source(%arg13 : memref<256x128xf32, #tpu.memory_space<vmem>>) target(%dma_start3A_128 : memref<256x128xf32, #tpu.memory_space<hbm>>) target_semaphore(%run_scoped3A : memref<!tpu.dma_semaphore, #tpu.memory_space<semaphore_mem>>)
        %dma_wait3A = arith.constant 0 : i32
        %dma_wait3A_129 = tpu.memref_slice %arg7[%mul3A_124, %dma_wait3A] : memref<160000x128xf32, #tpu.memory_space<hbm>> -> memref<256x128xf32, #tpu.memory_space<hbm>>
        %dma_wait3A_130 = arith.constant 0 : i32
        %dma_wait3A_131 = tpu.memref_slice %arg7[%mul3A_124, %dma_wait3A_130] : memref<160000x128xf32, #tpu.memory_space<hbm>> -> memref<256x128xf32, #tpu.memory_space<hbm>>
        tpu.wait_dma2 semaphore(%run_scoped3A : memref<!tpu.dma_semaphore, #tpu.memory_space<semaphore_mem>>) src(%arg13 : memref<256x128xf32, #tpu.memory_space<vmem>>) dst(%dma_wait3A_131 : memref<256x128xf32, #tpu.memory_space<hbm>>)
        tpu.yield
      }) : () -> ()
      %while3A_125 = arith.constant 0 : i32
      scf.yield %while3A_125 : i32
    }
    %while3A_32 = arith.constant 1 : i32
    %while3A_33 = scf.for %while3A_34 = %while3A_29 to %while3A_25 step %while3A_32 iter_args(%while3A_35 = %while3A_31) -> (i32)  : i32 {
      %add3A_36 = arith.constant 0 : i32
      %add3A_37 = arith.addi %add3A_36, %add3A : i32
      %mul3A_38 = arith.constant 32 : i32
      %mul3A_39 = arith.muli %while3A_34, %mul3A_38 : i32
      %add3A_40 = arith.addi %add3A_37, %mul3A_39 : i32
      %get3A = arith.index_cast %add3A_40 : i32 to index
      %get3A_41 = tpu.vector_load %arg8[%get3A] {strides = array<i32>} : memref<648xi32, #tpu.memory_space<vmem>>, vector<16xi32>,
      %get3A_42 = vector.shape_cast %get3A_41 : vector<16xi32> to vector<16xi32>
      %slice3A = vector.extract_strided_slice %get3A_42 {offsets = [0], sizes = [1], strides = [1]} : vector<16xi32> to vector<1xi32>
      %squeeze3A = vector.extract %slice3A[0] : i32 from vector<1xi32>
      %slice3A_43 = vector.extract_strided_slice %get3A_42 {offsets = [1], sizes = [1], strides = [1]} : vector<16xi32> to vector<1xi32>
      %squeeze3A_44 = vector.extract %slice3A_43[0] : i32 from vector<1xi32>
      %mul3A_45 = arith.constant 256 : i32
      %mul3A_46 = arith.muli %add3A_40, %mul3A_45 : i32
      %scan3A = arith.constant 0 : i32
      %scan3A_47 = arith.constant 0 : i32
      %scan3A_48 = arith.constant 256 : i32
      %scan3A_49 = arith.addi %scan3A_47, %scan3A_48 : i32
      %scan3A_50 = arith.constant 1 : i32
      %scan3A_51 = scf.for %scan3A_126 = %scan3A_47 to %scan3A_49 step %scan3A_50 iter_args(%scan3A_127 = %scan3A) -> (i32)  : i32 {
        %broadcast_in_dim3A = arith.constant 0.000000e+00 : f32
        %broadcast_in_dim3A_128 = vector.broadcast %broadcast_in_dim3A : f32 to vector<16xf32>
        %swap3A = arith.index_cast %scan3A_126 : i32 to index
        %swap3A_129 = arith.constant 0 : index
        %swap3A_130 = tpu.vector_load %arg13[%swap3A, %swap3A_129] {strides = array<i32>} : memref<256x128xf32, #tpu.memory_space<vmem>>, vector<1x16xf32>,
        %swap3A_131 = vector.shape_cast %swap3A_130 : vector<1x16xf32> to vector<16xf32>
        %swap3A_132 = vector.shape_cast %broadcast_in_dim3A_128 : vector<16xf32> to vector<1x16xf32>
        tpu.vector_store %arg13[%swap3A, %swap3A_129], %swap3A_132 {strides = array<i32>} : memref<256x128xf32, #tpu.memory_space<vmem>>, vector<1x16xf32>,
        %broadcast_in_dim3A_133 = arith.constant 0.000000e+00 : f32
        %broadcast_in_dim3A_134 = vector.broadcast %broadcast_in_dim3A_133 : f32 to vector<16xf32>
        %swap3A_135 = arith.index_cast %scan3A_126 : i32 to index
        %swap3A_136 = arith.constant 16 : index
        %swap3A_137 = tpu.vector_load %arg13[%swap3A_135, %swap3A_136] {strides = array<i32>} : memref<256x128xf32, #tpu.memory_space<vmem>>, vector<1x16xf32>,
        %swap3A_138 = vector.shape_cast %swap3A_137 : vector<1x16xf32> to vector<16xf32>
        %swap3A_139 = vector.shape_cast %broadcast_in_dim3A_134 : vector<16xf32> to vector<1x16xf32>
        tpu.vector_store %arg13[%swap3A_135, %swap3A_136], %swap3A_139 {strides = array<i32>} : memref<256x128xf32, #tpu.memory_space<vmem>>, vector<1x16xf32>,
        %broadcast_in_dim3A_140 = arith.constant 0.000000e+00 : f32
        %broadcast_in_dim3A_141 = vector.broadcast %broadcast_in_dim3A_140 : f32 to vector<16xf32>
        %swap3A_142 = arith.index_cast %scan3A_126 : i32 to index
        %swap3A_143 = arith.constant 32 : index
        %swap3A_144 = tpu.vector_load %arg13[%swap3A_142, %swap3A_143] {strides = array<i32>} : memref<256x128xf32, #tpu.memory_space<vmem>>, vector<1x16xf32>,
        %swap3A_145 = vector.shape_cast %swap3A_144 : vector<1x16xf32> to vector<16xf32>
        %swap3A_146 = vector.shape_cast %broadcast_in_dim3A_141 : vector<16xf32> to vector<1x16xf32>
        tpu.vector_store %arg13[%swap3A_142, %swap3A_143], %swap3A_146 {strides = array<i32>} : memref<256x128xf32, #tpu.memory_space<vmem>>, vector<1x16xf32>,
        %broadcast_in_dim3A_147 = arith.constant 0.000000e+00 : f32
        %broadcast_in_dim3A_148 = vector.broadcast %broadcast_in_dim3A_147 : f32 to vector<16xf32>
        %swap3A_149 = arith.index_cast %scan3A_126 : i32 to index
        %swap3A_150 = arith.constant 48 : index
        %swap3A_151 = tpu.vector_load %arg13[%swap3A_149, %swap3A_150] {strides = array<i32>} : memref<256x128xf32, #tpu.memory_space<vmem>>, vector<1x16xf32>,
        %swap3A_152 = vector.shape_cast %swap3A_151 : vector<1x16xf32> to vector<16xf32>
        %swap3A_153 = vector.shape_cast %broadcast_in_dim3A_148 : vector<16xf32> to vector<1x16xf32>
        tpu.vector_store %arg13[%swap3A_149, %swap3A_150], %swap3A_153 {strides = array<i32>} : memref<256x128xf32, #tpu.memory_space<vmem>>, vector<1x16xf32>,
        %broadcast_in_dim3A_154 = arith.constant 0.000000e+00 : f32
        %broadcast_in_dim3A_155 = vector.broadcast %broadcast_in_dim3A_154 : f32 to vector<16xf32>
        %swap3A_156 = arith.index_cast %scan3A_126 : i32 to index
        %swap3A_157 = arith.constant 64 : index
        %swap3A_158 = tpu.vector_load %arg13[%swap3A_156, %swap3A_157] {strides = array<i32>} : memref<256x128xf32, #tpu.memory_space<vmem>>, vector<1x16xf32>,
        %swap3A_159 = vector.shape_cast %swap3A_158 : vector<1x16xf32> to vector<16xf32>
        %swap3A_160 = vector.shape_cast %broadcast_in_dim3A_155 : vector<16xf32> to vector<1x16xf32>
        tpu.vector_store %arg13[%swap3A_156, %swap3A_157], %swap3A_160 {strides = array<i32>} : memref<256x128xf32, #tpu.memory_space<vmem>>, vector<1x16xf32>,
        %broadcast_in_dim3A_161 = arith.constant 0.000000e+00 : f32
        %broadcast_in_dim3A_162 = vector.broadcast %broadcast_in_dim3A_161 : f32 to vector<16xf32>
        %swap3A_163 = arith.index_cast %scan3A_126 : i32 to index
        %swap3A_164 = arith.constant 80 : index
        %swap3A_165 = tpu.vector_load %arg13[%swap3A_163, %swap3A_164] {strides = array<i32>} : memref<256x128xf32, #tpu.memory_space<vmem>>, vector<1x16xf32>,
        %swap3A_166 = vector.shape_cast %swap3A_165 : vector<1x16xf32> to vector<16xf32>
        %swap3A_167 = vector.shape_cast %broadcast_in_dim3A_162 : vector<16xf32> to vector<1x16xf32>
        tpu.vector_store %arg13[%swap3A_163, %swap3A_164], %swap3A_167 {strides = array<i32>} : memref<256x128xf32, #tpu.memory_space<vmem>>, vector<1x16xf32>,
        %broadcast_in_dim3A_168 = arith.constant 0.000000e+00 : f32
        %broadcast_in_dim3A_169 = vector.broadcast %broadcast_in_dim3A_168 : f32 to vector<16xf32>
        %swap3A_170 = arith.index_cast %scan3A_126 : i32 to index
        %swap3A_171 = arith.constant 96 : index
        %swap3A_172 = tpu.vector_load %arg13[%swap3A_170, %swap3A_171] {strides = array<i32>} : memref<256x128xf32, #tpu.memory_space<vmem>>, vector<1x16xf32>,
        %swap3A_173 = vector.shape_cast %swap3A_172 : vector<1x16xf32> to vector<16xf32>
        %swap3A_174 = vector.shape_cast %broadcast_in_dim3A_169 : vector<16xf32> to vector<1x16xf32>
        tpu.vector_store %arg13[%swap3A_170, %swap3A_171], %swap3A_174 {strides = array<i32>} : memref<256x128xf32, #tpu.memory_space<vmem>>, vector<1x16xf32>,
        %broadcast_in_dim3A_175 = arith.constant 0.000000e+00 : f32
        %broadcast_in_dim3A_176 = vector.broadcast %broadcast_in_dim3A_175 : f32 to vector<16xf32>
        %swap3A_177 = arith.index_cast %scan3A_126 : i32 to index
        %swap3A_178 = arith.constant 112 : index
        %swap3A_179 = tpu.vector_load %arg13[%swap3A_177, %swap3A_178] {strides = array<i32>} : memref<256x128xf32, #tpu.memory_space<vmem>>, vector<1x16xf32>,
        %swap3A_180 = vector.shape_cast %swap3A_179 : vector<1x16xf32> to vector<16xf32>
        %swap3A_181 = vector.shape_cast %broadcast_in_dim3A_176 : vector<16xf32> to vector<1x16xf32>
        tpu.vector_store %arg13[%swap3A_177, %swap3A_178], %swap3A_181 {strides = array<i32>} : memref<256x128xf32, #tpu.memory_space<vmem>>, vector<1x16xf32>,
        %scan3A_182 = arith.constant 0 : i32
        scf.yield %scan3A_182 : i32
      }
      %scan3A_52 = arith.constant 256 : i32
      %jit3A_53 = arith.constant 8 : i32
      %div3A_54 = arith.divsi %squeeze3A, %jit3A_53 : i32
      %sign3A_55 = arith.constant 0 : i32
      %sign3A_56 = arith.cmpi sgt, %squeeze3A, %sign3A_55 : i32
      %sign3A_57 = arith.extui %sign3A_56 : i1 to i32
      %sign3A_58 = arith.constant 0 : i32
      %sign3A_59 = arith.cmpi slt, %squeeze3A, %sign3A_58 : i32
      %sign3A_60 = arith.extui %sign3A_59 : i1 to i32
      %sign3A_61 = arith.subi %sign3A_57, %sign3A_60 : i32
      %sign3A_62 = arith.constant 0 : i32
      %sign3A_63 = arith.cmpi sgt, %jit3A_53, %sign3A_62 : i32
      %sign3A_64 = arith.extui %sign3A_63 : i1 to i32
      %sign3A_65 = arith.constant 0 : i32
      %sign3A_66 = arith.cmpi slt, %jit3A_53, %sign3A_65 : i32
      %sign3A_67 = arith.extui %sign3A_66 : i1 to i32
      %sign3A_68 = arith.subi %sign3A_64, %sign3A_67 : i32
      %ne3A_69 = arith.cmpi ne, %sign3A_61, %sign3A_68 : i32
      %rem3A_70 = arith.remsi %squeeze3A, %jit3A_53 : i32
      %ne3A_71 = arith.constant 0 : i32
      %ne3A_72 = arith.cmpi ne, %rem3A_70, %ne3A_71 : i32
      %and3A_73 = arith.andi %ne3A_69, %ne3A_72 : i1
      %sub3A_74 = arith.constant 1 : i32
      %sub3A_75 = arith.subi %div3A_54, %sub3A_74 : i32
      %select_n3A_76 = arith.select %and3A_73, %sub3A_75, %div3A_54 : i32
      %mul3A_77 = arith.constant 8 : i32
      %mul3A_78 = arith.muli %select_n3A_76, %mul3A_77 : i32
      %sub3A_79 = arith.subi %squeeze3A_44, %mul3A_78 : i32
      %add3A_80 = arith.constant 256 : i32
      %add3A_81 = arith.addi %sub3A_79, %add3A_80 : i32
      %sub3A_82 = arith.constant 1 : i32
      %sub3A_83 = arith.subi %add3A_81, %sub3A_82 : i32
      %jit3A_84 = arith.constant 256 : i32
      %div3A_85 = arith.divsi %sub3A_83, %jit3A_84 : i32
      %sign3A_86 = arith.constant 0 : i32
      %sign3A_87 = arith.cmpi sgt, %sub3A_83, %sign3A_86 : i32
      %sign3A_88 = arith.extui %sign3A_87 : i1 to i32
      %sign3A_89 = arith.constant 0 : i32
      %sign3A_90 = arith.cmpi slt, %sub3A_83, %sign3A_89 : i32
      %sign3A_91 = arith.extui %sign3A_90 : i1 to i32
      %sign3A_92 = arith.subi %sign3A_88, %sign3A_91 : i32
      %sign3A_93 = arith.constant 0 : i32
      %sign3A_94 = arith.cmpi sgt, %jit3A_84, %sign3A_93 : i32
      %sign3A_95 = arith.extui %sign3A_94 : i1 to i32
      %sign3A_96 = arith.constant 0 : i32
      %sign3A_97 = arith.cmpi slt, %jit3A_84, %sign3A_96 : i32
      %sign3A_98 = arith.extui %sign3A_97 : i1 to i32
      %sign3A_99 = arith.subi %sign3A_95, %sign3A_98 : i32
      %ne3A_100 = arith.cmpi ne, %sign3A_92, %sign3A_99 : i32
      %rem3A_101 = arith.remsi %sub3A_83, %jit3A_84 : i32
      %ne3A_102 = arith.constant 0 : i32
      %ne3A_103 = arith.cmpi ne, %rem3A_101, %ne3A_102 : i32
      %and3A_104 = arith.andi %ne3A_100, %ne3A_103 : i1
      %sub3A_105 = arith.constant 1 : i32
      %sub3A_106 = arith.subi %div3A_85, %sub3A_105 : i32
      %select_n3A_107 = arith.select %and3A_104, %sub3A_106, %div3A_85 : i32
      %gt3A = arith.constant 0 : i32
      %gt3A_108 = arith.cmpi sgt, %select_n3A_107, %gt3A : i32
      %convert_element_type3A = arith.extui %gt3A_108 : i1 to i32
      %cond3A = arith.constant 0 : i32
      %cond3A_109 = arith.cmpi ne, %convert_element_type3A, %cond3A : i32
      scf.if %cond3A_109 {
        %rem3A_126 = arith.constant 0 : i32
        %rem3A_127 = arith.constant 2 : i32
        %rem3A_128 = arith.remsi %rem3A_126, %rem3A_127 : i32
        %add3A_129 = arith.constant 0 : i32
        %add3A_130 = arith.addi %mul3A_78, %add3A_129 : i32
        %min3A = arith.constant 2559744 : i32
        %min3A_131 = arith.minsi %add3A_130, %min3A : i32
        %mul3A_132 = arith.constant 256 : i32
        %mul3A_133 = arith.muli %rem3A_128, %mul3A_132 : i32
        %dma_start3A = tpu.memref_slice %arg9[%mul3A_133] : memref<512xi32, #tpu.memory_space<vmem>> -> memref<256xi32, #tpu.memory_space<vmem>>
        %dma_start3A_134 = tpu.memref_slice %arg2[%min3A_131] : memref<2560000xi32, #tpu.memory_space<hbm>> -> memref<256xi32, #tpu.memory_space<hbm>>
        %dma_start3A_135 = tpu.memref_slice %arg9[%mul3A_133] : memref<512xi32, #tpu.memory_space<vmem>> -> memref<256xi32, #tpu.memory_space<vmem>>
        %dma_start3A_136 = tpu.memref_slice %arg2[%min3A_131] : memref<2560000xi32, #tpu.memory_space<hbm>> -> memref<256xi32, #tpu.memory_space<hbm>>
        tpu.enqueue_dma source(%dma_start3A_136 : memref<256xi32, #tpu.memory_space<hbm>>) target(%dma_start3A_135 : memref<256xi32, #tpu.memory_space<vmem>>) target_semaphore(%arg14 : memref<!tpu.dma_semaphore, #tpu.memory_space<semaphore_mem>>)
        %mul3A_137 = arith.constant 272 : i32
        %mul3A_138 = arith.muli %rem3A_128, %mul3A_137 : i32
        %dma_start3A_139 = tpu.memref_slice %arg10[%mul3A_138] : memref<544xf32, #tpu.memory_space<vmem>> -> memref<256xf32, #tpu.memory_space<vmem>>
        %dma_start3A_140 = tpu.memref_slice %arg3[%min3A_131] : memref<2560000xf32, #tpu.memory_space<hbm>> -> memref<256xf32, #tpu.memory_space<hbm>>
        %dma_start3A_141 = tpu.memref_slice %arg10[%mul3A_138] : memref<544xf32, #tpu.memory_space<vmem>> -> memref<256xf32, #tpu.memory_space<vmem>>
        %dma_start3A_142 = tpu.memref_slice %arg3[%min3A_131] : memref<2560000xf32, #tpu.memory_space<hbm>> -> memref<256xf32, #tpu.memory_space<hbm>>
        tpu.enqueue_dma source(%dma_start3A_142 : memref<256xf32, #tpu.memory_space<hbm>>) target(%dma_start3A_141 : memref<256xf32, #tpu.memory_space<vmem>>) target_semaphore(%arg14 : memref<!tpu.dma_semaphore, #tpu.memory_space<semaphore_mem>>)
        %mul3A_143 = arith.constant 272 : i32
        %mul3A_144 = arith.muli %rem3A_128, %mul3A_143 : i32
        %dma_start3A_145 = tpu.memref_slice %arg11[%mul3A_144] : memref<544xi32, #tpu.memory_space<vmem>> -> memref<256xi32, #tpu.memory_space<vmem>>
        %dma_start3A_146 = tpu.memref_slice %arg4[%min3A_131] : memref<2560000xi32, #tpu.memory_space<hbm>> -> memref<256xi32, #tpu.memory_space<hbm>>
        %dma_start3A_147 = tpu.memref_slice %arg11[%mul3A_144] : memref<544xi32, #tpu.memory_space<vmem>> -> memref<256xi32, #tpu.memory_space<vmem>>
        %dma_start3A_148 = tpu.memref_slice %arg4[%min3A_131] : memref<2560000xi32, #tpu.memory_space<hbm>> -> memref<256xi32, #tpu.memory_space<hbm>>
        tpu.enqueue_dma source(%dma_start3A_148 : memref<256xi32, #tpu.memory_space<hbm>>) target(%dma_start3A_147 : memref<256xi32, #tpu.memory_space<vmem>>) target_semaphore(%arg14 : memref<!tpu.dma_semaphore, #tpu.memory_space<semaphore_mem>>)
        %rem3A_149 = arith.constant 0 : i32
        %rem3A_150 = arith.constant 2 : i32
        %rem3A_151 = arith.remsi %rem3A_149, %rem3A_150 : i32
        %add3A_152 = arith.constant 0 : i32
        %add3A_153 = arith.addi %mul3A_78, %add3A_152 : i32
        %min3A_154 = arith.constant 2559744 : i32
        %min3A_155 = arith.minsi %add3A_153, %min3A_154 : i32
        %mul3A_156 = arith.constant 256 : i32
        %mul3A_157 = arith.muli %rem3A_151, %mul3A_156 : i32
        %dma_wait3A = tpu.memref_slice %arg9[%mul3A_157] : memref<512xi32, #tpu.memory_space<vmem>> -> memref<256xi32, #tpu.memory_space<vmem>>
        %dma_wait3A_158 = tpu.memref_slice %arg2[%min3A_155] : memref<2560000xi32, #tpu.memory_space<hbm>> -> memref<256xi32, #tpu.memory_space<hbm>>
        %dma_wait3A_159 = tpu.memref_slice %arg9[%mul3A_157] : memref<512xi32, #tpu.memory_space<vmem>> -> memref<256xi32, #tpu.memory_space<vmem>>
        %dma_wait3A_160 = tpu.memref_slice %arg2[%min3A_155] : memref<2560000xi32, #tpu.memory_space<hbm>> -> memref<256xi32, #tpu.memory_space<hbm>>
        tpu.wait_dma2 semaphore(%arg14 : memref<!tpu.dma_semaphore, #tpu.memory_space<semaphore_mem>>) src(%dma_wait3A_160 : memref<256xi32, #tpu.memory_space<hbm>>) dst(%dma_wait3A_159 : memref<256xi32, #tpu.memory_space<vmem>>)
        %mul3A_161 = arith.constant 272 : i32
        %mul3A_162 = arith.muli %rem3A_151, %mul3A_161 : i32
        %dma_wait3A_163 = tpu.memref_slice %arg10[%mul3A_162] : memref<544xf32, #tpu.memory_space<vmem>> -> memref<256xf32, #tpu.memory_space<vmem>>
        %dma_wait3A_164 = tpu.memref_slice %arg3[%min3A_155] : memref<2560000xf32, #tpu.memory_space<hbm>> -> memref<256xf32, #tpu.memory_space<hbm>>
        %dma_wait3A_165 = tpu.memref_slice %arg10[%mul3A_162] : memref<544xf32, #tpu.memory_space<vmem>> -> memref<256xf32, #tpu.memory_space<vmem>>
        %dma_wait3A_166 = tpu.memref_slice %arg3[%min3A_155] : memref<2560000xf32, #tpu.memory_space<hbm>> -> memref<256xf32, #tpu.memory_space<hbm>>
        tpu.wait_dma2 semaphore(%arg14 : memref<!tpu.dma_semaphore, #tpu.memory_space<semaphore_mem>>) src(%dma_wait3A_166 : memref<256xf32, #tpu.memory_space<hbm>>) dst(%dma_wait3A_165 : memref<256xf32, #tpu.memory_space<vmem>>)
        %mul3A_167 = arith.constant 272 : i32
        %mul3A_168 = arith.muli %rem3A_151, %mul3A_167 : i32
        %dma_wait3A_169 = tpu.memref_slice %arg11[%mul3A_168] : memref<544xi32, #tpu.memory_space<vmem>> -> memref<256xi32, #tpu.memory_space<vmem>>
        %dma_wait3A_170 = tpu.memref_slice %arg4[%min3A_155] : memref<2560000xi32, #tpu.memory_space<hbm>> -> memref<256xi32, #tpu.memory_space<hbm>>
        %dma_wait3A_171 = tpu.memref_slice %arg11[%mul3A_168] : memref<544xi32, #tpu.memory_space<vmem>> -> memref<256xi32, #tpu.memory_space<vmem>>
        %dma_wait3A_172 = tpu.memref_slice %arg4[%min3A_155] : memref<2560000xi32, #tpu.memory_space<hbm>> -> memref<256xi32, #tpu.memory_space<hbm>>
        tpu.wait_dma2 semaphore(%arg14 : memref<!tpu.dma_semaphore, #tpu.memory_space<semaphore_mem>>) src(%dma_wait3A_172 : memref<256xi32, #tpu.memory_space<hbm>>) dst(%dma_wait3A_171 : memref<256xi32, #tpu.memory_space<vmem>>)
        %rem3A_173 = arith.constant 0 : i32
        %rem3A_174 = arith.constant 2 : i32
        %rem3A_175 = arith.remsi %rem3A_173, %rem3A_174 : i32
        %mul3A_176 = arith.constant 256 : i32
        %mul3A_177 = arith.muli %rem3A_175, %mul3A_176 : i32
        %add3A_178 = arith.constant 0 : i32
        %add3A_179 = arith.addi %mul3A_177, %add3A_178 : i32
        %mul3A_180 = arith.constant 256 : i32
        %mul3A_181 = arith.muli %rem3A_175, %mul3A_180 : i32
        %add3A_182 = arith.constant 0 : i32
        %add3A_183 = arith.addi %mul3A_181, %add3A_182 : i32
        %dma_start3A_184 = arith.constant 0 : i32
        %dma_start3A_185 = tpu.memref_slice %arg12[%add3A_183, %dma_start3A_184] : memref<512x128xf32, #tpu.memory_space<vmem>> -> memref<128x128xf32, #tpu.memory_space<vmem>>
        %dma_start3A_186 = tpu.memref_slice %arg9[%add3A_179] : memref<512xi32, #tpu.memory_space<vmem>> -> memref<128xi32, #tpu.memory_space<vmem>>
        %dma_start3A_187 = arith.constant 0 : i32
        %dma_start3A_188 = arith.constant 0 : i32
        %dma_start3A_189 = tpu.memref_slice %arg5[%dma_start3A_187, %dma_start3A_188] : memref<160000x128xf32, #tpu.memory_space<hbm>> -> memref<160000x128xf32, #tpu.memory_space<hbm>>
        tpu.enqueue_indirect_dma source(%dma_start3A_189 : memref<160000x128xf32, #tpu.memory_space<hbm>>) target(%dma_start3A_185 : memref<128x128xf32, #tpu.memory_space<vmem>>) offsets(%dma_start3A_186 : memref<128xi32, #tpu.memory_space<vmem>>) semaphore(%arg15 : memref<!tpu.dma_semaphore, #tpu.memory_space<semaphore_mem>>)
        %mul3A_190 = arith.constant 256 : i32
        %mul3A_191 = arith.muli %rem3A_175, %mul3A_190 : i32
        %add3A_192 = arith.constant 128 : i32
        %add3A_193 = arith.addi %mul3A_191, %add3A_192 : i32
        %mul3A_194 = arith.constant 256 : i32
        %mul3A_195 = arith.muli %rem3A_175, %mul3A_194 : i32
        %add3A_196 = arith.constant 128 : i32
        %add3A_197 = arith.addi %mul3A_195, %add3A_196 : i32
        %dma_start3A_198 = arith.constant 0 : i32
        %dma_start3A_199 = tpu.memref_slice %arg12[%add3A_197, %dma_start3A_198] : memref<512x128xf32, #tpu.memory_space<vmem>> -> memref<128x128xf32, #tpu.memory_space<vmem>>
        %dma_start3A_200 = tpu.memref_slice %arg9[%add3A_193] : memref<512xi32, #tpu.memory_space<vmem>> -> memref<128xi32, #tpu.memory_space<vmem>>
        %dma_start3A_201 = arith.constant 0 : i32
        %dma_start3A_202 = arith.constant 0 : i32
        %dma_start3A_203 = tpu.memref_slice %arg5[%dma_start3A_201, %dma_start3A_202] : memref<160000x128xf32, #tpu.memory_space<hbm>> -> memref<160000x128xf32, #tpu.memory_space<hbm>>
        tpu.enqueue_indirect_dma source(%dma_start3A_203 : memref<160000x128xf32, #tpu.memory_space<hbm>>) target(%dma_start3A_199 : memref<128x128xf32, #tpu.memory_space<vmem>>) offsets(%dma_start3A_200 : memref<128xi32, #tpu.memory_space<vmem>>) semaphore(%arg15 : memref<!tpu.dma_semaphore, #tpu.memory_space<semaphore_mem>>)
      } else {
      }
      %while3A_110 = arith.constant 0 : i32
      %while3A_111 = arith.subi %select_n3A_107, %while3A_110 : i32
      %while3A_112 = arith.addi %while3A_110, %while3A_111 : i32
      %while3A_113 = arith.constant 1 : i32
      %while3A_114 = arith.divsi %while3A_111, %while3A_113 : i32
      %while3A_115 = arith.muli %while3A_114, %while3A_113 : i32
      %while3A_116 = arith.addi %while3A_110, %while3A_115 : i32
      %while3A_117 = arith.constant 1 : i32
      %while3A_118 = scf.for %while3A_126 = %while3A_110 to %while3A_116 step %while3A_117 iter_args(%while3A_127 = %squeeze3A) -> (i32)  : i32 {
        %rem3A_128 = arith.constant 2 : i32
        %rem3A_129 = arith.remsi %while3A_126, %rem3A_128 : i32
        %mul3A_130 = arith.constant 256 : i32
        %mul3A_131 = arith.muli %while3A_126, %mul3A_130 : i32
        %add3A_132 = arith.addi %mul3A_78, %mul3A_131 : i32
        %min3A = arith.constant 2559744 : i32
        %min3A_133 = arith.minsi %add3A_132, %min3A : i32
        %add3A_134 = arith.constant 1 : i32
        %add3A_135 = arith.addi %while3A_126, %add3A_134 : i32
        %lt3A = arith.cmpi slt, %add3A_135, %select_n3A_107 : i32
        %convert_element_type3A_136 = arith.extui %lt3A : i1 to i32
        %cond3A_137 = arith.constant 0 : i32
        %cond3A_138 = arith.cmpi ne, %convert_element_type3A_136, %cond3A_137 : i32
        scf.if %cond3A_138 {
          %add3A_186 = arith.constant 1 : i32
          %add3A_187 = arith.addi %while3A_126, %add3A_186 : i32
          %rem3A_188 = arith.constant 2 : i32
          %rem3A_189 = arith.remsi %add3A_187, %rem3A_188 : i32
          %mul3A_190 = arith.constant 256 : i32
          %mul3A_191 = arith.muli %add3A_187, %mul3A_190 : i32
          %add3A_192 = arith.addi %mul3A_78, %mul3A_191 : i32
          %min3A_193 = arith.constant 2559744 : i32
          %min3A_194 = arith.minsi %add3A_192, %min3A_193 : i32
          %mul3A_195 = arith.constant 256 : i32
          %mul3A_196 = arith.muli %rem3A_189, %mul3A_195 : i32
          %dma_start3A = tpu.memref_slice %arg9[%mul3A_196] : memref<512xi32, #tpu.memory_space<vmem>> -> memref<256xi32, #tpu.memory_space<vmem>>
          %dma_start3A_197 = tpu.memref_slice %arg2[%min3A_194] : memref<2560000xi32, #tpu.memory_space<hbm>> -> memref<256xi32, #tpu.memory_space<hbm>>
          %dma_start3A_198 = tpu.memref_slice %arg9[%mul3A_196] : memref<512xi32, #tpu.memory_space<vmem>> -> memref<256xi32, #tpu.memory_space<vmem>>
          %dma_start3A_199 = tpu.memref_slice %arg2[%min3A_194] : memref<2560000xi32, #tpu.memory_space<hbm>> -> memref<256xi32, #tpu.memory_space<hbm>>
          tpu.enqueue_dma source(%dma_start3A_199 : memref<256xi32, #tpu.memory_space<hbm>>) target(%dma_start3A_198 : memref<256xi32, #tpu.memory_space<vmem>>) target_semaphore(%arg14 : memref<!tpu.dma_semaphore, #tpu.memory_space<semaphore_mem>>)
          %mul3A_200 = arith.constant 272 : i32
          %mul3A_201 = arith.muli %rem3A_189, %mul3A_200 : i32
          %dma_start3A_202 = tpu.memref_slice %arg10[%mul3A_201] : memref<544xf32, #tpu.memory_space<vmem>> -> memref<256xf32, #tpu.memory_space<vmem>>
          %dma_start3A_203 = tpu.memref_slice %arg3[%min3A_194] : memref<2560000xf32, #tpu.memory_space<hbm>> -> memref<256xf32, #tpu.memory_space<hbm>>
          %dma_start3A_204 = tpu.memref_slice %arg10[%mul3A_201] : memref<544xf32, #tpu.memory_space<vmem>> -> memref<256xf32, #tpu.memory_space<vmem>>
          %dma_start3A_205 = tpu.memref_slice %arg3[%min3A_194] : memref<2560000xf32, #tpu.memory_space<hbm>> -> memref<256xf32, #tpu.memory_space<hbm>>
          tpu.enqueue_dma source(%dma_start3A_205 : memref<256xf32, #tpu.memory_space<hbm>>) target(%dma_start3A_204 : memref<256xf32, #tpu.memory_space<vmem>>) target_semaphore(%arg14 : memref<!tpu.dma_semaphore, #tpu.memory_space<semaphore_mem>>)
          %mul3A_206 = arith.constant 272 : i32
          %mul3A_207 = arith.muli %rem3A_189, %mul3A_206 : i32
          %dma_start3A_208 = tpu.memref_slice %arg11[%mul3A_207] : memref<544xi32, #tpu.memory_space<vmem>> -> memref<256xi32, #tpu.memory_space<vmem>>
          %dma_start3A_209 = tpu.memref_slice %arg4[%min3A_194] : memref<2560000xi32, #tpu.memory_space<hbm>> -> memref<256xi32, #tpu.memory_space<hbm>>
          %dma_start3A_210 = tpu.memref_slice %arg11[%mul3A_207] : memref<544xi32, #tpu.memory_space<vmem>> -> memref<256xi32, #tpu.memory_space<vmem>>
          %dma_start3A_211 = tpu.memref_slice %arg4[%min3A_194] : memref<2560000xi32, #tpu.memory_space<hbm>> -> memref<256xi32, #tpu.memory_space<hbm>>
          tpu.enqueue_dma source(%dma_start3A_211 : memref<256xi32, #tpu.memory_space<hbm>>) target(%dma_start3A_210 : memref<256xi32, #tpu.memory_space<vmem>>) target_semaphore(%arg14 : memref<!tpu.dma_semaphore, #tpu.memory_space<semaphore_mem>>)
        } else {
        }
        %rem3A_139 = arith.constant 2 : i32
        %rem3A_140 = arith.remsi %while3A_126, %rem3A_139 : i32
        %mul3A_141 = arith.constant 256 : i32
        %mul3A_142 = arith.muli %rem3A_140, %mul3A_141 : i32
        %add3A_143 = arith.constant 0 : i32
        %add3A_144 = arith.addi %mul3A_142, %add3A_143 : i32
        %mul3A_145 = arith.constant 256 : i32
        %mul3A_146 = arith.muli %rem3A_140, %mul3A_145 : i32
        %add3A_147 = arith.constant 0 : i32
        %add3A_148 = arith.addi %mul3A_146, %add3A_147 : i32
        %dma_wait3A = arith.constant 0 : i32
        %dma_wait3A_149 = tpu.memref_slice %arg12[%add3A_148, %dma_wait3A] : memref<512x128xf32, #tpu.memory_space<vmem>> -> memref<128x128xf32, #tpu.memory_space<vmem>>
        %dma_wait3A_150 = tpu.memref_slice %arg9[%add3A_144] : memref<512xi32, #tpu.memory_space<vmem>> -> memref<128xi32, #tpu.memory_space<vmem>>
        %dma_wait3A_151 = arith.constant 0 : i32
        %dma_wait3A_152 = arith.constant 0 : i32
        %dma_wait3A_153 = tpu.memref_slice %arg5[%dma_wait3A_151, %dma_wait3A_152] : memref<160000x128xf32, #tpu.memory_space<hbm>> -> memref<160000x128xf32, #tpu.memory_space<hbm>>
        tpu.wait_indirect_dma semaphore(%arg15 : memref<!tpu.dma_semaphore, #tpu.memory_space<semaphore_mem>>) src(%dma_wait3A_153 : memref<160000x128xf32, #tpu.memory_space<hbm>>) dst(%dma_wait3A_149 : memref<128x128xf32, #tpu.memory_space<vmem>>)
        %mul3A_154 = arith.constant 256 : i32
        %mul3A_155 = arith.muli %rem3A_140, %mul3A_154 : i32
        %add3A_156 = arith.constant 128 : i32
        %add3A_157 = arith.addi %mul3A_155, %add3A_156 : i32
        %mul3A_158 = arith.constant 256 : i32
        %mul3A_159 = arith.muli %rem3A_140, %mul3A_158 : i32
        %add3A_160 = arith.constant 128 : i32
        %add3A_161 = arith.addi %mul3A_159, %add3A_160 : i32
        %dma_wait3A_162 = arith.constant 0 : i32
        %dma_wait3A_163 = tpu.memref_slice %arg12[%add3A_161, %dma_wait3A_162] : memref<512x128xf32, #tpu.memory_space<vmem>> -> memref<128x128xf32, #tpu.memory_space<vmem>>
        %dma_wait3A_164 = tpu.memref_slice %arg9[%add3A_157] : memref<512xi32, #tpu.memory_space<vmem>> -> memref<128xi32, #tpu.memory_space<vmem>>
        %dma_wait3A_165 = arith.constant 0 : i32
        %dma_wait3A_166 = arith.constant 0 : i32
        %dma_wait3A_167 = tpu.memref_slice %arg5[%dma_wait3A_165, %dma_wait3A_166] : memref<160000x128xf32, #tpu.memory_space<hbm>> -> memref<160000x128xf32, #tpu.memory_space<hbm>>
        tpu.wait_indirect_dma semaphore(%arg15 : memref<!tpu.dma_semaphore, #tpu.memory_space<semaphore_mem>>) src(%dma_wait3A_167 : memref<160000x128xf32, #tpu.memory_space<hbm>>) dst(%dma_wait3A_163 : memref<128x128xf32, #tpu.memory_space<vmem>>)
        %add3A_168 = arith.constant 1 : i32
        %add3A_169 = arith.addi %while3A_126, %add3A_168 : i32
        %lt3A_170 = arith.cmpi slt, %add3A_169, %select_n3A_107 : i32
        %convert_element_type3A_171 = arith.extui %lt3A_170 : i1 to i32
        %cond3A_172 = arith.constant 0 : i32
        %cond3A_173 = arith.cmpi ne, %convert_element_type3A_171, %cond3A_172 : i32
        scf.if %cond3A_173 {
          %add3A_186 = arith.constant 1 : i32
          %add3A_187 = arith.addi %while3A_126, %add3A_186 : i32
          %rem3A_188 = arith.constant 2 : i32
          %rem3A_189 = arith.remsi %add3A_187, %rem3A_188 : i32
          %mul3A_190 = arith.constant 256 : i32
          %mul3A_191 = arith.muli %add3A_187, %mul3A_190 : i32
          %add3A_192 = arith.addi %mul3A_78, %mul3A_191 : i32
          %min3A_193 = arith.constant 2559744 : i32
          %min3A_194 = arith.minsi %add3A_192, %min3A_193 : i32
          %mul3A_195 = arith.constant 256 : i32
          %mul3A_196 = arith.muli %rem3A_189, %mul3A_195 : i32
          %dma_wait3A_197 = tpu.memref_slice %arg9[%mul3A_196] : memref<512xi32, #tpu.memory_space<vmem>> -> memref<256xi32, #tpu.memory_space<vmem>>
          %dma_wait3A_198 = tpu.memref_slice %arg2[%min3A_194] : memref<2560000xi32, #tpu.memory_space<hbm>> -> memref<256xi32, #tpu.memory_space<hbm>>
          %dma_wait3A_199 = tpu.memref_slice %arg9[%mul3A_196] : memref<512xi32, #tpu.memory_space<vmem>> -> memref<256xi32, #tpu.memory_space<vmem>>
          %dma_wait3A_200 = tpu.memref_slice %arg2[%min3A_194] : memref<2560000xi32, #tpu.memory_space<hbm>> -> memref<256xi32, #tpu.memory_space<hbm>>
          tpu.wait_dma2 semaphore(%arg14 : memref<!tpu.dma_semaphore, #tpu.memory_space<semaphore_mem>>) src(%dma_wait3A_200 : memref<256xi32, #tpu.memory_space<hbm>>) dst(%dma_wait3A_199 : memref<256xi32, #tpu.memory_space<vmem>>)
          %mul3A_201 = arith.constant 272 : i32
          %mul3A_202 = arith.muli %rem3A_189, %mul3A_201 : i32
          %dma_wait3A_203 = tpu.memref_slice %arg10[%mul3A_202] : memref<544xf32, #tpu.memory_space<vmem>> -> memref<256xf32, #tpu.memory_space<vmem>>
          %dma_wait3A_204 = tpu.memref_slice %arg3[%min3A_194] : memref<2560000xf32, #tpu.memory_space<hbm>> -> memref<256xf32, #tpu.memory_space<hbm>>
          %dma_wait3A_205 = tpu.memref_slice %arg10[%mul3A_202] : memref<544xf32, #tpu.memory_space<vmem>> -> memref<256xf32, #tpu.memory_space<vmem>>
          %dma_wait3A_206 = tpu.memref_slice %arg3[%min3A_194] : memref<2560000xf32, #tpu.memory_space<hbm>> -> memref<256xf32, #tpu.memory_space<hbm>>
          tpu.wait_dma2 semaphore(%arg14 : memref<!tpu.dma_semaphore, #tpu.memory_space<semaphore_mem>>) src(%dma_wait3A_206 : memref<256xf32, #tpu.memory_space<hbm>>) dst(%dma_wait3A_205 : memref<256xf32, #tpu.memory_space<vmem>>)
          %mul3A_207 = arith.constant 272 : i32
          %mul3A_208 = arith.muli %rem3A_189, %mul3A_207 : i32
          %dma_wait3A_209 = tpu.memref_slice %arg11[%mul3A_208] : memref<544xi32, #tpu.memory_space<vmem>> -> memref<256xi32, #tpu.memory_space<vmem>>
          %dma_wait3A_210 = tpu.memref_slice %arg4[%min3A_194] : memref<2560000xi32, #tpu.memory_space<hbm>> -> memref<256xi32, #tpu.memory_space<hbm>>
          %dma_wait3A_211 = tpu.memref_slice %arg11[%mul3A_208] : memref<544xi32, #tpu.memory_space<vmem>> -> memref<256xi32, #tpu.memory_space<vmem>>
          %dma_wait3A_212 = tpu.memref_slice %arg4[%min3A_194] : memref<2560000xi32, #tpu.memory_space<hbm>> -> memref<256xi32, #tpu.memory_space<hbm>>
          tpu.wait_dma2 semaphore(%arg14 : memref<!tpu.dma_semaphore, #tpu.memory_space<semaphore_mem>>) src(%dma_wait3A_212 : memref<256xi32, #tpu.memory_space<hbm>>) dst(%dma_wait3A_211 : memref<256xi32, #tpu.memory_space<vmem>>)
          %add3A_213 = arith.constant 1 : i32
          %add3A_214 = arith.addi %while3A_126, %add3A_213 : i32
          %rem3A_215 = arith.constant 2 : i32
          %rem3A_216 = arith.remsi %add3A_214, %rem3A_215 : i32
          %mul3A_217 = arith.constant 256 : i32
          %mul3A_218 = arith.muli %rem3A_216, %mul3A_217 : i32
          %add3A_219 = arith.constant 0 : i32
          %add3A_220 = arith.addi %mul3A_218, %add3A_219 : i32
          %mul3A_221 = arith.constant 256 : i32
          %mul3A_222 = arith.muli %rem3A_216, %mul3A_221 : i32
          %add3A_223 = arith.constant 0 : i32
          %add3A_224 = arith.addi %mul3A_222, %add3A_223 : i32
          %dma_start3A = arith.constant 0 : i32
          %dma_start3A_225 = tpu.memref_slice %arg12[%add3A_224, %dma_start3A] : memref<512x128xf32, #tpu.memory_space<vmem>> -> memref<128x128xf32, #tpu.memory_space<vmem>>
          %dma_start3A_226 = tpu.memref_slice %arg9[%add3A_220] : memref<512xi32, #tpu.memory_space<vmem>> -> memref<128xi32, #tpu.memory_space<vmem>>
          %dma_start3A_227 = arith.constant 0 : i32
          %dma_start3A_228 = arith.constant 0 : i32
          %dma_start3A_229 = tpu.memref_slice %arg5[%dma_start3A_227, %dma_start3A_228] : memref<160000x128xf32, #tpu.memory_space<hbm>> -> memref<160000x128xf32, #tpu.memory_space<hbm>>
          tpu.enqueue_indirect_dma source(%dma_start3A_229 : memref<160000x128xf32, #tpu.memory_space<hbm>>) target(%dma_start3A_225 : memref<128x128xf32, #tpu.memory_space<vmem>>) offsets(%dma_start3A_226 : memref<128xi32, #tpu.memory_space<vmem>>) semaphore(%arg15 : memref<!tpu.dma_semaphore, #tpu.memory_space<semaphore_mem>>)
          %mul3A_230 = arith.constant 256 : i32
          %mul3A_231 = arith.muli %rem3A_216, %mul3A_230 : i32
          %add3A_232 = arith.constant 128 : i32
          %add3A_233 = arith.addi %mul3A_231, %add3A_232 : i32
          %mul3A_234 = arith.constant 256 : i32
          %mul3A_235 = arith.muli %rem3A_216, %mul3A_234 : i32
          %add3A_236 = arith.constant 128 : i32
          %add3A_237 = arith.addi %mul3A_235, %add3A_236 : i32
          %dma_start3A_238 = arith.constant 0 : i32
          %dma_start3A_239 = tpu.memref_slice %arg12[%add3A_237, %dma_start3A_238] : memref<512x128xf32, #tpu.memory_space<vmem>> -> memref<128x128xf32, #tpu.memory_space<vmem>>
          %dma_start3A_240 = tpu.memref_slice %arg9[%add3A_233] : memref<512xi32, #tpu.memory_space<vmem>> -> memref<128xi32, #tpu.memory_space<vmem>>
          %dma_start3A_241 = arith.constant 0 : i32
          %dma_start3A_242 = arith.constant 0 : i32
          %dma_start3A_243 = tpu.memref_slice %arg5[%dma_start3A_241, %dma_start3A_242] : memref<160000x128xf32, #tpu.memory_space<hbm>> -> memref<160000x128xf32, #tpu.memory_space<hbm>>
          tpu.enqueue_indirect_dma source(%dma_start3A_243 : memref<160000x128xf32, #tpu.memory_space<hbm>>) target(%dma_start3A_239 : memref<128x128xf32, #tpu.memory_space<vmem>>) offsets(%dma_start3A_240 : memref<128xi32, #tpu.memory_space<vmem>>) semaphore(%arg15 : memref<!tpu.dma_semaphore, #tpu.memory_space<semaphore_mem>>)
        } else {
        }
        %max3A = arith.maxsi %while3A_127, %min3A_133 : i32
        %sub3A_174 = arith.subi %max3A, %min3A_133 : i32
        %add3A_175 = arith.constant 256 : i32
        %add3A_176 = arith.addi %min3A_133, %add3A_175 : i32
        %min3A_177 = arith.minsi %squeeze3A_44, %add3A_176 : i32
        %sub3A_178 = arith.subi %min3A_177, %min3A_133 : i32
        %mul3A_179 = arith.constant 256 : i32
        %mul3A_180 = arith.muli %rem3A_129, %mul3A_179 : i32
        %mul3A_181 = arith.constant 272 : i32
        %mul3A_182 = arith.muli %rem3A_129, %mul3A_181 : i32
        %parallel_loop3A = arith.constant 1 : i32
        scf.for %parallel_loop3A_186 = %sub3A_174 to %sub3A_178 step %parallel_loop3A  : i32 {
          %parallel_loop3A_187 = arith.addi %mul3A_182, %parallel_loop3A_186 : i32
          %parallel_loop3A_188 = arith.index_cast %parallel_loop3A_187 : i32 to index
          %parallel_loop3A_189 = tpu.vector_load %arg11[%parallel_loop3A_188] {strides = array<i32>} : memref<544xi32, #tpu.memory_space<vmem>>, vector<16xi32>,
          %parallel_loop3A_190 = vector.shape_cast %parallel_loop3A_189 : vector<16xi32> to vector<16xi32>
          %parallel_loop3A_191 = vector.extract_strided_slice %parallel_loop3A_190 {offsets = [0], sizes = [1], strides = [1]} : vector<16xi32> to vector<1xi32>
          %parallel_loop3A_192 = vector.extract %parallel_loop3A_191[0] : i32 from vector<1xi32>
          %parallel_loop3A_193 = arith.subi %parallel_loop3A_192, %mul3A_46 : i32
          %parallel_loop3A_194 = arith.addi %mul3A_182, %parallel_loop3A_186 : i32
          %parallel_loop3A_195 = arith.index_cast %parallel_loop3A_194 : i32 to index
          %parallel_loop3A_196 = tpu.vector_load %arg10[%parallel_loop3A_195] {strides = array<i32>} : memref<544xf32, #tpu.memory_space<vmem>>, vector<16xf32>,
          %parallel_loop3A_197 = vector.shape_cast %parallel_loop3A_196 : vector<16xf32> to vector<16xf32>
          %parallel_loop3A_198 = vector.extract_strided_slice %parallel_loop3A_197 {offsets = [0], sizes = [1], strides = [1]} : vector<16xf32> to vector<1xf32>
          %parallel_loop3A_199 = vector.extract %parallel_loop3A_198[0] : f32 from vector<1xf32>
          %parallel_loop3A_200 = arith.addi %mul3A_180, %parallel_loop3A_186 : i32
          %parallel_loop3A_201 = arith.index_cast %parallel_loop3A_200 : i32 to index
          %parallel_loop3A_202 = arith.constant 0 : index
          %parallel_loop3A_203 = tpu.vector_load %arg12[%parallel_loop3A_201, %parallel_loop3A_202] {strides = array<i32>} : memref<512x128xf32, #tpu.memory_space<vmem>>, vector<1x16xf32>,
          %parallel_loop3A_204 = vector.shape_cast %parallel_loop3A_203 : vector<1x16xf32> to vector<16xf32>
          %parallel_loop3A_205 = arith.addi %mul3A_180, %parallel_loop3A_186 : i32
          %parallel_loop3A_206 = arith.index_cast %parallel_loop3A_205 : i32 to index
          %parallel_loop3A_207 = arith.constant 16 : index
          %parallel_loop3A_208 = tpu.vector_load %arg12[%parallel_loop3A_206, %parallel_loop3A_207] {strides = array<i32>} : memref<512x128xf32, #tpu.memory_space<vmem>>, vector<1x16xf32>,
          %parallel_loop3A_209 = vector.shape_cast %parallel_loop3A_208 : vector<1x16xf32> to vector<16xf32>
          %parallel_loop3A_210 = arith.addi %mul3A_180, %parallel_loop3A_186 : i32
          %parallel_loop3A_211 = arith.index_cast %parallel_loop3A_210 : i32 to index
          %parallel_loop3A_212 = arith.constant 32 : index
          %parallel_loop3A_213 = tpu.vector_load %arg12[%parallel_loop3A_211, %parallel_loop3A_212] {strides = array<i32>} : memref<512x128xf32, #tpu.memory_space<vmem>>, vector<1x16xf32>,
          %parallel_loop3A_214 = vector.shape_cast %parallel_loop3A_213 : vector<1x16xf32> to vector<16xf32>
          %parallel_loop3A_215 = arith.addi %mul3A_180, %parallel_loop3A_186 : i32
          %parallel_loop3A_216 = arith.index_cast %parallel_loop3A_215 : i32 to index
          %parallel_loop3A_217 = arith.constant 48 : index
          %parallel_loop3A_218 = tpu.vector_load %arg12[%parallel_loop3A_216, %parallel_loop3A_217] {strides = array<i32>} : memref<512x128xf32, #tpu.memory_space<vmem>>, vector<1x16xf32>,
          %parallel_loop3A_219 = vector.shape_cast %parallel_loop3A_218 : vector<1x16xf32> to vector<16xf32>
          %parallel_loop3A_220 = arith.addi %mul3A_180, %parallel_loop3A_186 : i32
          %parallel_loop3A_221 = arith.index_cast %parallel_loop3A_220 : i32 to index
          %parallel_loop3A_222 = arith.constant 64 : index
          %parallel_loop3A_223 = tpu.vector_load %arg12[%parallel_loop3A_221, %parallel_loop3A_222] {strides = array<i32>} : memref<512x128xf32, #tpu.memory_space<vmem>>, vector<1x16xf32>,
          %parallel_loop3A_224 = vector.shape_cast %parallel_loop3A_223 : vector<1x16xf32> to vector<16xf32>
          %parallel_loop3A_225 = arith.addi %mul3A_180, %parallel_loop3A_186 : i32
          %parallel_loop3A_226 = arith.index_cast %parallel_loop3A_225 : i32 to index
          %parallel_loop3A_227 = arith.constant 80 : index
          %parallel_loop3A_228 = tpu.vector_load %arg12[%parallel_loop3A_226, %parallel_loop3A_227] {strides = array<i32>} : memref<512x128xf32, #tpu.memory_space<vmem>>, vector<1x16xf32>,
          %parallel_loop3A_229 = vector.shape_cast %parallel_loop3A_228 : vector<1x16xf32> to vector<16xf32>
          %parallel_loop3A_230 = arith.addi %mul3A_180, %parallel_loop3A_186 : i32
          %parallel_loop3A_231 = arith.index_cast %parallel_loop3A_230 : i32 to index
          %parallel_loop3A_232 = arith.constant 96 : index
          %parallel_loop3A_233 = tpu.vector_load %arg12[%parallel_loop3A_231, %parallel_loop3A_232] {strides = array<i32>} : memref<512x128xf32, #tpu.memory_space<vmem>>, vector<1x16xf32>,
          %parallel_loop3A_234 = vector.shape_cast %parallel_loop3A_233 : vector<1x16xf32> to vector<16xf32>
          %parallel_loop3A_235 = arith.addi %mul3A_180, %parallel_loop3A_186 : i32
          %parallel_loop3A_236 = arith.index_cast %parallel_loop3A_235 : i32 to index
          %parallel_loop3A_237 = arith.constant 112 : index
          %parallel_loop3A_238 = tpu.vector_load %arg12[%parallel_loop3A_236, %parallel_loop3A_237] {strides = array<i32>} : memref<512x128xf32, #tpu.memory_space<vmem>>, vector<1x16xf32>,
          %parallel_loop3A_239 = vector.shape_cast %parallel_loop3A_238 : vector<1x16xf32> to vector<16xf32>
          %parallel_loop3A_240 = vector.broadcast %parallel_loop3A_199 : f32 to vector<16xf32>
          %parallel_loop3A_241 = arith.mulf %parallel_loop3A_204, %parallel_loop3A_240 : vector<16xf32>
          %parallel_loop3A_242 = arith.index_cast %parallel_loop3A_193 : i32 to index
          %parallel_loop3A_243 = arith.constant 0 : index
          %parallel_loop3A_244 = tpu.vector_load %arg13[%parallel_loop3A_242, %parallel_loop3A_243] {strides = array<i32>} : memref<256x128xf32, #tpu.memory_space<vmem>>, vector<1x16xf32>,
          %parallel_loop3A_245 = vector.shape_cast %parallel_loop3A_244 : vector<1x16xf32> to vector<16xf32>
          %parallel_loop3A_246 = vector.shape_cast %parallel_loop3A_241 : vector<16xf32> to vector<1x16xf32>
          tpu.vector_store %arg13[%parallel_loop3A_242, %parallel_loop3A_243], %parallel_loop3A_246 {add = true, strides = array<i32>} : memref<256x128xf32, #tpu.memory_space<vmem>>, vector<1x16xf32>,
          %parallel_loop3A_247 = vector.broadcast %parallel_loop3A_199 : f32 to vector<16xf32>
          %parallel_loop3A_248 = arith.mulf %parallel_loop3A_209, %parallel_loop3A_247 : vector<16xf32>
          %parallel_loop3A_249 = arith.index_cast %parallel_loop3A_193 : i32 to index
          %parallel_loop3A_250 = arith.constant 16 : index
          %parallel_loop3A_251 = tpu.vector_load %arg13[%parallel_loop3A_249, %parallel_loop3A_250] {strides = array<i32>} : memref<256x128xf32, #tpu.memory_space<vmem>>, vector<1x16xf32>,
          %parallel_loop3A_252 = vector.shape_cast %parallel_loop3A_251 : vector<1x16xf32> to vector<16xf32>
          %parallel_loop3A_253 = vector.shape_cast %parallel_loop3A_248 : vector<16xf32> to vector<1x16xf32>
          tpu.vector_store %arg13[%parallel_loop3A_249, %parallel_loop3A_250], %parallel_loop3A_253 {add = true, strides = array<i32>} : memref<256x128xf32, #tpu.memory_space<vmem>>, vector<1x16xf32>,
          %parallel_loop3A_254 = vector.broadcast %parallel_loop3A_199 : f32 to vector<16xf32>
          %parallel_loop3A_255 = arith.mulf %parallel_loop3A_214, %parallel_loop3A_254 : vector<16xf32>
          %parallel_loop3A_256 = arith.index_cast %parallel_loop3A_193 : i32 to index
          %parallel_loop3A_257 = arith.constant 32 : index
          %parallel_loop3A_258 = tpu.vector_load %arg13[%parallel_loop3A_256, %parallel_loop3A_257] {strides = array<i32>} : memref<256x128xf32, #tpu.memory_space<vmem>>, vector<1x16xf32>,
          %parallel_loop3A_259 = vector.shape_cast %parallel_loop3A_258 : vector<1x16xf32> to vector<16xf32>
          %parallel_loop3A_260 = vector.shape_cast %parallel_loop3A_255 : vector<16xf32> to vector<1x16xf32>
          tpu.vector_store %arg13[%parallel_loop3A_256, %parallel_loop3A_257], %parallel_loop3A_260 {add = true, strides = array<i32>} : memref<256x128xf32, #tpu.memory_space<vmem>>, vector<1x16xf32>,
          %parallel_loop3A_261 = vector.broadcast %parallel_loop3A_199 : f32 to vector<16xf32>
          %parallel_loop3A_262 = arith.mulf %parallel_loop3A_219, %parallel_loop3A_261 : vector<16xf32>
          %parallel_loop3A_263 = arith.index_cast %parallel_loop3A_193 : i32 to index
          %parallel_loop3A_264 = arith.constant 48 : index
          %parallel_loop3A_265 = tpu.vector_load %arg13[%parallel_loop3A_263, %parallel_loop3A_264] {strides = array<i32>} : memref<256x128xf32, #tpu.memory_space<vmem>>, vector<1x16xf32>,
          %parallel_loop3A_266 = vector.shape_cast %parallel_loop3A_265 : vector<1x16xf32> to vector<16xf32>
          %parallel_loop3A_267 = vector.shape_cast %parallel_loop3A_262 : vector<16xf32> to vector<1x16xf32>
          tpu.vector_store %arg13[%parallel_loop3A_263, %parallel_loop3A_264], %parallel_loop3A_267 {add = true, strides = array<i32>} : memref<256x128xf32, #tpu.memory_space<vmem>>, vector<1x16xf32>,
          %parallel_loop3A_268 = vector.broadcast %parallel_loop3A_199 : f32 to vector<16xf32>
          %parallel_loop3A_269 = arith.mulf %parallel_loop3A_224, %parallel_loop3A_268 : vector<16xf32>
          %parallel_loop3A_270 = arith.index_cast %parallel_loop3A_193 : i32 to index
          %parallel_loop3A_271 = arith.constant 64 : index
          %parallel_loop3A_272 = tpu.vector_load %arg13[%parallel_loop3A_270, %parallel_loop3A_271] {strides = array<i32>} : memref<256x128xf32, #tpu.memory_space<vmem>>, vector<1x16xf32>,
          %parallel_loop3A_273 = vector.shape_cast %parallel_loop3A_272 : vector<1x16xf32> to vector<16xf32>
          %parallel_loop3A_274 = vector.shape_cast %parallel_loop3A_269 : vector<16xf32> to vector<1x16xf32>
          tpu.vector_store %arg13[%parallel_loop3A_270, %parallel_loop3A_271], %parallel_loop3A_274 {add = true, strides = array<i32>} : memref<256x128xf32, #tpu.memory_space<vmem>>, vector<1x16xf32>,
          %parallel_loop3A_275 = vector.broadcast %parallel_loop3A_199 : f32 to vector<16xf32>
          %parallel_loop3A_276 = arith.mulf %parallel_loop3A_229, %parallel_loop3A_275 : vector<16xf32>
          %parallel_loop3A_277 = arith.index_cast %parallel_loop3A_193 : i32 to index
          %parallel_loop3A_278 = arith.constant 80 : index
          %parallel_loop3A_279 = tpu.vector_load %arg13[%parallel_loop3A_277, %parallel_loop3A_278] {strides = array<i32>} : memref<256x128xf32, #tpu.memory_space<vmem>>, vector<1x16xf32>,
          %parallel_loop3A_280 = vector.shape_cast %parallel_loop3A_279 : vector<1x16xf32> to vector<16xf32>
          %parallel_loop3A_281 = vector.shape_cast %parallel_loop3A_276 : vector<16xf32> to vector<1x16xf32>
          tpu.vector_store %arg13[%parallel_loop3A_277, %parallel_loop3A_278], %parallel_loop3A_281 {add = true, strides = array<i32>} : memref<256x128xf32, #tpu.memory_space<vmem>>, vector<1x16xf32>,
          %parallel_loop3A_282 = vector.broadcast %parallel_loop3A_199 : f32 to vector<16xf32>
          %parallel_loop3A_283 = arith.mulf %parallel_loop3A_234, %parallel_loop3A_282 : vector<16xf32>
          %parallel_loop3A_284 = arith.index_cast %parallel_loop3A_193 : i32 to index
          %parallel_loop3A_285 = arith.constant 96 : index
          %parallel_loop3A_286 = tpu.vector_load %arg13[%parallel_loop3A_284, %parallel_loop3A_285] {strides = array<i32>} : memref<256x128xf32, #tpu.memory_space<vmem>>, vector<1x16xf32>,
          %parallel_loop3A_287 = vector.shape_cast %parallel_loop3A_286 : vector<1x16xf32> to vector<16xf32>
          %parallel_loop3A_288 = vector.shape_cast %parallel_loop3A_283 : vector<16xf32> to vector<1x16xf32>
          tpu.vector_store %arg13[%parallel_loop3A_284, %parallel_loop3A_285], %parallel_loop3A_288 {add = true, strides = array<i32>} : memref<256x128xf32, #tpu.memory_space<vmem>>, vector<1x16xf32>,
          %parallel_loop3A_289 = vector.broadcast %parallel_loop3A_199 : f32 to vector<16xf32>
          %parallel_loop3A_290 = arith.mulf %parallel_loop3A_239, %parallel_loop3A_289 : vector<16xf32>
          %parallel_loop3A_291 = arith.index_cast %parallel_loop3A_193 : i32 to index
          %parallel_loop3A_292 = arith.constant 112 : index
          %parallel_loop3A_293 = tpu.vector_load %arg13[%parallel_loop3A_291, %parallel_loop3A_292] {strides = array<i32>} : memref<256x128xf32, #tpu.memory_space<vmem>>, vector<1x16xf32>,
          %parallel_loop3A_294 = vector.shape_cast %parallel_loop3A_293 : vector<1x16xf32> to vector<16xf32>
          %parallel_loop3A_295 = vector.shape_cast %parallel_loop3A_290 : vector<16xf32> to vector<1x16xf32>
          tpu.vector_store %arg13[%parallel_loop3A_291, %parallel_loop3A_292], %parallel_loop3A_295 {add = true, strides = array<i32>} : memref<256x128xf32, #tpu.memory_space<vmem>>, vector<1x16xf32>,
        } {sc.loop_unroll_factor = 4 : i64, sc.parallel_access}
        %add3A_183 = arith.constant 256 : i32
        %add3A_184 = arith.addi %min3A_133, %add3A_183 : i32
        %min3A_185 = arith.minsi %squeeze3A_44, %add3A_184 : i32
        scf.yield %min3A_185 : i32
      }
      %while3A_119 = arith.constant 1 : i32
      %while3A_120 = scf.for %while3A_126 = %while3A_116 to %while3A_112 step %while3A_119 iter_args(%while3A_127 = %while3A_118) -> (i32)  : i32 {
        %rem3A_128 = arith.constant 2 : i32
        %rem3A_129 = arith.remsi %while3A_126, %rem3A_128 : i32
        %mul3A_130 = arith.constant 256 : i32
        %mul3A_131 = arith.muli %while3A_126, %mul3A_130 : i32
        %add3A_132 = arith.addi %mul3A_78, %mul3A_131 : i32
        %min3A = arith.constant 2559744 : i32
        %min3A_133 = arith.minsi %add3A_132, %min3A : i32
        %add3A_134 = arith.constant 1 : i32
        %add3A_135 = arith.addi %while3A_126, %add3A_134 : i32
        %lt3A = arith.cmpi slt, %add3A_135, %select_n3A_107 : i32
        %convert_element_type3A_136 = arith.extui %lt3A : i1 to i32
        %cond3A_137 = arith.constant 0 : i32
        %cond3A_138 = arith.cmpi ne, %convert_element_type3A_136, %cond3A_137 : i32
        scf.if %cond3A_138 {
          %add3A_186 = arith.constant 1 : i32
          %add3A_187 = arith.addi %while3A_126, %add3A_186 : i32
          %rem3A_188 = arith.constant 2 : i32
          %rem3A_189 = arith.remsi %add3A_187, %rem3A_188 : i32
          %mul3A_190 = arith.constant 256 : i32
          %mul3A_191 = arith.muli %add3A_187, %mul3A_190 : i32
          %add3A_192 = arith.addi %mul3A_78, %mul3A_191 : i32
          %min3A_193 = arith.constant 2559744 : i32
          %min3A_194 = arith.minsi %add3A_192, %min3A_193 : i32
          %mul3A_195 = arith.constant 256 : i32
          %mul3A_196 = arith.muli %rem3A_189, %mul3A_195 : i32
          %dma_start3A = tpu.memref_slice %arg9[%mul3A_196] : memref<512xi32, #tpu.memory_space<vmem>> -> memref<256xi32, #tpu.memory_space<vmem>>
          %dma_start3A_197 = tpu.memref_slice %arg2[%min3A_194] : memref<2560000xi32, #tpu.memory_space<hbm>> -> memref<256xi32, #tpu.memory_space<hbm>>
          %dma_start3A_198 = tpu.memref_slice %arg9[%mul3A_196] : memref<512xi32, #tpu.memory_space<vmem>> -> memref<256xi32, #tpu.memory_space<vmem>>
          %dma_start3A_199 = tpu.memref_slice %arg2[%min3A_194] : memref<2560000xi32, #tpu.memory_space<hbm>> -> memref<256xi32, #tpu.memory_space<hbm>>
          tpu.enqueue_dma source(%dma_start3A_199 : memref<256xi32, #tpu.memory_space<hbm>>) target(%dma_start3A_198 : memref<256xi32, #tpu.memory_space<vmem>>) target_semaphore(%arg14 : memref<!tpu.dma_semaphore, #tpu.memory_space<semaphore_mem>>)
          %mul3A_200 = arith.constant 272 : i32
          %mul3A_201 = arith.muli %rem3A_189, %mul3A_200 : i32
          %dma_start3A_202 = tpu.memref_slice %arg10[%mul3A_201] : memref<544xf32, #tpu.memory_space<vmem>> -> memref<256xf32, #tpu.memory_space<vmem>>
          %dma_start3A_203 = tpu.memref_slice %arg3[%min3A_194] : memref<2560000xf32, #tpu.memory_space<hbm>> -> memref<256xf32, #tpu.memory_space<hbm>>
          %dma_start3A_204 = tpu.memref_slice %arg10[%mul3A_201] : memref<544xf32, #tpu.memory_space<vmem>> -> memref<256xf32, #tpu.memory_space<vmem>>
          %dma_start3A_205 = tpu.memref_slice %arg3[%min3A_194] : memref<2560000xf32, #tpu.memory_space<hbm>> -> memref<256xf32, #tpu.memory_space<hbm>>
          tpu.enqueue_dma source(%dma_start3A_205 : memref<256xf32, #tpu.memory_space<hbm>>) target(%dma_start3A_204 : memref<256xf32, #tpu.memory_space<vmem>>) target_semaphore(%arg14 : memref<!tpu.dma_semaphore, #tpu.memory_space<semaphore_mem>>)
          %mul3A_206 = arith.constant 272 : i32
          %mul3A_207 = arith.muli %rem3A_189, %mul3A_206 : i32
          %dma_start3A_208 = tpu.memref_slice %arg11[%mul3A_207] : memref<544xi32, #tpu.memory_space<vmem>> -> memref<256xi32, #tpu.memory_space<vmem>>
          %dma_start3A_209 = tpu.memref_slice %arg4[%min3A_194] : memref<2560000xi32, #tpu.memory_space<hbm>> -> memref<256xi32, #tpu.memory_space<hbm>>
          %dma_start3A_210 = tpu.memref_slice %arg11[%mul3A_207] : memref<544xi32, #tpu.memory_space<vmem>> -> memref<256xi32, #tpu.memory_space<vmem>>
          %dma_start3A_211 = tpu.memref_slice %arg4[%min3A_194] : memref<2560000xi32, #tpu.memory_space<hbm>> -> memref<256xi32, #tpu.memory_space<hbm>>
          tpu.enqueue_dma source(%dma_start3A_211 : memref<256xi32, #tpu.memory_space<hbm>>) target(%dma_start3A_210 : memref<256xi32, #tpu.memory_space<vmem>>) target_semaphore(%arg14 : memref<!tpu.dma_semaphore, #tpu.memory_space<semaphore_mem>>)
        } else {
        }
        %rem3A_139 = arith.constant 2 : i32
        %rem3A_140 = arith.remsi %while3A_126, %rem3A_139 : i32
        %mul3A_141 = arith.constant 256 : i32
        %mul3A_142 = arith.muli %rem3A_140, %mul3A_141 : i32
        %add3A_143 = arith.constant 0 : i32
        %add3A_144 = arith.addi %mul3A_142, %add3A_143 : i32
        %mul3A_145 = arith.constant 256 : i32
        %mul3A_146 = arith.muli %rem3A_140, %mul3A_145 : i32
        %add3A_147 = arith.constant 0 : i32
        %add3A_148 = arith.addi %mul3A_146, %add3A_147 : i32
        %dma_wait3A = arith.constant 0 : i32
        %dma_wait3A_149 = tpu.memref_slice %arg12[%add3A_148, %dma_wait3A] : memref<512x128xf32, #tpu.memory_space<vmem>> -> memref<128x128xf32, #tpu.memory_space<vmem>>
        %dma_wait3A_150 = tpu.memref_slice %arg9[%add3A_144] : memref<512xi32, #tpu.memory_space<vmem>> -> memref<128xi32, #tpu.memory_space<vmem>>
        %dma_wait3A_151 = arith.constant 0 : i32
        %dma_wait3A_152 = arith.constant 0 : i32
        %dma_wait3A_153 = tpu.memref_slice %arg5[%dma_wait3A_151, %dma_wait3A_152] : memref<160000x128xf32, #tpu.memory_space<hbm>> -> memref<160000x128xf32, #tpu.memory_space<hbm>>
        tpu.wait_indirect_dma semaphore(%arg15 : memref<!tpu.dma_semaphore, #tpu.memory_space<semaphore_mem>>) src(%dma_wait3A_153 : memref<160000x128xf32, #tpu.memory_space<hbm>>) dst(%dma_wait3A_149 : memref<128x128xf32, #tpu.memory_space<vmem>>)
        %mul3A_154 = arith.constant 256 : i32
        %mul3A_155 = arith.muli %rem3A_140, %mul3A_154 : i32
        %add3A_156 = arith.constant 128 : i32
        %add3A_157 = arith.addi %mul3A_155, %add3A_156 : i32
        %mul3A_158 = arith.constant 256 : i32
        %mul3A_159 = arith.muli %rem3A_140, %mul3A_158 : i32
        %add3A_160 = arith.constant 128 : i32
        %add3A_161 = arith.addi %mul3A_159, %add3A_160 : i32
        %dma_wait3A_162 = arith.constant 0 : i32
        %dma_wait3A_163 = tpu.memref_slice %arg12[%add3A_161, %dma_wait3A_162] : memref<512x128xf32, #tpu.memory_space<vmem>> -> memref<128x128xf32, #tpu.memory_space<vmem>>
        %dma_wait3A_164 = tpu.memref_slice %arg9[%add3A_157] : memref<512xi32, #tpu.memory_space<vmem>> -> memref<128xi32, #tpu.memory_space<vmem>>
        %dma_wait3A_165 = arith.constant 0 : i32
        %dma_wait3A_166 = arith.constant 0 : i32
        %dma_wait3A_167 = tpu.memref_slice %arg5[%dma_wait3A_165, %dma_wait3A_166] : memref<160000x128xf32, #tpu.memory_space<hbm>> -> memref<160000x128xf32, #tpu.memory_space<hbm>>
        tpu.wait_indirect_dma semaphore(%arg15 : memref<!tpu.dma_semaphore, #tpu.memory_space<semaphore_mem>>) src(%dma_wait3A_167 : memref<160000x128xf32, #tpu.memory_space<hbm>>) dst(%dma_wait3A_163 : memref<128x128xf32, #tpu.memory_space<vmem>>)
        %add3A_168 = arith.constant 1 : i32
        %add3A_169 = arith.addi %while3A_126, %add3A_168 : i32
        %lt3A_170 = arith.cmpi slt, %add3A_169, %select_n3A_107 : i32
        %convert_element_type3A_171 = arith.extui %lt3A_170 : i1 to i32
        %cond3A_172 = arith.constant 0 : i32
        %cond3A_173 = arith.cmpi ne, %convert_element_type3A_171, %cond3A_172 : i32
        scf.if %cond3A_173 {
          %add3A_186 = arith.constant 1 : i32
          %add3A_187 = arith.addi %while3A_126, %add3A_186 : i32
          %rem3A_188 = arith.constant 2 : i32
          %rem3A_189 = arith.remsi %add3A_187, %rem3A_188 : i32
          %mul3A_190 = arith.constant 256 : i32
          %mul3A_191 = arith.muli %add3A_187, %mul3A_190 : i32
          %add3A_192 = arith.addi %mul3A_78, %mul3A_191 : i32
          %min3A_193 = arith.constant 2559744 : i32
          %min3A_194 = arith.minsi %add3A_192, %min3A_193 : i32
          %mul3A_195 = arith.constant 256 : i32
          %mul3A_196 = arith.muli %rem3A_189, %mul3A_195 : i32
          %dma_wait3A_197 = tpu.memref_slice %arg9[%mul3A_196] : memref<512xi32, #tpu.memory_space<vmem>> -> memref<256xi32, #tpu.memory_space<vmem>>
          %dma_wait3A_198 = tpu.memref_slice %arg2[%min3A_194] : memref<2560000xi32, #tpu.memory_space<hbm>> -> memref<256xi32, #tpu.memory_space<hbm>>
          %dma_wait3A_199 = tpu.memref_slice %arg9[%mul3A_196] : memref<512xi32, #tpu.memory_space<vmem>> -> memref<256xi32, #tpu.memory_space<vmem>>
          %dma_wait3A_200 = tpu.memref_slice %arg2[%min3A_194] : memref<2560000xi32, #tpu.memory_space<hbm>> -> memref<256xi32, #tpu.memory_space<hbm>>
          tpu.wait_dma2 semaphore(%arg14 : memref<!tpu.dma_semaphore, #tpu.memory_space<semaphore_mem>>) src(%dma_wait3A_200 : memref<256xi32, #tpu.memory_space<hbm>>) dst(%dma_wait3A_199 : memref<256xi32, #tpu.memory_space<vmem>>)
          %mul3A_201 = arith.constant 272 : i32
          %mul3A_202 = arith.muli %rem3A_189, %mul3A_201 : i32
          %dma_wait3A_203 = tpu.memref_slice %arg10[%mul3A_202] : memref<544xf32, #tpu.memory_space<vmem>> -> memref<256xf32, #tpu.memory_space<vmem>>
          %dma_wait3A_204 = tpu.memref_slice %arg3[%min3A_194] : memref<2560000xf32, #tpu.memory_space<hbm>> -> memref<256xf32, #tpu.memory_space<hbm>>
          %dma_wait3A_205 = tpu.memref_slice %arg10[%mul3A_202] : memref<544xf32, #tpu.memory_space<vmem>> -> memref<256xf32, #tpu.memory_space<vmem>>
          %dma_wait3A_206 = tpu.memref_slice %arg3[%min3A_194] : memref<2560000xf32, #tpu.memory_space<hbm>> -> memref<256xf32, #tpu.memory_space<hbm>>
          tpu.wait_dma2 semaphore(%arg14 : memref<!tpu.dma_semaphore, #tpu.memory_space<semaphore_mem>>) src(%dma_wait3A_206 : memref<256xf32, #tpu.memory_space<hbm>>) dst(%dma_wait3A_205 : memref<256xf32, #tpu.memory_space<vmem>>)
          %mul3A_207 = arith.constant 272 : i32
          %mul3A_208 = arith.muli %rem3A_189, %mul3A_207 : i32
          %dma_wait3A_209 = tpu.memref_slice %arg11[%mul3A_208] : memref<544xi32, #tpu.memory_space<vmem>> -> memref<256xi32, #tpu.memory_space<vmem>>
          %dma_wait3A_210 = tpu.memref_slice %arg4[%min3A_194] : memref<2560000xi32, #tpu.memory_space<hbm>> -> memref<256xi32, #tpu.memory_space<hbm>>
          %dma_wait3A_211 = tpu.memref_slice %arg11[%mul3A_208] : memref<544xi32, #tpu.memory_space<vmem>> -> memref<256xi32, #tpu.memory_space<vmem>>
          %dma_wait3A_212 = tpu.memref_slice %arg4[%min3A_194] : memref<2560000xi32, #tpu.memory_space<hbm>> -> memref<256xi32, #tpu.memory_space<hbm>>
          tpu.wait_dma2 semaphore(%arg14 : memref<!tpu.dma_semaphore, #tpu.memory_space<semaphore_mem>>) src(%dma_wait3A_212 : memref<256xi32, #tpu.memory_space<hbm>>) dst(%dma_wait3A_211 : memref<256xi32, #tpu.memory_space<vmem>>)
          %add3A_213 = arith.constant 1 : i32
          %add3A_214 = arith.addi %while3A_126, %add3A_213 : i32
          %rem3A_215 = arith.constant 2 : i32
          %rem3A_216 = arith.remsi %add3A_214, %rem3A_215 : i32
          %mul3A_217 = arith.constant 256 : i32
          %mul3A_218 = arith.muli %rem3A_216, %mul3A_217 : i32
          %add3A_219 = arith.constant 0 : i32
          %add3A_220 = arith.addi %mul3A_218, %add3A_219 : i32
          %mul3A_221 = arith.constant 256 : i32
          %mul3A_222 = arith.muli %rem3A_216, %mul3A_221 : i32
          %add3A_223 = arith.constant 0 : i32
          %add3A_224 = arith.addi %mul3A_222, %add3A_223 : i32
          %dma_start3A = arith.constant 0 : i32
          %dma_start3A_225 = tpu.memref_slice %arg12[%add3A_224, %dma_start3A] : memref<512x128xf32, #tpu.memory_space<vmem>> -> memref<128x128xf32, #tpu.memory_space<vmem>>
          %dma_start3A_226 = tpu.memref_slice %arg9[%add3A_220] : memref<512xi32, #tpu.memory_space<vmem>> -> memref<128xi32, #tpu.memory_space<vmem>>
          %dma_start3A_227 = arith.constant 0 : i32
          %dma_start3A_228 = arith.constant 0 : i32
          %dma_start3A_229 = tpu.memref_slice %arg5[%dma_start3A_227, %dma_start3A_228] : memref<160000x128xf32, #tpu.memory_space<hbm>> -> memref<160000x128xf32, #tpu.memory_space<hbm>>
          tpu.enqueue_indirect_dma source(%dma_start3A_229 : memref<160000x128xf32, #tpu.memory_space<hbm>>) target(%dma_start3A_225 : memref<128x128xf32, #tpu.memory_space<vmem>>) offsets(%dma_start3A_226 : memref<128xi32, #tpu.memory_space<vmem>>) semaphore(%arg15 : memref<!tpu.dma_semaphore, #tpu.memory_space<semaphore_mem>>)
          %mul3A_230 = arith.constant 256 : i32
          %mul3A_231 = arith.muli %rem3A_216, %mul3A_230 : i32
          %add3A_232 = arith.constant 128 : i32
          %add3A_233 = arith.addi %mul3A_231, %add3A_232 : i32
          %mul3A_234 = arith.constant 256 : i32
          %mul3A_235 = arith.muli %rem3A_216, %mul3A_234 : i32
          %add3A_236 = arith.constant 128 : i32
          %add3A_237 = arith.addi %mul3A_235, %add3A_236 : i32
          %dma_start3A_238 = arith.constant 0 : i32
          %dma_start3A_239 = tpu.memref_slice %arg12[%add3A_237, %dma_start3A_238] : memref<512x128xf32, #tpu.memory_space<vmem>> -> memref<128x128xf32, #tpu.memory_space<vmem>>
          %dma_start3A_240 = tpu.memref_slice %arg9[%add3A_233] : memref<512xi32, #tpu.memory_space<vmem>> -> memref<128xi32, #tpu.memory_space<vmem>>
          %dma_start3A_241 = arith.constant 0 : i32
          %dma_start3A_242 = arith.constant 0 : i32
          %dma_start3A_243 = tpu.memref_slice %arg5[%dma_start3A_241, %dma_start3A_242] : memref<160000x128xf32, #tpu.memory_space<hbm>> -> memref<160000x128xf32, #tpu.memory_space<hbm>>
          tpu.enqueue_indirect_dma source(%dma_start3A_243 : memref<160000x128xf32, #tpu.memory_space<hbm>>) target(%dma_start3A_239 : memref<128x128xf32, #tpu.memory_space<vmem>>) offsets(%dma_start3A_240 : memref<128xi32, #tpu.memory_space<vmem>>) semaphore(%arg15 : memref<!tpu.dma_semaphore, #tpu.memory_space<semaphore_mem>>)
        } else {
        }
        %max3A = arith.maxsi %while3A_127, %min3A_133 : i32
        %sub3A_174 = arith.subi %max3A, %min3A_133 : i32
        %add3A_175 = arith.constant 256 : i32
        %add3A_176 = arith.addi %min3A_133, %add3A_175 : i32
        %min3A_177 = arith.minsi %squeeze3A_44, %add3A_176 : i32
        %sub3A_178 = arith.subi %min3A_177, %min3A_133 : i32
        %mul3A_179 = arith.constant 256 : i32
        %mul3A_180 = arith.muli %rem3A_129, %mul3A_179 : i32
        %mul3A_181 = arith.constant 272 : i32
        %mul3A_182 = arith.muli %rem3A_129, %mul3A_181 : i32
        %parallel_loop3A = arith.constant 1 : i32
        scf.for %parallel_loop3A_186 = %sub3A_174 to %sub3A_178 step %parallel_loop3A  : i32 {
          %parallel_loop3A_187 = arith.addi %mul3A_182, %parallel_loop3A_186 : i32
          %parallel_loop3A_188 = arith.index_cast %parallel_loop3A_187 : i32 to index
          %parallel_loop3A_189 = tpu.vector_load %arg11[%parallel_loop3A_188] {strides = array<i32>} : memref<544xi32, #tpu.memory_space<vmem>>, vector<16xi32>,
          %parallel_loop3A_190 = vector.shape_cast %parallel_loop3A_189 : vector<16xi32> to vector<16xi32>
          %parallel_loop3A_191 = vector.extract_strided_slice %parallel_loop3A_190 {offsets = [0], sizes = [1], strides = [1]} : vector<16xi32> to vector<1xi32>
          %parallel_loop3A_192 = vector.extract %parallel_loop3A_191[0] : i32 from vector<1xi32>
          %parallel_loop3A_193 = arith.subi %parallel_loop3A_192, %mul3A_46 : i32
          %parallel_loop3A_194 = arith.addi %mul3A_182, %parallel_loop3A_186 : i32
          %parallel_loop3A_195 = arith.index_cast %parallel_loop3A_194 : i32 to index
          %parallel_loop3A_196 = tpu.vector_load %arg10[%parallel_loop3A_195] {strides = array<i32>} : memref<544xf32, #tpu.memory_space<vmem>>, vector<16xf32>,
          %parallel_loop3A_197 = vector.shape_cast %parallel_loop3A_196 : vector<16xf32> to vector<16xf32>
          %parallel_loop3A_198 = vector.extract_strided_slice %parallel_loop3A_197 {offsets = [0], sizes = [1], strides = [1]} : vector<16xf32> to vector<1xf32>
          %parallel_loop3A_199 = vector.extract %parallel_loop3A_198[0] : f32 from vector<1xf32>
          %parallel_loop3A_200 = arith.addi %mul3A_180, %parallel_loop3A_186 : i32
          %parallel_loop3A_201 = arith.index_cast %parallel_loop3A_200 : i32 to index
          %parallel_loop3A_202 = arith.constant 0 : index
          %parallel_loop3A_203 = tpu.vector_load %arg12[%parallel_loop3A_201, %parallel_loop3A_202] {strides = array<i32>} : memref<512x128xf32, #tpu.memory_space<vmem>>, vector<1x16xf32>,
          %parallel_loop3A_204 = vector.shape_cast %parallel_loop3A_203 : vector<1x16xf32> to vector<16xf32>
          %parallel_loop3A_205 = arith.addi %mul3A_180, %parallel_loop3A_186 : i32
          %parallel_loop3A_206 = arith.index_cast %parallel_loop3A_205 : i32 to index
          %parallel_loop3A_207 = arith.constant 16 : index
          %parallel_loop3A_208 = tpu.vector_load %arg12[%parallel_loop3A_206, %parallel_loop3A_207] {strides = array<i32>} : memref<512x128xf32, #tpu.memory_space<vmem>>, vector<1x16xf32>,
          %parallel_loop3A_209 = vector.shape_cast %parallel_loop3A_208 : vector<1x16xf32> to vector<16xf32>
          %parallel_loop3A_210 = arith.addi %mul3A_180, %parallel_loop3A_186 : i32
          %parallel_loop3A_211 = arith.index_cast %parallel_loop3A_210 : i32 to index
          %parallel_loop3A_212 = arith.constant 32 : index
          %parallel_loop3A_213 = tpu.vector_load %arg12[%parallel_loop3A_211, %parallel_loop3A_212] {strides = array<i32>} : memref<512x128xf32, #tpu.memory_space<vmem>>, vector<1x16xf32>,
          %parallel_loop3A_214 = vector.shape_cast %parallel_loop3A_213 : vector<1x16xf32> to vector<16xf32>
          %parallel_loop3A_215 = arith.addi %mul3A_180, %parallel_loop3A_186 : i32
          %parallel_loop3A_216 = arith.index_cast %parallel_loop3A_215 : i32 to index
          %parallel_loop3A_217 = arith.constant 48 : index
          %parallel_loop3A_218 = tpu.vector_load %arg12[%parallel_loop3A_216, %parallel_loop3A_217] {strides = array<i32>} : memref<512x128xf32, #tpu.memory_space<vmem>>, vector<1x16xf32>,
          %parallel_loop3A_219 = vector.shape_cast %parallel_loop3A_218 : vector<1x16xf32> to vector<16xf32>
          %parallel_loop3A_220 = arith.addi %mul3A_180, %parallel_loop3A_186 : i32
          %parallel_loop3A_221 = arith.index_cast %parallel_loop3A_220 : i32 to index
          %parallel_loop3A_222 = arith.constant 64 : index
          %parallel_loop3A_223 = tpu.vector_load %arg12[%parallel_loop3A_221, %parallel_loop3A_222] {strides = array<i32>} : memref<512x128xf32, #tpu.memory_space<vmem>>, vector<1x16xf32>,
          %parallel_loop3A_224 = vector.shape_cast %parallel_loop3A_223 : vector<1x16xf32> to vector<16xf32>
          %parallel_loop3A_225 = arith.addi %mul3A_180, %parallel_loop3A_186 : i32
          %parallel_loop3A_226 = arith.index_cast %parallel_loop3A_225 : i32 to index
          %parallel_loop3A_227 = arith.constant 80 : index
          %parallel_loop3A_228 = tpu.vector_load %arg12[%parallel_loop3A_226, %parallel_loop3A_227] {strides = array<i32>} : memref<512x128xf32, #tpu.memory_space<vmem>>, vector<1x16xf32>,
          %parallel_loop3A_229 = vector.shape_cast %parallel_loop3A_228 : vector<1x16xf32> to vector<16xf32>
          %parallel_loop3A_230 = arith.addi %mul3A_180, %parallel_loop3A_186 : i32
          %parallel_loop3A_231 = arith.index_cast %parallel_loop3A_230 : i32 to index
          %parallel_loop3A_232 = arith.constant 96 : index
          %parallel_loop3A_233 = tpu.vector_load %arg12[%parallel_loop3A_231, %parallel_loop3A_232] {strides = array<i32>} : memref<512x128xf32, #tpu.memory_space<vmem>>, vector<1x16xf32>,
          %parallel_loop3A_234 = vector.shape_cast %parallel_loop3A_233 : vector<1x16xf32> to vector<16xf32>
          %parallel_loop3A_235 = arith.addi %mul3A_180, %parallel_loop3A_186 : i32
          %parallel_loop3A_236 = arith.index_cast %parallel_loop3A_235 : i32 to index
          %parallel_loop3A_237 = arith.constant 112 : index
          %parallel_loop3A_238 = tpu.vector_load %arg12[%parallel_loop3A_236, %parallel_loop3A_237] {strides = array<i32>} : memref<512x128xf32, #tpu.memory_space<vmem>>, vector<1x16xf32>,
          %parallel_loop3A_239 = vector.shape_cast %parallel_loop3A_238 : vector<1x16xf32> to vector<16xf32>
          %parallel_loop3A_240 = vector.broadcast %parallel_loop3A_199 : f32 to vector<16xf32>
          %parallel_loop3A_241 = arith.mulf %parallel_loop3A_204, %parallel_loop3A_240 : vector<16xf32>
          %parallel_loop3A_242 = arith.index_cast %parallel_loop3A_193 : i32 to index
          %parallel_loop3A_243 = arith.constant 0 : index
          %parallel_loop3A_244 = tpu.vector_load %arg13[%parallel_loop3A_242, %parallel_loop3A_243] {strides = array<i32>} : memref<256x128xf32, #tpu.memory_space<vmem>>, vector<1x16xf32>,
          %parallel_loop3A_245 = vector.shape_cast %parallel_loop3A_244 : vector<1x16xf32> to vector<16xf32>
          %parallel_loop3A_246 = vector.shape_cast %parallel_loop3A_241 : vector<16xf32> to vector<1x16xf32>
          tpu.vector_store %arg13[%parallel_loop3A_242, %parallel_loop3A_243], %parallel_loop3A_246 {add = true, strides = array<i32>} : memref<256x128xf32, #tpu.memory_space<vmem>>, vector<1x16xf32>,
          %parallel_loop3A_247 = vector.broadcast %parallel_loop3A_199 : f32 to vector<16xf32>
          %parallel_loop3A_248 = arith.mulf %parallel_loop3A_209, %parallel_loop3A_247 : vector<16xf32>
          %parallel_loop3A_249 = arith.index_cast %parallel_loop3A_193 : i32 to index
          %parallel_loop3A_250 = arith.constant 16 : index
          %parallel_loop3A_251 = tpu.vector_load %arg13[%parallel_loop3A_249, %parallel_loop3A_250] {strides = array<i32>} : memref<256x128xf32, #tpu.memory_space<vmem>>, vector<1x16xf32>,
          %parallel_loop3A_252 = vector.shape_cast %parallel_loop3A_251 : vector<1x16xf32> to vector<16xf32>
          %parallel_loop3A_253 = vector.shape_cast %parallel_loop3A_248 : vector<16xf32> to vector<1x16xf32>
          tpu.vector_store %arg13[%parallel_loop3A_249, %parallel_loop3A_250], %parallel_loop3A_253 {add = true, strides = array<i32>} : memref<256x128xf32, #tpu.memory_space<vmem>>, vector<1x16xf32>,
          %parallel_loop3A_254 = vector.broadcast %parallel_loop3A_199 : f32 to vector<16xf32>
          %parallel_loop3A_255 = arith.mulf %parallel_loop3A_214, %parallel_loop3A_254 : vector<16xf32>
          %parallel_loop3A_256 = arith.index_cast %parallel_loop3A_193 : i32 to index
          %parallel_loop3A_257 = arith.constant 32 : index
          %parallel_loop3A_258 = tpu.vector_load %arg13[%parallel_loop3A_256, %parallel_loop3A_257] {strides = array<i32>} : memref<256x128xf32, #tpu.memory_space<vmem>>, vector<1x16xf32>,
          %parallel_loop3A_259 = vector.shape_cast %parallel_loop3A_258 : vector<1x16xf32> to vector<16xf32>
          %parallel_loop3A_260 = vector.shape_cast %parallel_loop3A_255 : vector<16xf32> to vector<1x16xf32>
          tpu.vector_store %arg13[%parallel_loop3A_256, %parallel_loop3A_257], %parallel_loop3A_260 {add = true, strides = array<i32>} : memref<256x128xf32, #tpu.memory_space<vmem>>, vector<1x16xf32>,
          %parallel_loop3A_261 = vector.broadcast %parallel_loop3A_199 : f32 to vector<16xf32>
          %parallel_loop3A_262 = arith.mulf %parallel_loop3A_219, %parallel_loop3A_261 : vector<16xf32>
          %parallel_loop3A_263 = arith.index_cast %parallel_loop3A_193 : i32 to index
          %parallel_loop3A_264 = arith.constant 48 : index
          %parallel_loop3A_265 = tpu.vector_load %arg13[%parallel_loop3A_263, %parallel_loop3A_264] {strides = array<i32>} : memref<256x128xf32, #tpu.memory_space<vmem>>, vector<1x16xf32>,
          %parallel_loop3A_266 = vector.shape_cast %parallel_loop3A_265 : vector<1x16xf32> to vector<16xf32>
          %parallel_loop3A_267 = vector.shape_cast %parallel_loop3A_262 : vector<16xf32> to vector<1x16xf32>
          tpu.vector_store %arg13[%parallel_loop3A_263, %parallel_loop3A_264], %parallel_loop3A_267 {add = true, strides = array<i32>} : memref<256x128xf32, #tpu.memory_space<vmem>>, vector<1x16xf32>,
          %parallel_loop3A_268 = vector.broadcast %parallel_loop3A_199 : f32 to vector<16xf32>
          %parallel_loop3A_269 = arith.mulf %parallel_loop3A_224, %parallel_loop3A_268 : vector<16xf32>
          %parallel_loop3A_270 = arith.index_cast %parallel_loop3A_193 : i32 to index
          %parallel_loop3A_271 = arith.constant 64 : index
          %parallel_loop3A_272 = tpu.vector_load %arg13[%parallel_loop3A_270, %parallel_loop3A_271] {strides = array<i32>} : memref<256x128xf32, #tpu.memory_space<vmem>>, vector<1x16xf32>,
          %parallel_loop3A_273 = vector.shape_cast %parallel_loop3A_272 : vector<1x16xf32> to vector<16xf32>
          %parallel_loop3A_274 = vector.shape_cast %parallel_loop3A_269 : vector<16xf32> to vector<1x16xf32>
          tpu.vector_store %arg13[%parallel_loop3A_270, %parallel_loop3A_271], %parallel_loop3A_274 {add = true, strides = array<i32>} : memref<256x128xf32, #tpu.memory_space<vmem>>, vector<1x16xf32>,
          %parallel_loop3A_275 = vector.broadcast %parallel_loop3A_199 : f32 to vector<16xf32>
          %parallel_loop3A_276 = arith.mulf %parallel_loop3A_229, %parallel_loop3A_275 : vector<16xf32>
          %parallel_loop3A_277 = arith.index_cast %parallel_loop3A_193 : i32 to index
          %parallel_loop3A_278 = arith.constant 80 : index
          %parallel_loop3A_279 = tpu.vector_load %arg13[%parallel_loop3A_277, %parallel_loop3A_278] {strides = array<i32>} : memref<256x128xf32, #tpu.memory_space<vmem>>, vector<1x16xf32>,
          %parallel_loop3A_280 = vector.shape_cast %parallel_loop3A_279 : vector<1x16xf32> to vector<16xf32>
          %parallel_loop3A_281 = vector.shape_cast %parallel_loop3A_276 : vector<16xf32> to vector<1x16xf32>
          tpu.vector_store %arg13[%parallel_loop3A_277, %parallel_loop3A_278], %parallel_loop3A_281 {add = true, strides = array<i32>} : memref<256x128xf32, #tpu.memory_space<vmem>>, vector<1x16xf32>,
          %parallel_loop3A_282 = vector.broadcast %parallel_loop3A_199 : f32 to vector<16xf32>
          %parallel_loop3A_283 = arith.mulf %parallel_loop3A_234, %parallel_loop3A_282 : vector<16xf32>
          %parallel_loop3A_284 = arith.index_cast %parallel_loop3A_193 : i32 to index
          %parallel_loop3A_285 = arith.constant 96 : index
          %parallel_loop3A_286 = tpu.vector_load %arg13[%parallel_loop3A_284, %parallel_loop3A_285] {strides = array<i32>} : memref<256x128xf32, #tpu.memory_space<vmem>>, vector<1x16xf32>,
          %parallel_loop3A_287 = vector.shape_cast %parallel_loop3A_286 : vector<1x16xf32> to vector<16xf32>
          %parallel_loop3A_288 = vector.shape_cast %parallel_loop3A_283 : vector<16xf32> to vector<1x16xf32>
          tpu.vector_store %arg13[%parallel_loop3A_284, %parallel_loop3A_285], %parallel_loop3A_288 {add = true, strides = array<i32>} : memref<256x128xf32, #tpu.memory_space<vmem>>, vector<1x16xf32>,
          %parallel_loop3A_289 = vector.broadcast %parallel_loop3A_199 : f32 to vector<16xf32>
          %parallel_loop3A_290 = arith.mulf %parallel_loop3A_239, %parallel_loop3A_289 : vector<16xf32>
          %parallel_loop3A_291 = arith.index_cast %parallel_loop3A_193 : i32 to index
          %parallel_loop3A_292 = arith.constant 112 : index
          %parallel_loop3A_293 = tpu.vector_load %arg13[%parallel_loop3A_291, %parallel_loop3A_292] {strides = array<i32>} : memref<256x128xf32, #tpu.memory_space<vmem>>, vector<1x16xf32>,
          %parallel_loop3A_294 = vector.shape_cast %parallel_loop3A_293 : vector<1x16xf32> to vector<16xf32>
          %parallel_loop3A_295 = vector.shape_cast %parallel_loop3A_290 : vector<16xf32> to vector<1x16xf32>
          tpu.vector_store %arg13[%parallel_loop3A_291, %parallel_loop3A_292], %parallel_loop3A_295 {add = true, strides = array<i32>} : memref<256x128xf32, #tpu.memory_space<vmem>>, vector<1x16xf32>,
        } {sc.loop_unroll_factor = 4 : i64, sc.parallel_access}
        %add3A_183 = arith.constant 256 : i32
        %add3A_184 = arith.addi %min3A_133, %add3A_183 : i32
        %min3A_185 = arith.minsi %squeeze3A_44, %add3A_184 : i32
        scf.yield %min3A_185 : i32
      }
      %sub3A_121 = arith.constant 0 : i32
      %sub3A_122 = arith.subi %add3A_40, %sub3A_121 : i32
      %mul3A_123 = arith.constant 256 : i32
      %mul3A_124 = arith.muli %sub3A_122, %mul3A_123 : i32
      "tpu.region"() ({
        %run_scoped3A = tpu.sem_alloc : memref<!tpu.dma_semaphore, #tpu.memory_space<semaphore_mem>>
        %dma_start3A = arith.constant 0 : i32
        %dma_start3A_126 = tpu.memref_slice %arg7[%mul3A_124, %dma_start3A] : memref<160000x128xf32, #tpu.memory_space<hbm>> -> memref<256x128xf32, #tpu.memory_space<hbm>>
        %dma_start3A_127 = arith.constant 0 : i32
        %dma_start3A_128 = tpu.memref_slice %arg7[%mul3A_124, %dma_start3A_127] : memref<160000x128xf32, #tpu.memory_space<hbm>> -> memref<256x128xf32, #tpu.memory_space<hbm>>
        tpu.enqueue_dma source(%arg13 : memref<256x128xf32, #tpu.memory_space<vmem>>) target(%dma_start3A_128 : memref<256x128xf32, #tpu.memory_space<hbm>>) target_semaphore(%run_scoped3A : memref<!tpu.dma_semaphore, #tpu.memory_space<semaphore_mem>>)
        %dma_wait3A = arith.constant 0 : i32
        %dma_wait3A_129 = tpu.memref_slice %arg7[%mul3A_124, %dma_wait3A] : memref<160000x128xf32, #tpu.memory_space<hbm>> -> memref<256x128xf32, #tpu.memory_space<hbm>>
        %dma_wait3A_130 = arith.constant 0 : i32
        %dma_wait3A_131 = tpu.memref_slice %arg7[%mul3A_124, %dma_wait3A_130] : memref<160000x128xf32, #tpu.memory_space<hbm>> -> memref<256x128xf32, #tpu.memory_space<hbm>>
        tpu.wait_dma2 semaphore(%run_scoped3A : memref<!tpu.dma_semaphore, #tpu.memory_space<semaphore_mem>>) src(%arg13 : memref<256x128xf32, #tpu.memory_space<vmem>>) dst(%dma_wait3A_131 : memref<256x128xf32, #tpu.memory_space<hbm>>)
        tpu.yield
      }) : () -> ()
      %while3A_125 = arith.constant 0 : i32
      scf.yield %while3A_125 : i32
    }
    return
  }
}

module attributes {stable_mosaic.version = 14 : i64} {
  func.func @body(%arg0: i32, %arg1: memref<4000x128xf32, #tpu.memory_space<vmem>>, %arg2: memref<4000x128xf32, #tpu.memory_space<vmem>>, %arg3: memref<128x128xf32, #tpu.memory_space<vmem>>, %arg4: memref<1x128xf32, #tpu.memory_space<vmem>>, %arg5: memref<4000x128xf32, #tpu.memory_space<vmem>>) attributes {dimension_semantics = [#tpu.dimension_semantics<arbitrary>], iteration_bounds = array<i64: 40>, scalar_prefetch = 0 : i64, scratch_operands = 0 : i64, tpu.core_type = #tpu.core_type<tc>, window_params = [{transform_indices = @transform_0, window_bounds = array<i64: 4000, 128>}, {transform_indices = @transform_1, window_bounds = array<i64: 4000, 128>}, {pipeline_mode = #tpu.pipeline_mode<synchronous>, transform_indices = @transform_2, window_bounds = array<i64: 128, 128>}, {pipeline_mode = #tpu.pipeline_mode<synchronous>, transform_indices = @transform_3, window_bounds = array<i64: 1, 128>}, {transform_indices = @transform_4, window_bounds = array<i64: 4000, 128>}]} {
    %get3A = arith.constant 0 : index
    %get3A_0 = arith.constant 0 : index
    %get3A_1 = vector.load %arg1[%get3A, %get3A_0] : memref<4000x128xf32, #tpu.memory_space<vmem>>, vector<4000x128xf32>
    %convert_element_type3A = arith.truncf %get3A_1 : vector<4000x128xf32> to vector<4000x128xbf16>
    %get3A_2 = arith.constant 0 : index
    %get3A_3 = arith.constant 0 : index
    %get3A_4 = vector.load %arg3[%get3A_2, %get3A_3] : memref<128x128xf32, #tpu.memory_space<vmem>>, vector<128x128xf32>
    %convert_element_type3A_5 = arith.truncf %get3A_4 : vector<128x128xf32> to vector<128x128xbf16>
    %dot_general3A = arith.constant dense<0.000000e+00> : vector<4000x128xf32>
    %dot_general3A_6 = tpu.matmul %convert_element_type3A, %convert_element_type3A_5, %dot_general3A {dimension_numbers = #tpu.dot_dimension_numbers<[1], [1], [0], [0], [0, 0, 1, 0], [], []>, transpose_lhs_hint = false} : vector<4000x128xbf16>, vector<128x128xbf16>, vector<4000x128xf32> -> vector<4000x128xf32>
    %get3A_7 = arith.constant 0 : index
    %get3A_8 = arith.constant 0 : index
    %get3A_9 = vector.load %arg2[%get3A_7, %get3A_8] : memref<4000x128xf32, #tpu.memory_space<vmem>>, vector<4000x128xf32>
    %add3A = arith.addf %get3A_9, %dot_general3A_6 : vector<4000x128xf32>
    %get3A_10 = arith.constant 0 : index
    %get3A_11 = arith.constant 0 : index
    %get3A_12 = vector.load %arg4[%get3A_10, %get3A_11] : memref<1x128xf32, #tpu.memory_space<vmem>>, vector<1x128xf32>
    %add3A_13 = vector.broadcast %get3A_12 : vector<1x128xf32> to vector<4000x128xf32>
    %add3A_14 = arith.addf %add3A, %add3A_13 : vector<4000x128xf32>
    %max3A = arith.constant 0.000000e+00 : f32
    %max3A_15 = vector.broadcast %max3A : f32 to vector<4000x128xf32>
    %max3A_16 = arith.maximumf %add3A_14, %max3A_15 : vector<4000x128xf32>
    %swap3A = arith.constant 0 : index
    %swap3A_17 = arith.constant 0 : index
    %swap3A_18 = vector.load %arg5[%swap3A, %swap3A_17] : memref<4000x128xf32, #tpu.memory_space<vmem>>, vector<4000x128xf32>
    tpu.vector_store %arg5[%swap3A, %swap3A_17], %max3A_16 {strides = array<i32>} : memref<4000x128xf32, #tpu.memory_space<vmem>>, vector<4000x128xf32>,
    return
  }
  func.func @transform_0(%arg0: i32) -> (i32, i32) {
    %c0_i32 = arith.constant 0 : i32
    %c0_i32_0 = arith.constant 0 : i32
    return %arg0, %c0_i32 : i32, i32
  }
  func.func @transform_1(%arg0: i32) -> (i32, i32) {
    %c0_i32 = arith.constant 0 : i32
    %c0_i32_0 = arith.constant 0 : i32
    return %arg0, %c0_i32 : i32, i32
  }
  func.func @transform_2(%arg0: i32) -> (i32, i32) {
    %c0_i32 = arith.constant 0 : i32
    %c0_i32_0 = arith.constant 0 : i32
    %c0_i32_1 = arith.constant 0 : i32
    return %c0_i32, %c0_i32_0 : i32, i32
  }
  func.func @transform_3(%arg0: i32) -> (i32, i32) {
    %c0_i32 = arith.constant 0 : i32
    %c0_i32_0 = arith.constant 0 : i32
    %c0_i32_1 = arith.constant 0 : i32
    return %c0_i32, %c0_i32_0 : i32, i32
  }
  func.func @transform_4(%arg0: i32) -> (i32, i32) {
    %c0_i32 = arith.constant 0 : i32
    %c0_i32_0 = arith.constant 0 : i32
    return %arg0, %c0_i32 : i32, i32
  }
}

</mosaic_0001>

<sc_bundles>
// kernel: kernel.4.cloned.1.call-start
scs
__scs_entry_jumppad:
0x0: {  	(pc) =	sbr.rel $0x88, $3  }
0x1: {  	(tag) =	ssettag $0x0;
	lr =	simm.s32 $0x1  }
0x2: {  	[smem:$0x3F9B] =	sst lr;
	_ =	strace $0xD0000000  }
0x3: {  	_ = 	snop  }
0x4: {  	_ = 	snop  }
0x5: {  	_ = 	snop  }
0x6: {  	_ = 	snop  }
0x7: {  	_ = 	snop  }
__scs_overlays_trampoline_lowered:
0x8: {  	[smem:$0x3FAA] =	sst s0  }
0x9: {  	[smem:$0x3FAB] =	sst s1  }
0xa: {  	[smem:$0x3FAC] =	sst s2  }
0xb: {  	[smem:$0x3FAD] =	sst s3  }
0xc: {  	[smem:$0x3FAE] =	sst s4  }
0xd: {  	[smem:$0x3FAF] =	sst s5  }
0xe: {  	[smem:$0x3FB0] =	sst s6  }
0xf: {  	[smem:$0x3FB1] =	sst s7  }
0x10: {  	[smem:$0x3FB2] =	sst s8  }
0x11: {  	[smem:$0x3FB3] =	sst s9;
	s0 =	simm.s32 @!p0 $0x0  }
0x12: {  	s1 =	sld [smem:$0x3F99];
	s0 =	simm.s32 @p0 $0x1  }
0x13: {  	[smem:$0x3FB4] =	sst s0;
	s0 =	simm.s32 @!p1 $0x0  }
0x14: {  	s2 =	sld [smem:$0x3F98];
	s0 =	simm.s32 @p1 $0x1  }
0x15: {  	[smem:$0x3FB5] =	sst s0;
	s0 =	simm.s32 @!p2 $0x0  }
0x16: {  	s3 =	sld [smem:$0x3FDB];
	s0 =	simm.s32 @p2 $0x1  }
0x17: {  	s4 =	simm.s32 $0x1BF5;
	[smem:$0x3FB7] =	sst s0  }
0x18: {  	s0 =	sld [smem:$0x3F9A];
	_ =	swait.ge [sflag:s4], $0x0  }
0x19: {  	s7 =	sld [smem:$0x3F9B]  }
0x1a: {  	s8 =	sadd.s32 $0xFFFFE003, lr  }
0x1b: {  	s9 =	sadd.s32 $0xFFFFFEF7, lr;
	s5 =	simm.s32 $0xFFFFFFFF;
	p2 =	slt.u32 s8, $0xFFFFF086  }
0x1c: {  	p1 =	slt.u32 s9, $0xF7A;
	s5 =	simm.s32 @!p2 $0x0  }
0x1d: {  	s5 =	simm.s32 @p1 $0x1;
	p0 =	seq.s32 s7, s2  }
0x1e: {  	s7 =	smul.u32 @!p0 $0xF7A, s2;
	p2 =	seq.s32 @!p0 s5, $0x0  }
0x1f: {  	s9 =	smul.u32 $0xF7A, s1;
	s8 =	simm.s32 @!p0 $0x1BF5;
	p2 =	por !p2, p0  }
0x20: {  	[sflag:s8] =	ssyncset.s32 @!p0 $0xFFFFF086;
	s6 =	sadd.s32 @!p0 s3, s7;
	s7 =	simm.s32 @!p0 $0x108  }
0x21: {  	s3 =	sadd.s32 s3, s9;
	s6 =	sadd.s32 @!p0 $0x88, s6;
	s7 =	simm.s32 @p2 $0x1082  }
0x22: {  	[simem:s7], [sflag:s8] =	dma.local @!p0 [hbm:s6], $0xF7A  }
0x23: {  	s9 =	sor.u32 $0xD0000000, s2;
	s6 =	simm.s32 $0x108;
	_ =	swait.ge @!p0 [sflag:s8], $0x0  }
0x24: {  	s3 =	sadd.s32 $0x88, s3;
	s6 =	simm.s32 @!p1 $0x1082;
	[sflag:s4] =	ssyncset.s32 $0xFFFFF086  }
0x25: {  	[simem:s6], [sflag:s4] =	dma.local [hbm:s3], $0xF7A  }
0x26: {  	[smem:$0x3F9B] =	sst s1;
	(tag) =	ssettag s2;
	_ =	strace s9  }
0x27: {  	s1 =	sld [smem:$0x3FAB]  }
0x28: {  	s2 =	sld [smem:$0x3FAC]  }
0x29: {  	s4 =	sld [smem:$0x3FAE]  }
0x2a: {  	p0 =	seq.s32 s5, $0x0;
	s5 =	sld [smem:$0x3FAF]  }
0x2b: {  	s6 =	sld [smem:$0x3FB0]  }
0x2c: {  	s7 =	sld [smem:$0x3FB1]  }
0x2d: {  	s3 =	simm.s32 $0x108;
	s8 =	sld [smem:$0x3FB2]  }
0x2e: {  	s3 =	simm.s32 @!p0 $0x1082;
	s9 =	sld [smem:$0x3FB3]  }
0x2f: {  	lr =	sadd.s32 s0, s3;
	s0 =	sld [smem:$0x3FAA]  }
0x30: {  	s3 =	sld [smem:$0x3FAD]  }
0x31: {  	[smem:$0x3FB6] =	sst s10  }
0x32: {  	s10 =	sld [smem:$0x3FB4];
	_ =	sdelay $0x3  }
0x33: {  	p0 =	seq.s32 s10, $0x1;
	s10 =	sld [smem:$0x3FB6];
	_ =	sdelay $0x3  }
0x34: {  	[smem:$0x3FB6] =	sst s10  }
0x35: {  	s10 =	sld [smem:$0x3FB5];
	_ =	sdelay $0x3  }
0x36: {  	p1 =	seq.s32 s10, $0x1;
	s10 =	sld [smem:$0x3FB6];
	_ =	sdelay $0x3  }
0x37: {  	[smem:$0x3FB6] =	sst s10  }
0x38: {  	s10 =	sld [smem:$0x3FB7]  }
0x39: {  	_ = 	snop;
	(pc) =	sbr.ind lr, $3  }
0x3a: {  	_ = 	snop  }
0x3b: {  	_ = 	snop  }
0x3c: {  	p2 =	seq.s32 s10, $0x1;
	s10 =	sld [smem:$0x3FB6]  }
0x3d: {  	_ =	shalt  }
0x3e: {  	_ =	shalt  }
0x3f: {  	_ =	shalt  }
0x40: {  	_ =	shalt  }
0x41: {  	_ =	shalt  }
0x42: {  	_ =	shalt  }
0x43: {  	_ =	shalt  }
0x44: {  	_ =	shalt  }
0x45: {  	_ =	shalt  }
0x46: {  	_ =	shalt  }
0x47: {  	_ =	shalt  }
0x48: {  	_ =	shalt  }
0x49: {  	_ =	shalt  }
0x4a: {  	_ =	shalt  }
0x4b: {  	_ =	shalt  }
0x4c: {  	_ =	shalt  }
0x4d: {  	_ =	shalt  }
0x4e: {  	_ =	shalt  }
0x4f: {  	_ =	shalt  }
0x50: {  	_ =	shalt  }
0x51: {  	_ =	shalt  }
0x52: {  	_ =	shalt  }
0x53: {  	_ =	shalt  }
0x54: {  	_ =	shalt  }
0x55: {  	_ =	shalt  }
0x56: {  	_ =	shalt  }
0x57: {  	_ =	shalt  }
0x58: {  	_ =	shalt  }
0x59: {  	_ =	shalt  }
0x5a: {  	_ =	shalt  }
0x5b: {  	_ =	shalt  }
0x5c: {  	_ =	shalt  }
0x5d: {  	_ =	shalt  }
0x5e: {  	_ =	shalt  }
0x5f: {  	_ =	shalt  }
0x60: {  	_ =	shalt  }
0x61: {  	_ =	shalt  }
0x62: {  	_ =	shalt  }
0x63: {  	_ =	shalt  }
0x64: {  	_ =	shalt  }
0x65: {  	_ =	shalt  }
0x66: {  	_ =	shalt  }
0x67: {  	_ =	shalt  }
0x68: {  	_ =	shalt  }
0x69: {  	_ =	shalt  }
0x6a: {  	_ =	shalt  }
0x6b: {  	_ =	shalt  }
0x6c: {  	_ =	shalt  }
0x6d: {  	_ =	shalt  }
0x6e: {  	_ =	shalt  }
0x6f: {  	_ =	shalt  }
0x70: {  	_ =	shalt  }
0x71: {  	_ =	shalt  }
0x72: {  	_ =	shalt  }
0x73: {  	_ =	shalt  }
0x74: {  	_ =	shalt  }
0x75: {  	_ =	shalt  }
0x76: {  	_ =	shalt  }
0x77: {  	_ =	shalt  }
0x78: {  	_ =	shalt  }
0x79: {  	_ =	shalt  }
0x7a: {  	_ =	shalt  }
0x7b: {  	_ =	shalt  }
0x7c: {  	_ =	shalt  }
0x7d: {  	_ =	shalt  }
0x7e: {  	_ =	shalt  }
0x7f: {  	_ =	shalt  }
0x80: {  	_ =	shalt  }
0x81: {  	_ =	shalt  }
0x82: {  	_ =	shalt  }
0x83: {  	_ =	shalt  }
0x84: {  	_ =	shalt  }
0x85: {  	_ =	shalt  }
0x86: {  	_ =	shalt  }
0x87: {  	_ =	shalt  }
.Lfunc_end0:
.L_simem_size_0:
called_computation.1_lowered:
.L_overlay_start_0:
0x88: {  	s2 =	sld [smem:$0x3FD9]  }
0x89: {  	s3 =	sld [smem:$0x3FFE];
	_ =	sdelay $0x1  }
0x8a: {  	s1 =	srdreg.scid  }
0x8b: {  	s0 =	sand.u32 $0x1, s1  }
0x8c: {  	s17 =	sshll.u32 s0, $0xA;
	s2 =	sadd.s32 s3, s2  }
0x8d: {  	s2 =	sadd.s32 s2, s17  }
0x8e: {  	[smem:$0x3FC2] =	sst s2  }
0x8f: {  	_ = 	snop  }
0x90: {  	s2 =	sld [smem:$0x3FC9]  }
0x91: {  	s18 =	sld [smem:$0x3FC8]  }
0x92: {  	s4 =	sld [smem:$0x3FC7]  }
0x93: {  	s5 =	sld [smem:$0x3FC6]  }
0x94: {  	s6 =	sld [smem:$0x3FD0];
	(tm) =	ssettm $0x1  }
0x95: {  	s7 =	sld [smem:$0x3FFB];
	_ =	sdelay $0x3  }
0x96: {  	_ =	strace s7  }
0x97: {  	s7 =	sld [smem:$0x3FFC];
	_ =	sdelay $0x3  }
0x98: {  	_ =	strace s7  }
0x99: {  	s7 =	sld [smem:$0x3FFD];
	_ =	sdelay $0x3  }
0x9a: {  	_ =	strace s7  }
0x9b: {  	_ =	strace $0x8FFFFFFF  }
0x9c: {  	s19 =	sld [smem:$0x3FDB];
	_ =	sdelay $0x1  }
0x9d: {  	s8 =	simm.s32 $_scs_section_size  }
0x9e: {  	s9 =	simm.s32 $_size__tile_overlayer_lowered;
	s10 =	simm.s32 $_tile_overlayer_lowered  }
0x9f: {  	s22 =	simm.s32 $0x1BFF;
	s21 =	sshll.u32 s10, $0x1;
	s7 =	sadd.s32 s8, s19  }
0xa0: {  	s11 =	simm.s32 $0x0;
	s20 =	sshll.u32 s9, $0x1;
	s9 =	sadd.s32 s21, s7  }
0xa1: {  	[timem:s11], [sflag:s22] =	dma.local [hbm:s9], s20  }
0xa2: {  	_ =	swait.ge [sflag:s22], s20  }
0xa3: {  	s8 =	ssub.s32 $0x0, s20;
	[sflag:s22] =	ssyncset.done $0x0  }
0xa4: {  	[sflag:s22] =	ssyncadd.s32 s8;
	_ =	sdelay $0x1  }
0xa5: {  	s23 =	simm.s32 $0x1B8B  }
0xa6: {  	_ =	swait.ge [sflag:s23], $0x1  }
0xa7: {  	[sflag:s23] =	ssyncset.done $0x0  }
0xa8: {  	s25 =	simm.s32 $0x1B8E;
	s24 =	sld [smem:$0x3FFE];
	[sflag:s23] =	ssyncadd.s32 $0xFFFFFFFF  }
0xa9: {  	s26 =	simm.s32 $execute0_lowered;
	[smem:$0x3FD2] =	sst s25  }
0xaa: {  	s9 =	sshll.u32 s26, $0x1;
	_ =	strace $0x80000049;
	[dreg:$0x1] =	wrdreg $0xFFFFFFFF  }
0xab: {  	s28 =	simm.s32 $_size_execute0_lowered;
	s7 =	sadd.s32 s7, s9;
	[dreg:$0x0] =	wrdreg $0x0  }
0xac: {  	s9 =	sshll.u32 s28, $0x1;
	[dreg:$0x2] =	wrdreg s7  }
0xad: {  	[dreg:$0x3] =	wrdreg s9  }
0xae: {  	[dreg:$0x4] =	wrdreg $0xC0  }
0xaf: {  	_ =	task [dreg:s11], $0x5FFFF  }
0xb0: {  	[dreg:$0x1] =	wrdreg $0xFFFFFFFF  }
0xb1: {  	[dreg:$0x0] =	wrdreg $0x60  }
0xb2: {  	[dreg:$0x2] =	wrdreg s4  }
0xb3: {  	[dreg:$0x3] =	wrdreg s5  }
0xb4: {  	[dreg:$0x4] =	wrdreg s18  }
0xb5: {  	[dreg:$0x5] =	wrdreg s2  }
0xb6: {  	[dreg:$0x6] =	wrdreg s6  }
0xb7: {  	[dreg:$0x7] =	wrdreg s24  }
0xb8: {  	[dreg:$0x8] =	wrdreg $0x9  }
0xb9: {  	_ =	task.clear_ibuf [dreg:s11], $0x9FFFF;
	_ =	strace $0x90000049  }
0xba: {  	s29 =	simm.s32 $0x9;
	_ =	strace $0x8000004B  }
0xbb: {  	_ =	swait.ge [sflag:s29], $0x1  }
0xbc: {  	[sflag:s29] =	ssyncadd.s32 $0xFFFFFFFF  }
0xbd: {  	_ =	strace $0x9000004B  }
0xbe: {  	_ =	sfence  }
0xbf: {  	s30 =	sld [smem:$0x0];
	_ =	sdelay $0x2  }
0xc0: {  	s31 =	sshll.u32 s1, $0xD;
	s1 =	sshrl.u32 s1, $0x2  }
0xc1: {  	s3 =	sand.u32 $0x4000, s31;
	s1 =	sadd.s32 s1, s30  }
0xc2: {  	s0 =	sor.u32 s3, s0;
	s1 =	sshll.u32 s1, $0x11  }
0xc3: {  	s0 =	sor.u32 s1, s0  }
0xc4: {  	s0 =	sadd.s32 $0x8F2B, s0  }
0xc5: {  	[sflag:s0] =	ssyncadd.remote.s32 $0x1  }
0xc6: {  	_ =	sfence.sel $0xFFFF  }
0xc7: {  	[dreg:$0x0] =	wrdreg $0xFFFFFFFF;
	(pc) =	sbr.abs _section_cstart, $3  }
0xc8: {  	[dreg:$0x1] =	wrdreg $0xFFFFFFFF  }
0xc9: {  	_ =	task.clear_ibuf [dreg:s11], $0x2FFFF;
	_ =	strace $0x9FFFFFFF  }
0xca: {  	(tm) =	ssettm $0x7FFFFFFF  }
0xcb: {  	_ =	shalt  }
tec
execute0_lowered:
.L_overlay_start_1:
0x0: {  	(tag) =	ssettag $0x1  }
0x1: {  	s0 =	rddreg [dreg:$0x0]  }
0x2: {  	s1 =	rddreg [dreg:$0x1]  }
0x3: {  	s2 =	rddreg [dreg:$0x2]  }
0x4: {  	s5 =	rddreg [dreg:$0x3]  }
0x5: {  	s3 =	srdreg.scid;
	s6 =	stileid.u32;
	s8 =	simm.s32 $0x0  }
0x6: {  	s13 =	simm.s32 $0x1;
	s3 =	sand.u32 $0x1, s3;
	s6 =	sshll.u32 s6, $0x1  }
.Ltmp0:
0x7: {  	s4 =	ssub.s32 $0x2, s3;
	s6 =	sor.u32 s6, s3;
	(pc) =	sbr.rel .LBB2_1-.Ltmp0, $4  }
0x8: {  	[smem:$0x7FF] =	sst s8;
	s7 =	sshrl.u32 s4, $0x1;
	s31 =	ssub.s32 $0x290, s6  }
0x9: {  	[dreg:$0x7] =	wrdreg s6;
	s30 =	ssub.s32 s4, s7;
	s4 =	sshrl.u32 s31, $0x5  }
0xa: {  	_ =	strace $0x8000004A;
	[dreg:$0x8] =	wrdreg s4;
	s3 =	smax.u32 s30, $0x1  }
0xb: {  	v0 =	vimm.f32 $0.0e+00;
	s21 =	simm.s32 $0x2;
	s4 =	simm.s32 $0x0;
	[dreg:$0x9] =	wrdreg s3  }
.LBB2_15:
0xc: {  	s4 =	rddreg [dreg:$0xa]  }
0xd: {  	s3 =	rddreg [dreg:$0x9];
	s4 =	sadd.s32 $0x1, s4  }
0xe: {  	p0 =	sne.s32 s4, s3  }
.Ltmp1:
0xf: {  	_ = 	snop;
	(pc) =	sbr.rel @!p0 .LBB2_16-.Ltmp1, $1  }
0x10: {  	_ =	sdelay $0x3  }
.LBB2_1:
0x11: {  	[dreg:$0xa] =	wrdreg s4  }
0x12: {  	s3 =	rddreg [dreg:$0x4]  }
.Ltmp2:
0x13: {  	s30 =	simm.s32 $0x0;
	s31 =	simm.s32 $0x3;
	(pc) =	sbr.rel .LBB2_2-.Ltmp2, $4  }
0x14: {  	[tilespmem:s30], [sflag:$0x3] =	stream.linear.gather [hbm4b:s3+s30], $0x300, $0x38;
	[tilespmem:$0x18A00] =	vst v63  }
0x15: {  	_ =	swait.ge [sflag:s31], $0x300  }
0x16: {  	[sflag:s31] =	ssyncset.done $0x0  }
0x17: {  	s24 =	simm.s32 $0x0;
	[sflag:s31] =	ssyncadd.s32 $0xFFFFFD00  }
.LBB2_14:
0x18: {  	s3 =	sshll.u32 s25, $0xC  }
0x19: {  	s4 =	rddreg [dreg:$0x5];
	s29 =	simm.s32 $0x0;
	s3 =	sand.u32 $0x1FFFF000, s3  }
0x1a: {  	s6 =	simm.s32 $0x10A00;
	s30 =	simm.s32 $0x3;
	s3 =	sadd.s32 s4, s3  }
0x1b: {  	[hbm4b:s3+s29] =	stream.linear.scatter [tilespmem:s6], [sflag:$0x3], $0x8000, $0x38;
	[tilespmem:$0x18A00] =	vst v63  }
0x1c: {  	_ =	swait.ge [sflag:s30], $0x8000  }
0x1d: {  	s24 =	sadd.s32 $0x1, s24;
	s31 =	rddreg [dreg:$0x8]  }
0x1e: {  	p0 =	sne.s32 s24, s31  }
.Ltmp3:
0x1f: {  	_ = 	snop;
	(pc) =	sbr.rel @!p0 .LBB2_15-.Ltmp3, $3  }
0x20: {  	_ =	sdelay $0x1  }
0x21: {  	[sflag:s30] =	ssyncset.done $0x0  }
0x22: {  	[sflag:s30] =	ssyncadd.s32 $0xFFFF8000  }
.LBB2_2:
0x23: {  	s3 =	sshll.u32 s24, $0x5;
	s4 =	rddreg [dreg:$0x7]  }
0x24: {  	s25 =	sor.u32 s4, s3  }
0x25: {  	s3 =	simm.s32 $0x0;
	s4 =	simm.s32 $0x200;
	v1 =	vld [tilespmem:s25+$0x0]  }
.LBB2_3:
0x26: {  	p0 =	sne.s32 s4, $0x1FE00;
	[tilespmem:s3+$0x10A70] =	vst v0  }
0x27: {  	[tilespmem:s3+$0x10A00] =	vst v0  }
0x28: {  	[tilespmem:s3+$0x10A10] =	vst v0  }
.Ltmp4:
0x29: {  	[tilespmem:s3+$0x10A20] =	vst v0;
	(pc) =	sbr.rel @p0 .LBB2_3-.Ltmp4, $4  }
0x2a: {  	[tilespmem:s3+$0x10A30] =	vst v0  }
0x2b: {  	[tilespmem:s3+$0x10A40] =	vst v0  }
0x2c: {  	[tilespmem:s3+$0x10A50] =	vst v0  }
0x2d: {  	[tilespmem:s3+$0x10A60] =	vst v0;
	s3 =	sshra.s32 s4, $0x2;
	s4 =	sadd.s32 $0x200, s4  }
0x2e: {  	(v2sf) =	vpush v1, $0x0;
	_ =	sdelay $0x6  }
0x2f: {  	(v2sf) =	vpush v1, $0x1;
	_ =	sdelay $0x7  }
0x30: {  	s26 =	spop (v2sf)  }
0x31: {  	s4 =	sand.u32 $0x7, s26  }
0x32: {  	s6 =	sshra.s32 s26, $0x1F;
	p0 =	slt.s32 s26, $0x1;
	p1 =	sne.s32 s4, $0x0  }
0x33: {  	s23 =	sshrl.u32 s6, $0x1D;
	p0 =	por !p0, !p1  }
0x34: {  	s6 =	simm.s32 $0x1;
	s4 =	sadd.s32 s23, s26;
	p0 =	por !p0, !p0  }
0x35: {  	s4 =	sshrl.u32 s4, $0x3;
	s6 =	simm.s32 @!p0 $0x0  }
0x36: {  	s4 =	ssub.s32 s4, s6  }
0x37: {  	s28 =	spop (v2sf);
	s4 =	sshll.u32 s4, $0x3  }
0x38: {  	s29 =	ssub.s32 s28, s4  }
0x39: {  	s6 =	sadd.s32 $0xFF, s29  }
0x3a: {  	s7 =	sand.u32 $0xFF, s6  }
0x3b: {  	s31 =	sshra.s32 s6, $0x1F;
	p6 =	slt.s32 s6, $0x1;
	p5 =	sne.s32 s7, $0x0  }
0x3c: {  	s7 =	sshrl.u32 s31, $0x18;
	p0 =	por !p6, !p5  }
0x3d: {  	s6 =	sadd.s32 s7, s6;
	s7 =	simm.s32 $0x1;
	p0 =	por !p0, !p0  }
0x3e: {  	[tilespmem:s3+$0x10A70] =	vst v0;
	s6 =	sshra.s32 s6, $0x8;
	s7 =	simm.s32 @!p0 $0x0  }
0x3f: {  	[tilespmem:s3+$0x10A00] =	vst v0;
	s30 =	ssub.s32 s6, s7  }
0x40: {  	[tilespmem:s3+$0x10A10] =	vst v0;
	p0 =	slt.s32 s30, $0x1  }
.Ltmp5:
0x41: {  	[tilespmem:s3+$0x10A20] =	vst v0;
	(pc) =	sbr.rel @p0 .LBB2_14-.Ltmp5, $4  }
0x42: {  	[tilespmem:s3+$0x10A30] =	vst v0  }
0x43: {  	[tilespmem:s3+$0x10A40] =	vst v0  }
0x44: {  	[tilespmem:s3+$0x10A50] =	vst v0  }
0x45: {  	[tilespmem:s3+$0x10A60] =	vst v0  }
0x46: {  	p0 =	slt.s32 s4, $0x270F00;
	s3 =	smov.u32 s4  }
0x47: {  	s3 =	simm.s32 @!p0 $0x270F00  }
0x48: {  	s3 =	sshrl.u32 s3, $0x3  }
0x49: {  	s31 =	simm.s32 $0x0;
	s7 =	simm.s32 $0x300;
	s6 =	sadd.s32 s0, s3  }
0x4a: {  	[tilespmem:s7], [sflag:$0x1] =	stream.linear.gather [hbm4b:s6+s31], $0x100, $0x38;
	[tilespmem:$0x18A00] =	vst v63  }
0x4b: {  	s8 =	simm.s32 $0x500;
	s17 =	sadd.s32 s1, s3  }
0x4c: {  	[tilespmem:s8], [sflag:$0x1] =	stream.linear.gather [hbm4b:s17+s31], $0x100, $0x38;
	[tilespmem:$0x18A00] =	vst v63  }
0x4d: {  	s18 =	simm.s32 $0x780;
	s3 =	sadd.s32 s2, s3  }
0x4e: {  	[tilespmem:s18], [sflag:$0x1] =	stream.linear.gather [hbm4b:s3+s31], $0x100, $0x38;
	[tilespmem:$0x18A00] =	vst v63  }
0x4f: {  	_ =	swait.ge [sflag:s13], $0x100  }
0x50: {  	[sflag:s13] =	ssyncset.done $0x0  }
0x51: {  	[sflag:s13] =	ssyncadd.s32 $0xFFFFFF00  }
0x52: {  	_ =	swait.ge [sflag:s13], $0x100  }
0x53: {  	[sflag:s13] =	ssyncset.done $0x0  }
0x54: {  	[sflag:s13] =	ssyncadd.s32 $0xFFFFFF00  }
0x55: {  	s19 =	simm.s32 $0x80;
	_ =	swait.ge [sflag:s13], $0x100  }
.Ltmp6:
0x56: {  	s20 =	simm.s32 $0xA00;
	[sflag:s13] =	ssyncset.done $0x0;
	(pc) =	sbr.rel .LBB2_7-.Ltmp6, $4  }
0x57: {  	s22 =	simm.s32 $0x380;
	s23 =	simm.s32 $0x4A00;
	[sflag:s13] =	ssyncadd.s32 $0xFFFFFF00  }
0x58: {  	[tilespmem:s20], [sflag:$0x2] =	stream.indirect.gather [hbm4b:s5+s19], $0x80, s7, s19, $0xb8;
	[tilespmem:$0x18A00] =	vst v63  }
0x59: {  	s29 =	smov.u32 s4;
	p0 =	por $0x0, $0x0;
	s3 =	sshll.u32 s25, $0x8  }
0x5a: {  	[tilespmem:s23], [sflag:$0x2] =	stream.indirect.gather [hbm4b:s5+s19], $0x80, s22, s19, $0xb8;
	[tilespmem:$0x18A00] =	vst v63  }
.LBB2_6:
0x5b: {  	p1 =	seq.s32 s31, s30  }
.Ltmp7:
0x5c: {  	_ = 	snop;
	(pc) =	sbr.rel @p1 .LBB2_14-.Ltmp7, $2  }
0x5d: {  	_ =	sdelay $0x2  }
0x5e: {  	s29 =	sadd.s32 $0x100, s29;
	p0 =	por !p0, !p0  }
.LBB2_7:
0x5f: {  	s6 =	sshll.u32 s31, $0x8;
	s31 =	sadd.s32 $0x1, s31  }
0x60: {  	p1 =	sge.s32 s31, s30  }
0x61: {  	s7 =	sshll.u32 @!p1 s31, $0x8  }
0x62: {  	s7 =	sadd.s32 @!p1 s4, s7  }
0x63: {  	p2 =	slt.s32 @!p1 s7, $0x270F00  }
0x64: {  	p2 =	por !p2, p1  }
0x65: {  	s8 =	sand.u32 @!p1 $0x1, s31;
	s7 =	simm.s32 @p2 $0x270F00  }
0x66: {  	s14 =	simm.s32 @!p1 $0x0;
	s9 =	sshll.u32 @!p1 s8, $0x8;
	s7 =	sshrl.u32 @!p1 s7, $0x3  }
0x67: {  	s15 =	smul.u32 @!p1 $0x110, s8;
	s10 =	sadd.s32 @!p1 $0x300, s9;
	s11 =	sadd.s32 @!p1 s0, s7  }
0x68: {  	[tilespmem:s10], [sflag:$0x1] =	stream.linear.gather @!p1 [hbm4b:s11+s14], $0x100, $0x38;
	[tilespmem:$0x18A00] =	vst v63  }
0x69: {  	s16 =	sadd.s32 @!p1 s1, s7;
	s11 =	sadd.s32 @!p1 $0x500, s15  }
0x6a: {  	[tilespmem:s11], [sflag:$0x1] =	stream.linear.gather @!p1 [hbm4b:s16+s14], $0x100, $0x38;
	[tilespmem:$0x18A00] =	vst v63  }
0x6b: {  	s7 =	sadd.s32 @!p1 s2, s7;
	s11 =	sadd.s32 @!p1 $0x780, s15  }
0x6c: {  	[tilespmem:s11], [sflag:$0x1] =	stream.linear.gather @!p1 [hbm4b:s7+s14], $0x100, $0x38;
	[tilespmem:$0x18A00] =	vst v63  }
0x6d: {  	_ =	swait.ge [sflag:s21], $0x4000  }
0x6e: {  	[sflag:s21] =	ssyncset.done $0x0  }
0x6f: {  	[sflag:s21] =	ssyncadd.s32 $0xFFFFC000  }
0x70: {  	_ =	swait.ge [sflag:s21], $0x4000  }
0x71: {  	[sflag:s21] =	ssyncset.done $0x0  }
0x72: {  	s7 =	simm.s32 @!p1 $0x1;
	[sflag:s21] =	ssyncadd.s32 $0xFFFFC000  }
0x73: {  	_ =	swait.ge @!p1 [sflag:s7], $0x100  }
0x74: {  	[sflag:s7] =	ssyncset.done @!p1 $0x0  }
0x75: {  	[sflag:s7] =	ssyncadd.s32 @!p1 $0xFFFFFF00  }
0x76: {  	_ =	swait.ge @!p1 [sflag:s7], $0x100  }
0x77: {  	[sflag:s7] =	ssyncset.done @!p1 $0x0  }
0x78: {  	s6 =	sadd.s32 s4, s6;
	[sflag:s7] =	ssyncadd.s32 @!p1 $0xFFFFFF00  }
0x79: {  	s8 =	sshll.u32 @!p1 s8, $0xF;
	p2 =	slt.s32 s6, $0x270F00;
	_ =	swait.ge @!p1 [sflag:s7], $0x100  }
0x7a: {  	s9 =	sadd.s32 @!p1 $0x380, s9;
	s6 =	simm.s32 @!p2 $0x270F00;
	[sflag:s7] =	ssyncset.done @!p1 $0x0  }
0x7b: {  	s11 =	simm.s32 @!p1 $0x80;
	[sflag:s7] =	ssyncadd.s32 @!p1 $0xFFFFFF00;
	s7 =	sor.u32 @!p1 $0xA00, s8  }
0x7c: {  	[tilespmem:s7], [sflag:$0x2] =	stream.indirect.gather @!p1 [hbm4b:s5+s11], $0x80, s10, s11, $0xb8;
	[tilespmem:$0x18A00] =	vst v63  }
0x7d: {  	s8 =	sor.u32 @!p1 $0x4A00, s8;
	s7 =	smov.u32 s26;
	s26 =	sadd.s32 $0x100, s6  }
0x7e: {  	[tilespmem:s8], [sflag:$0x2] =	stream.indirect.gather @!p1 [hbm4b:s5+s11], $0x80, s9, s11, $0xb8;
	[tilespmem:$0x18A00] =	vst v63  }
0x7f: {  	p2 =	slt.s32 s28, s26;
	p1 =	sgt.s32 s7, s6;
	s8 =	smov.u32 s6  }
0x80: {  	s26 =	smov.u32 @p2 s28;
	s8 =	smov.u32 @p1 s7  }
0x81: {  	s15 =	ssub.s32 s26, s6;
	s8 =	ssub.s32 s8, s6  }
0x82: {  	s6 =	ssub.s32 s15, s8  }
0x83: {  	s23 =	sshra.s32 s6, $0x1F  }
0x84: {  	s9 =	sshrl.u32 s23, $0x1E  }
0x85: {  	s9 =	sadd.s32 s9, s6  }
0x86: {  	s11 =	sand.u32 $0xFFFFFFFC, s9  }
0x87: {  	s19 =	sadd.s32 s8, s11  }
0x88: {  	p2 =	sge.s32 s8, s19  }
.Ltmp8:
0x89: {  	_ = 	snop;
	(pc) =	sbr.rel @p2 .LBB2_11-.Ltmp8, $4  }
0x8a: {  	_ = 	snop  }
0x8b: {  	s9 =	simm.s32 $0x1  }
0x8c: {  	p1 =	slt.s32 s29, $0x270F00;
	s23 =	smov.u32 s29;
	s9 =	simm.s32 @!p0 $0x0  }
0x8d: {  	s23 =	simm.s32 @!p1 $0x270F00;
	s18 =	smul.u32 $0x110, s9;
	s16 =	sshll.u32 s9, $0x8  }
0x8e: {  	p1 =	sgt.s32 s7, s23;
	s9 =	smov.u32 s23  }
0x8f: {  	s9 =	smov.u32 @p1 s7  }
0x90: {  	s7 =	sadd.s32 s18, s9  }
0x91: {  	s7 =	ssub.s32 s7, s23  }
0x92: {  	s7 =	sshll.u32 s7, $0x2  }
0x93: {  	s9 =	sadd.s32 s16, s9;
	s7 =	sshra.s32 s7, $0x2  }
0x94: {  	s9 =	ssub.s32 s9, s23;
	s14 =	sadd.s32 $0x780, s7  }
0x95: {  	s9 =	sshll.u32 s9, $0x9;
	v1 =	vld [tilespmem:s14+$0x3]  }
0x96: {  	s9 =	sshra.s32 s9, $0x2;
	v2 =	vld [tilespmem:s14+$0x2]  }
0x97: {  	s20 =	sadd.s32 $0x500, s7;
	s7 =	sadd.s32 $0xA70, s9;
	v3 =	vld [tilespmem:s14+$0x0]  }
0x98: {  	v4 =	vld [tilespmem:s7+$0x110]  }
0x99: {  	v7 =	vld.msk [tilespmem:s20+$0x3 ss:$0x0], $0xffff  }
0x9a: {  	v5 =	vld [tilespmem:s7+$0x180];
	(v2sf) =	vpush v1, $0x0  }
0x9b: {  	v6 =	vld [tilespmem:s7+$0x120]  }
0x9c: {  	v8 =	vld [tilespmem:s7+$0x130]  }
0x9d: {  	v9 =	vld [tilespmem:s7+$0x140]  }
0x9e: {  	v10 =	vld [tilespmem:s7+$0x150]  }
0x9f: {  	v11 =	vld [tilespmem:s7+$0x160]  }
0xa0: {  	v12 =	vld [tilespmem:s7+$0x170]  }
0xa1: {  	v13 =	vld.msk [tilespmem:s20+$0x1 ss:$0x0], $0xffff  }
0xa2: {  	v14 =	vld.msk [tilespmem:s20+$0x2 ss:$0x0], $0xffff  }
0xa3: {  	v15 =	vld [tilespmem:s7+$0xFFFFFFC0]  }
0xa4: {  	v1 =	vld [tilespmem:s14+$0x1]  }
0xa5: {  	v16 =	vld [tilespmem:s7+$0xFFFFFFD0]  }
0xa6: {  	v17 =	vld [tilespmem:s7+$0xFFFFFFE0]  }
0xa7: {  	v18 =	vld [tilespmem:s7+$0xFFFFFFF0]  }
0xa8: {  	v19 =	vld [tilespmem:s7+$0x0]  }
0xa9: {  	v20 =	vld [tilespmem:s7+$0x10];
	s10 =	spop (v2sf);
	(v2sf) =	vpush v1, $0x0  }
0xaa: {  	v21 =	vld [tilespmem:s7+$0x20];
	(v2sf) =	vpush v2, $0x0  }
0xab: {  	v22 =	vld [tilespmem:s7+$0x30];
	(v2sf) =	vpush v3, $0x0  }
0xac: {  	v23 =	vld [tilespmem:s7+$0x40]  }
0xad: {  	v24 =	vld [tilespmem:s7+$0x50]  }
0xae: {  	v25 =	vld [tilespmem:s7+$0x60]  }
0xaf: {  	v26 =	vld [tilespmem:s7+$0x70]  }
0xb0: {  	v27 =	vld [tilespmem:s7+$0x80]  }
0xb1: {  	v28 =	vld [tilespmem:s7+$0x90]  }
0xb2: {  	v29 =	vld [tilespmem:s7+$0xA0]  }
0xb3: {  	v30 =	vld [tilespmem:s7+$0xB0];
	s9 =	ssub.s32 s10, s3  }
0xb4: {  	v31 =	vld [tilespmem:s7+$0xC0];
	v5 =	vmul.f32 v5, v7;
	s9 =	sshll.u32 s9, $0x9  }
0xb5: {  	v1 =	vld [tilespmem:s7+$0xFFFFFF90];
	s22 =	sshra.s32 s9, $0x2  }
0xb6: {  	[tilespmem:s22+$0x10A70] =	vst.add.f32.msk $0xffff, v5  }
0xb7: {  	v5 =	vld.msk [tilespmem:s20+$0x0 ss:$0x0], $0xffff  }
0xb8: {  	v2 =	vld [tilespmem:s7+$0xFFFFFFA0];
	s12 =	spop (v2sf)  }
0xb9: {  	v3 =	vld [tilespmem:s7+$0xFFFFFFB0];
	s10 =	spop (v2sf)  }
0xba: {  	v32 =	vld [tilespmem:s7+$0xD0];
	s17 =	spop (v2sf)  }
0xbb: {  	v33 =	vld [tilespmem:s7+$0xE0];
	s17 =	ssub.s32 s17, s3  }
0xbc: {  	v34 =	vld [tilespmem:s7+$0xF0];
	v1 =	vmul.f32 v5, v1;
	s17 =	sshll.u32 s17, $0x9  }
0xbd: {  	v62 =	vld [tilespmem:s7+$0x100];
	v2 =	vmul.f32 v2, v5;
	s17 =	sshra.s32 s17, $0x2  }
0xbe: {  	[tilespmem:s17+$0x10A00] =	vst.add.f32.msk $0xffff, v1;
	v1 =	vmul.f32 v3, v5  }
0xbf: {  	[tilespmem:s17+$0x10A10] =	vst.add.f32.msk $0xffff, v2;
	v2 =	vmul.f32 v15, v5  }
0xc0: {  	v3 =	vmul.f32 v17, v5;
	[tilespmem:s17+$0x10A20] =	vst.add.f32.msk $0xffff, v1  }
0xc1: {  	v1 =	vmul.f32 v16, v5;
	[tilespmem:s17+$0x10A30] =	vst.add.f32.msk $0xffff, v2  }
0xc2: {  	s9 =	ssub.s32 s12, s3;
	v2 =	vmul.f32 v18, v5;
	[tilespmem:s17+$0x10A50] =	vst.add.f32.msk $0xffff, v3  }
0xc3: {  	s9 =	sshll.u32 s9, $0x9;
	v3 =	vmul.f32 v13, v20;
	[tilespmem:s17+$0x10A40] =	vst.add.f32.msk $0xffff, v1  }
0xc4: {  	s9 =	sshra.s32 s9, $0x2;
	v1 =	vmul.f32 v19, v5;
	[tilespmem:s17+$0x10A60] =	vst.add.f32.msk $0xffff, v2  }
0xc5: {  	v2 =	vmul.f32 v21, v13;
	[tilespmem:s9+$0x10A00] =	vst.add.f32.msk $0xffff, v3  }
0xc6: {  	v3 =	vmul.f32 v23, v13;
	[tilespmem:s17+$0x10A70] =	vst.add.f32.msk $0xffff, v1  }
0xc7: {  	s10 =	ssub.s32 s10, s3;
	v5 =	vmul.f32 v24, v13;
	[tilespmem:s9+$0x10A10] =	vst.add.f32.msk $0xffff, v2  }
0xc8: {  	v63 =	vmul.f32 v31, v14;
	s10 =	sshll.u32 s10, $0x9;
	[tilespmem:s9+$0x10A30] =	vst.add.f32.msk $0xffff, v3  }
0xc9: {  	v1 =	vmul.f32 v22, v13;
	v2 =	vmul.f32 v6, v7;
	[tilespmem:s9+$0x10A40] =	vst.add.f32.msk $0xffff, v5;
	s17 =	sshra.s32 s10, $0x2  }
0xca: {  	v6 =	vmul.f32 v26, v13;
	v3 =	vmul.f32 v8, v7;
	[tilespmem:s17+$0x10A30] =	vst.add.f32.msk $0xffff, v63  }
0xcb: {  	s8 =	sadd.s32 $0x4, s8;
	v8 =	vmul.f32 v27, v13;
	v5 =	vmul.f32 v10, v7;
	[tilespmem:s9+$0x10A20] =	vst.add.f32.msk $0xffff, v1  }
0xcc: {  	p1 =	slt.s32 s8, s19;
	v10 =	vmul.f32 v29, v14;
	v1 =	vmul.f32 v7, v4;
	[tilespmem:s9+$0x10A60] =	vst.add.f32.msk $0xffff, v6  }
.Ltmp9:
0xcd: {  	v4 =	vmul.f32 v25, v13;
	[tilespmem:s9+$0x10A70] =	vst.add.f32.msk $0xffff, v8;
	v6 =	vmul.f32 v11, v7;
	(pc) =	sbr.rel @!p1 .LBB2_10-.Ltmp9, $4  }
0xce: {  	v11 =	vmul.f32 v30, v14;
	[tilespmem:s17+$0x10A10] =	vst.add.f32.msk $0xffff, v10;
	v8 =	vmul.f32 v32, v14  }
0xcf: {  	[tilespmem:s9+$0x10A50] =	vst.add.f32.msk $0xffff, v4;
	v4 =	vmul.f32 v9, v7;
	v9 =	vmul.f32 v14, v28  }
0xd0: {  	v10 =	vmul.f32 v34, v14;
	v7 =	vmul.f32 v12, v7;
	[tilespmem:s17+$0x10A20] =	vst.add.f32.msk $0xffff, v11  }
0xd1: {  	s14 =	sadd.s32 $0x4, s14;
	v11 =	vmul.f32 v62, v14;
	[tilespmem:s17+$0x10A00] =	vst.add.f32.msk $0xffff, v9;
	v9 =	vmul.f32 v33, v14  }
.LBB2_9:
0xd2: {  	v12 =	vld [tilespmem:s14+$0x3];
	s8 =	sadd.s32 $0x4, s8  }
0xd3: {  	v13 =	vld [tilespmem:s14+$0x1];
	p1 =	slt.s32 s8, s19  }
0xd4: {  	v14 =	vld [tilespmem:s14+$0x2]  }
0xd5: {  	v15 =	vld [tilespmem:s14+$0x0]  }
0xd6: {  	[tilespmem:s17+$0x10A40] =	vst.add.f32.msk $0xffff, v8  }
0xd7: {  	(v2sf) =	vpush v12, $0x0;
	[tilespmem:s17+$0x10A50] =	vst.add.f32.msk $0xffff, v9  }
0xd8: {  	(v2sf) =	vpush v13, $0x0;
	[tilespmem:s17+$0x10A60] =	vst.add.f32.msk $0xffff, v10  }
0xd9: {  	(v2sf) =	vpush v14, $0x0;
	[tilespmem:s17+$0x10A70] =	vst.add.f32.msk $0xffff, v11  }
0xda: {  	(v2sf) =	vpush v15, $0x0;
	[tilespmem:s22+$0x10A00] =	vst.add.f32.msk $0xffff, v1  }
0xdb: {  	[tilespmem:s22+$0x10A10] =	vst.add.f32.msk $0xffff, v2  }
0xdc: {  	[tilespmem:s22+$0x10A20] =	vst.add.f32.msk $0xffff, v3  }
0xdd: {  	[tilespmem:s22+$0x10A30] =	vst.add.f32.msk $0xffff, v4  }
0xde: {  	[tilespmem:s22+$0x10A40] =	vst.add.f32.msk $0xffff, v5  }
0xdf: {  	[tilespmem:s22+$0x10A50] =	vst.add.f32.msk $0xffff, v6  }
0xe0: {  	s7 =	sadd.s32 $0x200, s7;
	[tilespmem:s22+$0x10A60] =	vst.add.f32.msk $0xffff, v7  }
0xe1: {  	s20 =	sadd.s32 $0x4, s20;
	v1 =	vld [tilespmem:s7+$0x110]  }
0xe2: {  	v7 =	vld.msk [tilespmem:s20+$0x3 ss:$0x0], $0xffff  }
0xe3: {  	v2 =	vld [tilespmem:s7+$0x180]  }
0xe4: {  	v3 =	vld [tilespmem:s7+$0x120]  }
0xe5: {  	v4 =	vld [tilespmem:s7+$0x130]  }
0xe6: {  	v5 =	vld [tilespmem:s7+$0x140];
	s9 =	spop (v2sf)  }
0xe7: {  	s9 =	ssub.s32 s9, s3;
	v6 =	vld [tilespmem:s7+$0x150];
	s10 =	spop (v2sf)  }
0xe8: {  	v1 =	vmul.f32 v7, v1;
	s10 =	ssub.s32 s10, s3;
	v8 =	vld [tilespmem:s7+$0x160];
	s9 =	sshll.u32 s9, $0x9;
	v9 =	vmul.f32 v2, v7;
	s17 =	spop (v2sf)  }
0xe9: {  	s17 =	ssub.s32 s17, s3;
	v10 =	vld [tilespmem:s7+$0x170];
	s22 =	sshra.s32 s9, $0x2;
	v2 =	vmul.f32 v3, v7;
	s9 =	spop (v2sf)  }
0xea: {  	s10 =	sshll.u32 s10, $0x9;
	s9 =	ssub.s32 s9, s3;
	s17 =	sshll.u32 s17, $0x9;
	v3 =	vmul.f32 v4, v7;
	[tilespmem:s22+$0x10A70] =	vst.add.f32.msk $0xffff, v9  }
0xeb: {  	v9 =	vld.msk [tilespmem:s20+$0x0 ss:$0x0], $0xffff;
	s12 =	sshll.u32 s9, $0x9;
	s9 =	sshra.s32 s10, $0x2;
	s17 =	sshra.s32 s17, $0x2;
	v4 =	vmul.f32 v5, v7  }
0xec: {  	s10 =	sshra.s32 s12, $0x2;
	v11 =	vld.msk [tilespmem:s20+$0x1 ss:$0x0], $0xffff;
	v5 =	vmul.f32 v6, v7  }
0xed: {  	v12 =	vld.msk [tilespmem:s20+$0x2 ss:$0x0], $0xffff;
	v6 =	vmul.f32 v8, v7  }
0xee: {  	v8 =	vld [tilespmem:s7+$0xFFFFFF90];
	v7 =	vmul.f32 v10, v7  }
0xef: {  	v10 =	vld [tilespmem:s7+$0xFFFFFFA0]  }
0xf0: {  	v13 =	vld [tilespmem:s7+$0xFFFFFFB0]  }
0xf1: {  	v14 =	vld [tilespmem:s7+$0xFFFFFFC0]  }
0xf2: {  	v15 =	vld [tilespmem:s7+$0xFFFFFFD0]  }
0xf3: {  	v16 =	vld [tilespmem:s7+$0xFFFFFFE0];
	v8 =	vmul.f32 v9, v8  }
0xf4: {  	v17 =	vld [tilespmem:s7+$0xFFFFFFF0];
	v10 =	vmul.f32 v10, v9  }
0xf5: {  	v18 =	vld [tilespmem:s7+$0x0];
	v13 =	vmul.f32 v13, v9  }
0xf6: {  	v14 =	vmul.f32 v14, v9;
	v19 =	vld [tilespmem:s7+$0x10]  }
0xf7: {  	v15 =	vmul.f32 v15, v9;
	v20 =	vld [tilespmem:s7+$0x20]  }
0xf8: {  	v16 =	vmul.f32 v16, v9;
	v21 =	vld [tilespmem:s7+$0x30]  }
0xf9: {  	v17 =	vmul.f32 v17, v9;
	v22 =	vld [tilespmem:s7+$0x40]  }
0xfa: {  	v18 =	vmul.f32 v18, v9;
	v9 =	vld [tilespmem:s7+$0x50]  }
0xfb: {  	v23 =	vld [tilespmem:s7+$0x60];
	v19 =	vmul.f32 v11, v19  }
0xfc: {  	v24 =	vld [tilespmem:s7+$0x70];
	v20 =	vmul.f32 v20, v11  }
0xfd: {  	v25 =	vld [tilespmem:s7+$0x80];
	v21 =	vmul.f32 v21, v11  }
0xfe: {  	v22 =	vmul.f32 v22, v11;
	v26 =	vld [tilespmem:s7+$0x90]  }
0xff: {  	v27 =	vmul.f32 v9, v11;
	v9 =	vld [tilespmem:s7+$0xA0]  }
0x100: {  	v23 =	vmul.f32 v23, v11;
	v28 =	vld [tilespmem:s7+$0xB0]  }
0x101: {  	v24 =	vmul.f32 v24, v11;
	v29 =	vld [tilespmem:s7+$0xC0]  }
0x102: {  	v25 =	vmul.f32 v25, v11;
	v11 =	vld [tilespmem:s7+$0xD0]  }
0x103: {  	v30 =	vld [tilespmem:s7+$0xE0];
	v26 =	vmul.f32 v12, v26  }
0x104: {  	v31 =	vld [tilespmem:s7+$0xF0];
	v32 =	vmul.f32 v9, v12  }
0x105: {  	v33 =	vld [tilespmem:s7+$0x100];
	v28 =	vmul.f32 v28, v12  }
0x106: {  	[tilespmem:s10+$0x10A00] =	vst.add.f32.msk $0xffff, v8;
	v29 =	vmul.f32 v29, v12  }
0x107: {  	[tilespmem:s10+$0x10A10] =	vst.add.f32.msk $0xffff, v10;
	v8 =	vmul.f32 v11, v12  }
0x108: {  	[tilespmem:s10+$0x10A20] =	vst.add.f32.msk $0xffff, v13;
	v9 =	vmul.f32 v30, v12  }
0x109: {  	[tilespmem:s10+$0x10A30] =	vst.add.f32.msk $0xffff, v14;
	v10 =	vmul.f32 v31, v12  }
0x10a: {  	[tilespmem:s10+$0x10A40] =	vst.add.f32.msk $0xffff, v15;
	v11 =	vmul.f32 v33, v12  }
0x10b: {  	[tilespmem:s10+$0x10A50] =	vst.add.f32.msk $0xffff, v16  }
0x10c: {  	[tilespmem:s10+$0x10A60] =	vst.add.f32.msk $0xffff, v17  }
0x10d: {  	[tilespmem:s10+$0x10A70] =	vst.add.f32.msk $0xffff, v18  }
0x10e: {  	[tilespmem:s9+$0x10A00] =	vst.add.f32.msk $0xffff, v19  }
0x10f: {  	[tilespmem:s9+$0x10A10] =	vst.add.f32.msk $0xffff, v20  }
0x110: {  	[tilespmem:s9+$0x10A20] =	vst.add.f32.msk $0xffff, v21  }
0x111: {  	[tilespmem:s9+$0x10A30] =	vst.add.f32.msk $0xffff, v22  }
0x112: {  	[tilespmem:s9+$0x10A40] =	vst.add.f32.msk $0xffff, v27  }
0x113: {  	[tilespmem:s9+$0x10A50] =	vst.add.f32.msk $0xffff, v23  }
0x114: {  	[tilespmem:s9+$0x10A60] =	vst.add.f32.msk $0xffff, v24  }
.Ltmp10:
0x115: {  	[tilespmem:s9+$0x10A70] =	vst.add.f32.msk $0xffff, v25;
	(pc) =	sbr.rel @p1 .LBB2_9-.Ltmp10, $4  }
0x116: {  	[tilespmem:s17+$0x10A00] =	vst.add.f32.msk $0xffff, v26  }
0x117: {  	[tilespmem:s17+$0x10A10] =	vst.add.f32.msk $0xffff, v32  }
0x118: {  	[tilespmem:s17+$0x10A20] =	vst.add.f32.msk $0xffff, v28  }
0x119: {  	s14 =	sadd.s32 $0x4, s14;
	[tilespmem:s17+$0x10A30] =	vst.add.f32.msk $0xffff, v29  }
.LBB2_10:
0x11a: {  	[tilespmem:s17+$0x10A40] =	vst.add.f32.msk $0xffff, v8  }
0x11b: {  	[tilespmem:s17+$0x10A60] =	vst.add.f32.msk $0xffff, v10  }
0x11c: {  	[tilespmem:s22+$0x10A00] =	vst.add.f32.msk $0xffff, v1  }
0x11d: {  	[tilespmem:s22+$0x10A10] =	vst.add.f32.msk $0xffff, v2  }
0x11e: {  	[tilespmem:s22+$0x10A20] =	vst.add.f32.msk $0xffff, v3  }
0x11f: {  	[tilespmem:s22+$0x10A30] =	vst.add.f32.msk $0xffff, v4  }
0x120: {  	[tilespmem:s22+$0x10A40] =	vst.add.f32.msk $0xffff, v5  }
0x121: {  	[tilespmem:s22+$0x10A50] =	vst.add.f32.msk $0xffff, v6  }
0x122: {  	[tilespmem:s22+$0x10A60] =	vst.add.f32.msk $0xffff, v7  }
0x123: {  	[tilespmem:s17+$0x10A50] =	vst.add.f32.msk $0xffff, v9  }
0x124: {  	[tilespmem:s17+$0x10A70] =	vst.add.f32.msk $0xffff, v11  }
.LBB2_11:
0x125: {  	p1 =	sge.s32 s19, s15  }
.Ltmp11:
0x126: {  	_ = 	snop;
	(pc) =	sbr.rel @p1 .LBB2_6-.Ltmp11, $1  }
0x127: {  	_ =	sdelay $0x3  }
0x128: {  	s7 =	sadd.s32 $0x100, s23  }
0x129: {  	p1 =	slt.s32 s28, s7  }
0x12a: {  	s6 =	ssub.s32 s6, s11;
	s7 =	smov.u32 @p1 s28  }
0x12b: {  	s9 =	sadd.s32 s23, s6;
	s8 =	sadd.s32 s18, s7;
	s7 =	sadd.s32 s16, s7  }
0x12c: {  	s8 =	ssub.s32 s8, s9;
	s7 =	ssub.s32 s7, s9  }
0x12d: {  	s8 =	sshll.u32 s8, $0x2;
	s7 =	sshll.u32 s7, $0x9  }
0x12e: {  	s8 =	sshra.s32 s8, $0x2;
	s23 =	sshra.s32 s7, $0x2  }
0x12f: {  	s7 =	sadd.s32 $0x500, s8;
	s8 =	sadd.s32 $0x780, s8;
	s9 =	sadd.s32 $0xA40, s23  }
.LBB2_13:
0x130: {  	v1 =	vld [tilespmem:s8+$0x0];
	_ =	sdelay $0x4  }
0x131: {  	(v2sf) =	vpush v1, $0x0;
	_ =	sdelay $0x9  }
0x132: {  	v2 =	vld [tilespmem:s9+$0xFFFFFFD0]  }
0x133: {  	v3 =	vld.msk [tilespmem:s7+$0x0 ss:$0x0], $0xffff  }
0x134: {  	v1 =	vld [tilespmem:s9+$0xFFFFFFC0]  }
0x135: {  	v4 =	vld [tilespmem:s9+$0xFFFFFFE0]  }
0x136: {  	v5 =	vld [tilespmem:s9+$0xFFFFFFF0]  }
0x137: {  	v6 =	vld [tilespmem:s9+$0x0];
	s10 =	spop (v2sf)  }
0x138: {  	v7 =	vld [tilespmem:s9+$0x10];
	s10 =	ssub.s32 s10, s3  }
0x139: {  	v8 =	vld [tilespmem:s9+$0x20];
	v1 =	vmul.f32 v3, v1;
	s10 =	sshll.u32 s10, $0x9  }
0x13a: {  	v9 =	vld [tilespmem:s9+$0x30];
	v2 =	vmul.f32 v2, v3;
	s10 =	sshra.s32 s10, $0x2  }
0x13b: {  	[tilespmem:s10+$0x10A00] =	vst.add.f32.msk $0xffff, v1;
	v1 =	vmul.f32 v4, v3  }
0x13c: {  	[tilespmem:s10+$0x10A10] =	vst.add.f32.msk $0xffff, v2;
	v2 =	vmul.f32 v5, v3  }
0x13d: {  	p1 =	seq.s32 s6, $0x1;
	[tilespmem:s10+$0x10A20] =	vst.add.f32.msk $0xffff, v1;
	v1 =	vmul.f32 v6, v3  }
.Ltmp12:
0x13e: {  	[tilespmem:s10+$0x10A30] =	vst.add.f32.msk $0xffff, v2;
	v2 =	vmul.f32 v7, v3;
	(pc) =	sbr.rel @!p1 .LBB2_13-.Ltmp12, $4  }
0x13f: {  	[tilespmem:s10+$0x10A40] =	vst.add.f32.msk $0xffff, v1;
	v1 =	vmul.f32 v8, v3  }
0x140: {  	[tilespmem:s10+$0x10A50] =	vst.add.f32.msk $0xffff, v2;
	v2 =	vmul.f32 v9, v3  }
0x141: {  	s7 =	sadd.s32 $0x1, s7;
	[tilespmem:s10+$0x10A60] =	vst.add.f32.msk $0xffff, v1  }
0x142: {  	s8 =	sadd.s32 $0x1, s8;
	s6 =	sadd.s32 $0xFFFFFFFF, s6;
	s9 =	sadd.s32 $0x80, s9;
	[tilespmem:s10+$0x10A70] =	vst.add.f32.msk $0xffff, v2  }
.Ltmp13:
0x143: {  	_ = 	snop;
	(pc) =	sbr.rel .LBB2_6-.Ltmp13, $1  }
0x144: {  	_ =	sdelay $0x3  }
.LBB2_16:
0x145: {  	_ =	sfence.sel $0x180000  }
0x146: {  	[bflag:$0x0] =	sbarrier.arrive $0xFFFF  }
0x147: {  	_ =	strace $0x9000004A  }
0x148: {  	s0 =	stileid.u32;
	[bflag:$0x2] =	sbarrier.arrive $0xFFFF  }
0x149: {  	p0 =	sne.s32 s0, $0x0;
	s0 =	rddreg [dreg:$0x6]  }
0x14a: {  	s0 =	sadd.s32 @!p0 $0x100000, s0  }
0x14b: {  	[sflag:s0] =	ssyncadd.tile.s32 @!p0 $0x1;
	_ =	shalt  }
.Lfunc_end2:
_tile_overlayer_lowered:
.L_overlay_start_2:
0x14c: {  	(tag) =	ssettag $0x2  }
0x14d: {  	s0 =	rddreg [dreg:$0x0];
	s2 =	stileid.u32  }
0x14e: {  	s1 =	rddreg [dreg:$0x1];
	p0 =	sne.s32 s2, $0x0  }
0x14f: {  	s3 =	rddreg [dreg:$0x2];
	[bflag:$0x3] =	sbarrier.arrive $0xFFFF;
	s2 =	simm.s32 @!p0 $0x1C03  }
0x150: {  	[timem:s3], [sflag:s2] =	dma.local @!p0 [hbm:s0], s1  }
0x151: {  	s0 =	simm.s32 @!p0 $0x3  }
0x152: {  	_ =	swait.ge @!p0 [sflag:s0], s1  }
0x153: {  	s1 =	ssub.s32 @!p0 $0x0, s1;
	[sflag:s0] =	ssyncset.done @!p0 $0x0  }
0x154: {  	[sflag:s0] =	ssyncadd.s32 @!p0 s1  }
0x155: {  	[bflag:$0x3] =	sbarrier.arrive $0xFFFF  }
0x156: {  	_ =	shalt  }

// kernel: scatter_offload_async_start
scs
__scs_entry_jumppad:
0x0: {  	(pc) =	sbr.rel $0x88, $3  }
0x1: {  	(tag) =	ssettag $0x0;
	lr =	simm.s32 $0x1  }
0x2: {  	[smem:$0x3F9B] =	sst lr;
	_ =	strace $0xD0000000  }
0x3: {  	_ = 	snop  }
0x4: {  	_ = 	snop  }
0x5: {  	_ = 	snop  }
0x6: {  	_ = 	snop  }
0x7: {  	_ = 	snop  }
__scs_overlays_trampoline_lowered:
0x8: {  	[smem:$0x3FAA] =	sst s0  }
0x9: {  	[smem:$0x3FAB] =	sst s1  }
0xa: {  	[smem:$0x3FAC] =	sst s2  }
0xb: {  	[smem:$0x3FAD] =	sst s3  }
0xc: {  	[smem:$0x3FAE] =	sst s4  }
0xd: {  	[smem:$0x3FAF] =	sst s5  }
0xe: {  	[smem:$0x3FB0] =	sst s6  }
0xf: {  	[smem:$0x3FB1] =	sst s7  }
0x10: {  	[smem:$0x3FB2] =	sst s8  }
0x11: {  	[smem:$0x3FB3] =	sst s9;
	s0 =	simm.s32 @!p0 $0x0  }
0x12: {  	s1 =	sld [smem:$0x3F99];
	s0 =	simm.s32 @p0 $0x1  }
0x13: {  	[smem:$0x3FB4] =	sst s0;
	s0 =	simm.s32 @!p1 $0x0  }
0x14: {  	s2 =	sld [smem:$0x3F98];
	s0 =	simm.s32 @p1 $0x1  }
0x15: {  	[smem:$0x3FB5] =	sst s0;
	s0 =	simm.s32 @!p2 $0x0  }
0x16: {  	s3 =	sld [smem:$0x3FDB];
	s0 =	simm.s32 @p2 $0x1  }
0x17: {  	s4 =	simm.s32 $0x1BF5;
	[smem:$0x3FB7] =	sst s0  }
0x18: {  	s0 =	sld [smem:$0x3F9A];
	_ =	swait.ge [sflag:s4], $0x0  }
0x19: {  	s7 =	sld [smem:$0x3F9B]  }
0x1a: {  	s8 =	sadd.s32 $0xFFFFE003, lr  }
0x1b: {  	s9 =	sadd.s32 $0xFFFFFEF7, lr;
	s5 =	simm.s32 $0xFFFFFFFF;
	p2 =	slt.u32 s8, $0xFFFFF086  }
0x1c: {  	p1 =	slt.u32 s9, $0xF7A;
	s5 =	simm.s32 @!p2 $0x0  }
0x1d: {  	s5 =	simm.s32 @p1 $0x1;
	p0 =	seq.s32 s7, s2  }
0x1e: {  	s7 =	smul.u32 @!p0 $0xF7A, s2;
	p2 =	seq.s32 @!p0 s5, $0x0  }
0x1f: {  	s9 =	smul.u32 $0xF7A, s1;
	s8 =	simm.s32 @!p0 $0x1BF5;
	p2 =	por !p2, p0  }
0x20: {  	[sflag:s8] =	ssyncset.s32 @!p0 $0xFFFFF086;
	s6 =	sadd.s32 @!p0 s3, s7;
	s7 =	simm.s32 @!p0 $0x108  }
0x21: {  	s3 =	sadd.s32 s3, s9;
	s6 =	sadd.s32 @!p0 $0x88, s6;
	s7 =	simm.s32 @p2 $0x1082  }
0x22: {  	[simem:s7], [sflag:s8] =	dma.local @!p0 [hbm:s6], $0xF7A  }
0x23: {  	s9 =	sor.u32 $0xD0000000, s2;
	s6 =	simm.s32 $0x108;
	_ =	swait.ge @!p0 [sflag:s8], $0x0  }
0x24: {  	s3 =	sadd.s32 $0x88, s3;
	s6 =	simm.s32 @!p1 $0x1082;
	[sflag:s4] =	ssyncset.s32 $0xFFFFF086  }
0x25: {  	[simem:s6], [sflag:s4] =	dma.local [hbm:s3], $0xF7A  }
0x26: {  	[smem:$0x3F9B] =	sst s1;
	(tag) =	ssettag s2;
	_ =	strace s9  }
0x27: {  	s1 =	sld [smem:$0x3FAB]  }
0x28: {  	s2 =	sld [smem:$0x3FAC]  }
0x29: {  	s4 =	sld [smem:$0x3FAE]  }
0x2a: {  	p0 =	seq.s32 s5, $0x0;
	s5 =	sld [smem:$0x3FAF]  }
0x2b: {  	s6 =	sld [smem:$0x3FB0]  }
0x2c: {  	s7 =	sld [smem:$0x3FB1]  }
0x2d: {  	s3 =	simm.s32 $0x108;
	s8 =	sld [smem:$0x3FB2]  }
0x2e: {  	s3 =	simm.s32 @!p0 $0x1082;
	s9 =	sld [smem:$0x3FB3]  }
0x2f: {  	lr =	sadd.s32 s0, s3;
	s0 =	sld [smem:$0x3FAA]  }
0x30: {  	s3 =	sld [smem:$0x3FAD]  }
0x31: {  	[smem:$0x3FB6] =	sst s10  }
0x32: {  	s10 =	sld [smem:$0x3FB4];
	_ =	sdelay $0x3  }
0x33: {  	p0 =	seq.s32 s10, $0x1;
	s10 =	sld [smem:$0x3FB6];
	_ =	sdelay $0x3  }
0x34: {  	[smem:$0x3FB6] =	sst s10  }
0x35: {  	s10 =	sld [smem:$0x3FB5];
	_ =	sdelay $0x3  }
0x36: {  	p1 =	seq.s32 s10, $0x1;
	s10 =	sld [smem:$0x3FB6];
	_ =	sdelay $0x3  }
0x37: {  	[smem:$0x3FB6] =	sst s10  }
0x38: {  	s10 =	sld [smem:$0x3FB7]  }
0x39: {  	_ = 	snop;
	(pc) =	sbr.ind lr, $3  }
0x3a: {  	_ = 	snop  }
0x3b: {  	_ = 	snop  }
0x3c: {  	p2 =	seq.s32 s10, $0x1;
	s10 =	sld [smem:$0x3FB6]  }
0x3d: {  	_ =	shalt  }
0x3e: {  	_ =	shalt  }
0x3f: {  	_ =	shalt  }
0x40: {  	_ =	shalt  }
0x41: {  	_ =	shalt  }
0x42: {  	_ =	shalt  }
0x43: {  	_ =	shalt  }
0x44: {  	_ =	shalt  }
0x45: {  	_ =	shalt  }
0x46: {  	_ =	shalt  }
0x47: {  	_ =	shalt  }
0x48: {  	_ =	shalt  }
0x49: {  	_ =	shalt  }
0x4a: {  	_ =	shalt  }
0x4b: {  	_ =	shalt  }
0x4c: {  	_ =	shalt  }
0x4d: {  	_ =	shalt  }
0x4e: {  	_ =	shalt  }
0x4f: {  	_ =	shalt  }
0x50: {  	_ =	shalt  }
0x51: {  	_ =	shalt  }
0x52: {  	_ =	shalt  }
0x53: {  	_ =	shalt  }
0x54: {  	_ =	shalt  }
0x55: {  	_ =	shalt  }
0x56: {  	_ =	shalt  }
0x57: {  	_ =	shalt  }
0x58: {  	_ =	shalt  }
0x59: {  	_ =	shalt  }
0x5a: {  	_ =	shalt  }
0x5b: {  	_ =	shalt  }
0x5c: {  	_ =	shalt  }
0x5d: {  	_ =	shalt  }
0x5e: {  	_ =	shalt  }
0x5f: {  	_ =	shalt  }
0x60: {  	_ =	shalt  }
0x61: {  	_ =	shalt  }
0x62: {  	_ =	shalt  }
0x63: {  	_ =	shalt  }
0x64: {  	_ =	shalt  }
0x65: {  	_ =	shalt  }
0x66: {  	_ =	shalt  }
0x67: {  	_ =	shalt  }
0x68: {  	_ =	shalt  }
0x69: {  	_ =	shalt  }
0x6a: {  	_ =	shalt  }
0x6b: {  	_ =	shalt  }
0x6c: {  	_ =	shalt  }
0x6d: {  	_ =	shalt  }
0x6e: {  	_ =	shalt  }
0x6f: {  	_ =	shalt  }
0x70: {  	_ =	shalt  }
0x71: {  	_ =	shalt  }
0x72: {  	_ =	shalt  }
0x73: {  	_ =	shalt  }
0x74: {  	_ =	shalt  }
0x75: {  	_ =	shalt  }
0x76: {  	_ =	shalt  }
0x77: {  	_ =	shalt  }
0x78: {  	_ =	shalt  }
0x79: {  	_ =	shalt  }
0x7a: {  	_ =	shalt  }
0x7b: {  	_ =	shalt  }
0x7c: {  	_ =	shalt  }
0x7d: {  	_ =	shalt  }
0x7e: {  	_ =	shalt  }
0x7f: {  	_ =	shalt  }
0x80: {  	_ =	shalt  }
0x81: {  	_ =	shalt  }
0x82: {  	_ =	shalt  }
0x83: {  	_ =	shalt  }
0x84: {  	_ =	shalt  }
0x85: {  	_ =	shalt  }
0x86: {  	_ =	shalt  }
0x87: {  	_ =	shalt  }
.Lfunc_end0:
.L_simem_size_0:
called_computation_lowered:
.L_overlay_start_0:
0x88: {  	s0 =	sld [smem:$0x3FD9]  }
0x89: {  	s1 =	sld [smem:$0x3FFE];
	_ =	sdelay $0x3  }
0x8a: {  	s0 =	sadd.s32 s1, s0  }
0x8b: {  	[smem:$0x3FC2] =	sst s0  }
0x8c: {  	_ = 	snop  }
0x8d: {  	s0 =	sld [smem:$0x3FD0];
	(tm) =	ssettm $0x1  }
0x8e: {  	s16 =	sld [smem:$0x3FFB];
	_ =	sdelay $0x3  }
0x8f: {  	_ =	strace s16  }
0x90: {  	s1 =	sld [smem:$0x3FFC];
	_ =	sdelay $0x3  }
0x91: {  	_ =	strace s1  }
0x92: {  	s1 =	sld [smem:$0x3FFD];
	_ =	sdelay $0x3  }
0x93: {  	_ =	strace s1  }
0x94: {  	_ =	strace $0x8FFFFFFF  }
0x95: {  	s17 =	sld [smem:$0x3FDB];
	_ =	sdelay $0x1  }
0x96: {  	s2 =	simm.s32 $_scs_section_size  }
0x97: {  	s3 =	simm.s32 $_size__tile_overlayer_lowered;
	s4 =	simm.s32 $_tile_overlayer_lowered  }
0x98: {  	s20 =	simm.s32 $0x1BFF;
	s19 =	sshll.u32 s4, $0x1;
	s1 =	sadd.s32 s2, s17  }
0x99: {  	s5 =	simm.s32 $0x0;
	s18 =	sshll.u32 s3, $0x1;
	s3 =	sadd.s32 s19, s1  }
0x9a: {  	[timem:s5], [sflag:s20] =	dma.local [hbm:s3], s18  }
0x9b: {  	_ =	swait.ge [sflag:s20], s18  }
0x9c: {  	s2 =	ssub.s32 $0x0, s18;
	[sflag:s20] =	ssyncset.done $0x0  }
0x9d: {  	[sflag:s20] =	ssyncadd.s32 s2;
	_ =	sdelay $0x1  }
0x9e: {  	s21 =	simm.s32 $0x1B8B  }
0x9f: {  	_ =	swait.ge [sflag:s21], $0x1  }
0xa0: {  	[sflag:s21] =	ssyncset.done $0x0  }
0xa1: {  	s23 =	simm.s32 $0x1B8E;
	s22 =	sld [smem:$0x3FFE];
	[sflag:s21] =	ssyncadd.s32 $0xFFFFFFFF  }
0xa2: {  	s24 =	simm.s32 $execute0_lowered;
	[smem:$0x3FD2] =	sst s23  }
0xa3: {  	s3 =	sshll.u32 s24, $0x1;
	_ =	strace $0x80000046;
	[dreg:$0x1] =	wrdreg $0xFFFFFFFF  }
0xa4: {  	s25 =	simm.s32 $_size_execute0_lowered;
	s1 =	sadd.s32 s1, s3;
	[dreg:$0x0] =	wrdreg $0x0  }
0xa5: {  	s3 =	sshll.u32 s25, $0x1;
	[dreg:$0x2] =	wrdreg s1  }
0xa6: {  	[dreg:$0x3] =	wrdreg s3  }
0xa7: {  	[dreg:$0x4] =	wrdreg $0xC0  }
0xa8: {  	_ =	task [dreg:s5], $0x5FFFF  }
0xa9: {  	[dreg:$0x1] =	wrdreg $0xFFFFFFFF  }
0xaa: {  	[dreg:$0x0] =	wrdreg $0x60  }
0xab: {  	[dreg:$0x2] =	wrdreg s22  }
0xac: {  	[dreg:$0x3] =	wrdreg s0  }
0xad: {  	[dreg:$0x4] =	wrdreg $0x9  }
0xae: {  	_ =	task.clear_ibuf [dreg:s5], $0x5FFFF;
	_ =	strace $0x90000046  }
0xaf: {  	s26 =	simm.s32 $0x9;
	_ =	strace $0x80000048  }
0xb0: {  	_ =	swait.ge [sflag:s26], $0x1  }
0xb1: {  	[sflag:s26] =	ssyncadd.s32 $0xFFFFFFFF  }
0xb2: {  	_ =	strace $0x90000048  }
0xb3: {  	_ =	sfence  }
0xb4: {  	s28 =	sld [smem:$0x0];
	_ =	sdelay $0x1  }
0xb5: {  	s29 =	srdreg.scid  }
0xb6: {  	s30 =	sshll.u32 s29, $0xD;
	s31 =	sshrl.u32 s29, $0x2  }
0xb7: {  	s2 =	sand.u32 $0x4000, s30;
	s1 =	sand.u32 $0x1, s29;
	s0 =	sadd.s32 s31, s28  }
0xb8: {  	s1 =	sor.u32 s2, s1;
	s0 =	sshll.u32 s0, $0x11  }
0xb9: {  	s0 =	sor.u32 s0, s1  }
0xba: {  	s0 =	sadd.s32 $0x8F2B, s0  }
0xbb: {  	[sflag:s0] =	ssyncadd.remote.s32 $0x1  }
0xbc: {  	_ =	sfence.sel $0xFFFF  }
0xbd: {  	[dreg:$0x0] =	wrdreg $0xFFFFFFFF;
	(pc) =	sbr.abs _section_cstart, $3  }
0xbe: {  	[dreg:$0x1] =	wrdreg $0xFFFFFFFF  }
0xbf: {  	_ =	task.clear_ibuf [dreg:s5], $0x2FFFF;
	_ =	strace $0x9FFFFFFF  }
0xc0: {  	(tm) =	ssettm $0x7FFFFFFF  }
0xc1: {  	_ =	shalt  }
tec
execute0_lowered:
.L_overlay_start_1:
0x0: {  	(tag) =	ssettag $0x1  }
0x1: {  	s1 =	rddreg [dreg:$0x0]  }
0x2: {  	s2 =	rddreg [dreg:$0x1]  }
0x3: {  	s0 =	rddreg [dreg:$0x2];
	s4 =	stileid.u32  }
0x4: {  	_ =	strace $0x80000047;
	s3 =	simm.s32 $0x3E;
	p0 =	sne.s32 s4, $0x0  }
0x5: {  	[sflag:s3] =	ssyncpa.u1 $0x0;
	s5 =	simm.s32 @!p0 $0x1C3E;
	s6 =	simm.s32 @!p0 $0x0  }
0x6: {  	[spmem:s6], [sflag:s5] =	dma.local @!p0 [hbm:s1], $0x80  }
0x7: {  	s5 =	simm.s32 @!p0 $0x3E  }
0x8: {  	_ =	swait.ge @!p0 [sflag:s5], $0x80  }
0x9: {  	[sflag:s5] =	ssyncset.done @!p0 $0x0  }
.Ltmp0:
0xa: {  	s7 =	simm.s32 $0x2;
	[sflag:s5] =	ssyncadd.s32 @!p0 $0xFFFFFF80;
	(pc) =	sbr.rel .LBB2_1-.Ltmp0, $4  }
0xb: {  	s8 =	simm.s32 $0x0;
	s4 =	smul.u32 $0x27100, s4;
	[bflag:$0x0] =	sbarrier.arrive $0xFFFF  }
0xc: {  	s9 =	simm.s32 $0x0;
	[sflag:s3] =	ssyncpa.u1 $0x1;
	s3 =	simm.s32 $0x1  }
0xd: {  	s6 =	sadd.s32 $0x27100, s4;
	s10 =	smov.u32 s4;
	[sflag:s3] =	ssyncpa.u1 $0x0  }
0xe: {  	vm0 =	vmmov $0xffff;
	s5 =	sadd.s32 $0x200, s1;
	(ifvalue) =	ssetifvalue $0x400;
	[sflag:s7] =	ssyncpa.u1 $0x0  }
.LBB2_5:
0xf: {  	s9 =	sadd.s32 $0x1, s9  }
0x10: {  	p2 =	sne.s32 s9, $0x15  }
.Ltmp1:
0x11: {  	_ = 	snop;
	(pc) =	sbr.rel @!p2 .LBB2_6-.Ltmp1, $4  }
0x12: {  	_ = 	snop  }
0x13: {  	s11 =	sadd.s32 $0x1F40, s10  }
0x14: {  	s10 =	smov.u32 s4;
	p1 =	slt.s32 s11, s6  }
0x15: {  	s10 =	smov.u32 @p1 s11  }
.LBB2_1:
0x16: {  	p1 =	seq.s32 s9, $0x14  }
0x17: {  	s11 =	sxor.u32 @!p1 $0xFFFFFFFF, s9  }
0x18: {  	s11 =	sand.u32 @!p1 $0x1, s11  }
0x19: {  	s11 =	smul.u32 @!p1 $0x1F40, s11  }
0x1a: {  	s12 =	sshrl.u32 @!p1 s10, $0x3  }
0x1b: {  	s15 =	sand.u32 @!p1 $0x7, s10;
	s13 =	sadd.s32 @!p1 s2, s12;
	s14 =	sadd.s32 @!p1 $0x40, s11  }
0x1c: {  	[tilespmem:s14], [sflag:$0x2] =	stream.linear.gather @!p1 [hbm4b:s13+s15], $0x1F40, $0x38;
	[tilespmem:$0x7D40] =	vst v63  }
0x1d: {  	p2 =	seq.s32 @!p1 s9, $0x0;
	s12 =	sadd.s32 @!p1 s5, s12;
	s11 =	sadd.s32 @!p1 $0x3EC0, s11  }
0x1e: {  	[tilespmem:s11], [sflag:$0x2] =	stream.linear.gather @!p1 [hbm4b:s12+s15], $0x1F40, $0x38;
	[tilespmem:$0x7D40] =	vst v63  }
0x1f: {  	p1 =	por p1, !p2  }
.Ltmp2:
0x20: {  	_ = 	snop;
	(pc) =	sbr.rel @!p1 .LBB2_5-.Ltmp2, $1  }
0x21: {  	_ =	sdelay $0x3  }
0x22: {  	s11 =	sand.u32 $0x1, s9  }
0x23: {  	_ =	swait.ge [sflag:s7], $0x3E80;
	p1 =	seq.s32 s11, $0x1;
	s11 =	simm.s32 $0x1F40  }
0x24: {  	[sflag:s7] =	ssyncset.done $0x0;
	s11 =	simm.s32 @!p1 $0x0  }
0x25: {  	[sflag:s7] =	ssyncadd.s32 $0xFFFFC180;
	s13 =	sadd.s32 $0x40, s11  }
0x26: {  	v0 =	vld.msk [tilespmem:s13+$0x0 ss:$0x1], $0xffff;
	_ =	sdelay $0x4  }
0x27: {  	v0 =	vmin.u32 v0, $0x400;
	_ =	sdelay $0x3  }
0x28: {  	s12 =	simm.s32 $0x0;
	s11 =	sadd.s32 $0x3EC0, s11;
	s13 =	sadd.s32 $0x10, s13  }
0x29: {  	[spmem:s8] =	stream.indirect_vreg.scatter.add.s32 [tilespmem:s11], [sflag:$0x1], $0x1, v0, vm0, $0x4038;
	[tilespmem:$0x7D40] =	vst v63  }
.LBB2_3:
0x2a: {  	v0 =	vld.msk [tilespmem:s13+$0x0 ss:$0x1], $0xffff;
	s12 =	sadd.s32 $0x10, s12  }
0x2b: {  	p1 =	slt.u32 s12, $0x1F30;
	_ =	sdelay $0x4  }
0x2c: {  	v0 =	vmin.u32 v0, $0x400  }
.Ltmp3:
0x2d: {  	(pc) =	sbr.rel @p1 .LBB2_3-.Ltmp3, $3  }
0x2e: {  	_ =	sdelay $0x1  }
0x2f: {  	s13 =	sadd.s32 $0x10, s13;
	s11 =	sadd.s32 $0x10, s11  }
0x30: {  	[spmem:s8] =	stream.indirect_vreg.scatter.add.s32 [tilespmem:s11], [sflag:$0x1], $0x1, v0, vm0, $0x4038;
	[tilespmem:$0x7D40] =	vst v63  }
.Ltmp4:
0x31: {  	(pc) =	sbr.rel .LBB2_5-.Ltmp4, $4  }
0x32: {  	_ = 	snop  }
0x33: {  	_ =	swait.ge [sflag:s3], $0x1F40  }
0x34: {  	[sflag:s3] =	ssyncset.done $0x0  }
0x35: {  	[sflag:s3] =	ssyncadd.s32 $0xFFFFE0C0  }
.LBB2_6:
0x36: {  	_ =	sfence.sel $0x180000  }
0x37: {  	s2 =	simm.s32 $0x2;
	[bflag:$0x0] =	sbarrier.arrive $0xFFFF  }
0x38: {  	s30 =	simm.s32 $0x1;
	[sflag:s2] =	ssyncpa.u1 $0x1  }
0x39: {  	[sflag:s30] =	ssyncpa.u1 $0x1  }
0x3a: {  	_ =	sfence.stream.spmem  }
0x3b: {  	s31 =	simm.s32 $0x3D;
	[bflag:$0x0] =	sbarrier.arrive $0xFFFF  }
0x3c: {  	s2 =	simm.s32 @p0 $0x3D;
	[sflag:s31] =	ssyncpa.u1 $0x0  }
0x3d: {  	[sflag:s2] =	ssyncpa.u1 @p0 $0x1  }
0x3e: {  	[bflag:$0x0] =	sbarrier.arrive @p0 $0xFFFF  }
0x3f: {  	_ =	strace @p0 $0x90000047  }
0x40: {  	s3 =	simm.s32 @!p0 $0x1C3D;
	s2 =	simm.s32 @!p0 $0x0;
	[bflag:$0x2] =	sbarrier.arrive @p0 $0xFFFF  }
0x41: {  	[hbm:s1], [sflag:s3] =	dma.local @!p0 [spmem:s2], $0x80  }
0x42: {  	s1 =	simm.s32 @!p0 $0x3D  }
0x43: {  	_ =	swait.ge @!p0 [sflag:s1], $0x80  }
0x44: {  	[sflag:s1] =	ssyncset.done @!p0 $0x0  }
0x45: {  	[sflag:s1] =	ssyncadd.s32 @!p0 $0xFFFFFF80  }
0x46: {  	[sflag:s1] =	ssyncpa.u1 @!p0 $0x1  }
0x47: {  	[bflag:$0x0] =	sbarrier.arrive @!p0 $0xFFFF  }
0x48: {  	_ =	strace @!p0 $0x90000047  }
0x49: {  	s0 =	sadd.s32 @!p0 $0x100000, s0;
	[bflag:$0x2] =	sbarrier.arrive @!p0 $0xFFFF  }
0x4a: {  	[sflag:s0] =	ssyncadd.tile.s32 @!p0 $0x1;
	_ =	shalt  }
.Lfunc_end2:
_tile_overlayer_lowered:
.L_overlay_start_2:
0x4b: {  	(tag) =	ssettag $0x2  }
0x4c: {  	s0 =	rddreg [dreg:$0x0];
	s2 =	stileid.u32  }
0x4d: {  	s1 =	rddreg [dreg:$0x1];
	p0 =	sne.s32 s2, $0x0  }
0x4e: {  	s3 =	rddreg [dreg:$0x2];
	[bflag:$0x3] =	sbarrier.arrive $0xFFFF;
	s2 =	simm.s32 @!p0 $0x1C01  }
0x4f: {  	[timem:s3], [sflag:s2] =	dma.local @!p0 [hbm:s0], s1  }
0x50: {  	s0 =	simm.s32 @!p0 $0x1  }
0x51: {  	_ =	swait.ge @!p0 [sflag:s0], s1  }
0x52: {  	s1 =	ssub.s32 @!p0 $0x0, s1;
	[sflag:s0] =	ssyncset.done @!p0 $0x0  }
0x53: {  	[sflag:s0] =	ssyncadd.s32 @!p0 s1  }
0x54: {  	[bflag:$0x3] =	sbarrier.arrive $0xFFFF  }
0x55: {  	_ =	shalt  }

</sc_bundles>
